<compile_context>
chip_gen: v7x
topology: tpu7x:2x2x1
jax: 0.10.2.dev20260603
libtpu: 0.0.44.dev20260713+nightly
codegen_flags: <defaults>
</compile_context>

<pallas_src>
import functools

import jax
import jax.numpy as jnp
from jax import lax
from jax.experimental import pallas as pl
from jax.experimental.pallas import tpu as pltpu
from jax.experimental.pallas import tpu_sc as plsc

_L = 16
_D = 128
_D_IN = 260
_N = 100000
_CHUNK = 125
_BUFROWS = 136
_NW = 32
_PER_W = 7
_SC_ROWS = _NW * _PER_W * _CHUNK
_TC_ROWS = _N - _SC_ROWS
_TC_BLK = 8000
_WSTRIDE = 880


def _sc_scores_body(hv_hbm, w1a_hbm, w2d_hbm, out_hbm,
                    buf0, buf1, buf2, w1buf, w2buf, va2buf, sbuf,
                    semw, sem0, sem1, sem2):
    wid = lax.axis_index("s") * 2 + lax.axis_index("c")
    iota = lax.iota(jnp.int32, _L)
    first = wid * _PER_W

    def chunk_src(t):
        start = _TC_ROWS + (first + t) * _CHUNK
        aligned = pl.multiple_of(
            jnp.minimum((start // 8) * 8, _N - _BUFROWS), 8)
        return hv_hbm.at[pl.ds(aligned, _BUFROWS)], start - aligned

    def fire(t, buf, sem):
        src, _ = chunk_src(t)
        pltpu.async_copy(src, buf, sem)

    pltpu.async_copy(w1a_hbm, w1buf, semw)
    fire(0, buf0, sem0)
    pltpu.sync_copy(w2d_hbm, w2buf)
    pltpu.make_async_copy(w1a_hbm, w1buf, semw).wait()

    w1base = [(16 * j + iota) * _D_IN for j in range(_D // _L)]

    def va_step(k, accs):
        kv = k + iota
        kv = jnp.where(kv >= _D_IN, kv - _D_IN, kv)
        w2k = w2buf[pl.ds(k, _L)]
        return tuple(
            accs[j] + plsc.load_gather(w1buf, [w1base[j] + kv]) * w2k
            for j in range(_D // _L))

    va = lax.fori_loop(0, _D_IN, va_step,
                       tuple(jnp.zeros((_L,), jnp.float32)
                             for _ in range(_D // _L)), unroll=4)
    for j in range(_D // _L):
        va2buf[pl.ds(16 * j, _L)] = va[j]
        va2buf[pl.ds(_D + 16 * j, _L)] = va[j]

    ngroups = (_CHUNK + _L - 1) // _L

    def compute(t, buf):
        _, extra = chunk_src(t)
        rows = [jnp.minimum(16 * g + iota, _CHUNK - 1) + extra
                for g in range(ngroups)]

        def d_step(d, accs):
            m = jnp.bitwise_and(d + iota, _D - 1)
            vad = va2buf[pl.ds(d, _L)]
            return tuple(
                accs[g] + plsc.load_gather(buf, [rows[g], m]) * vad
                for g in range(ngroups))

        accs = lax.fori_loop(
            0, _D, d_step,
            tuple(jnp.zeros((_L,), jnp.float32) for _ in range(ngroups)),
            unroll=4)
        for g in range(ngroups):
            sbuf[pl.ds(t * _CHUNK + 16 * g, _L)] = accs[g]

    def wait(t, buf, sem):
        src, _ = chunk_src(t)
        pltpu.make_async_copy(src, buf, sem).wait()

    fire(1, buf1, sem1)
    fire(2, buf2, sem2)

    def triple_step(p, carry):
        t0 = 3 * p
        for i, (b, sm) in enumerate(((buf0, sem0), (buf1, sem1),
                                     (buf2, sem2))):
            t = t0 + i
            wait(t, b, sm)
            compute(t, b)

            @pl.when(t + 3 < _PER_W)
            def _():
                fire(t + 3, b, sm)
        return carry

    lax.fori_loop(0, _PER_W // 3, triple_step, 0)
    wait(_PER_W - 1, buf0, sem0)
    compute(_PER_W - 1, buf0)
    pltpu.sync_copy(sbuf, out_hbm.at[pl.ds(wid * _WSTRIDE, _WSTRIDE)])


def _sc_scores(hv, w1af, w2d):
    mesh = plsc.VectorSubcoreMesh(core_axis_name="c", subcore_axis_name="s")
    f = functools.partial(
        pl.kernel, mesh=mesh,
        out_type=jax.ShapeDtypeStruct((_NW * _WSTRIDE,), jnp.float32),
        scratch_types=[
            pltpu.VMEM((_BUFROWS, _D), jnp.float32),
            pltpu.VMEM((_BUFROWS, _D), jnp.float32),
            pltpu.VMEM((_BUFROWS, _D), jnp.float32),
            pltpu.VMEM((_D * _D_IN,), jnp.float32),
            pltpu.VMEM((2 * _D_IN,), jnp.float32),
            pltpu.VMEM((2 * _D,), jnp.float32),
            pltpu.VMEM((_WSTRIDE,), jnp.float32),
            pltpu.SemaphoreType.DMA,
            pltpu.SemaphoreType.DMA,
            pltpu.SemaphoreType.DMA,
            pltpu.SemaphoreType.DMA,
        ],
        compiler_params=pltpu.CompilerParams(needs_layout_passes=False),
    )(_sc_scores_body)
    return f(hv, w1af, w2d)


def _tc_scores_body(hv_ref, w1_ref, w2r_ref, out_ref, va_ref):
    d = hv_ref.shape[1]

    @pl.when(pl.program_id(0) == 0)
    def _():
        va_ref[...] = lax.dot_general(
            w2r_ref[...], w1_ref[0:d, :], (((1,), (1,)), ((), ())),
            preferred_element_type=jnp.float32)

    s_blk = lax.dot_general(
        va_ref[...], hv_ref[...], (((1,), (1,)), ((), ())),
        preferred_element_type=jnp.float32)
    out_ref[...] = s_blk.reshape(out_ref.shape)


def _softmax_body(sa_ref, sb_ref, dest_ref, pa_ref, pb_ref, logp_ref):
    n_per_w = _PER_W * _CHUNK
    dest = dest_ref[0]

    sa = sa_ref[...].reshape(sa_ref.shape[0], sa_ref.shape[2])
    fa = (lax.broadcasted_iota(jnp.int32, sa.shape, 0) * _TC_BLK
          + lax.broadcasted_iota(jnp.int32, sa.shape, 1))

    sb = sb_ref[...]
    rb = lax.broadcasted_iota(jnp.int32, sb.shape, 0)
    cb = lax.broadcasted_iota(jnp.int32, sb.shape, 1)
    fb = _TC_ROWS + rb * n_per_w + cb
    validb = (cb < n_per_w) & (fb < _N - 1)
    smb = jnp.where(validb, sb, jnp.float32(-1e30))

    m = jnp.maximum(jnp.max(sa), jnp.max(smb))
    ea = jnp.exp(sa - m)
    eb = jnp.where(validb, jnp.exp(smb - m), jnp.float32(0.0))
    tot = jnp.sum(ea) + jnp.sum(eb)
    pa_ref[...] = (ea / tot).reshape(pa_ref.shape)
    pb_ref[...] = eb / tot
    sd = (jnp.sum(jnp.where(fa == dest, sa, jnp.float32(0.0)))
          + jnp.sum(jnp.where(validb & (fb == dest), smb, jnp.float32(0.0))))
    logp_ref[...] = jnp.reshape(sd - m - jnp.log(tot), (1, 1))


def kernel(hv, W1, b1, W2, b2, bond_type, dest):
    n, d = hv.shape
    d_in = W1.shape[0]
    del b1, b2, bond_type

    nsteps = _TC_ROWS // _TC_BLK
    w2r = W2.reshape(1, d_in)
    tc_scores = pl.pallas_call(
        _tc_scores_body,
        grid=(nsteps,),
        in_specs=[
            pl.BlockSpec((_TC_BLK, d), lambda i: (i, 0)),
            pl.BlockSpec((d_in, d_in), lambda i: (0, 0)),
            pl.BlockSpec((1, d_in), lambda i: (0, 0)),
        ],
        out_specs=pl.BlockSpec((1, 1, _TC_BLK), lambda i: (i, 0, 0)),
        out_shape=jax.ShapeDtypeStruct((nsteps, 1, _TC_BLK), jnp.float32),
        scratch_shapes=[pltpu.VMEM((1, d), jnp.float32)],
    )(hv, W1, w2r)

    w1af = W1[:d, :].reshape(-1)
    w2f = W2.reshape(-1)
    w2d = jnp.concatenate([w2f, w2f])
    sc_scores = _sc_scores(hv, w1af, w2d).reshape(_NW, _WSTRIDE)

    dest_arr = jnp.asarray(dest, jnp.int32).reshape(1)
    pa, pb, logp = pl.pallas_call(
        _softmax_body,
        in_specs=[
            pl.BlockSpec((nsteps, 1, _TC_BLK), lambda: (0, 0, 0)),
            pl.BlockSpec((_NW, _WSTRIDE), lambda: (0, 0)),
            pl.BlockSpec(memory_space=pltpu.SMEM),
        ],
        out_specs=[
            pl.BlockSpec((nsteps, 1, _TC_BLK), lambda: (0, 0, 0)),
            pl.BlockSpec((_NW, _WSTRIDE), lambda: (0, 0)),
            pl.BlockSpec((1, 1), lambda: (0, 0)),
        ],
        out_shape=[
            jax.ShapeDtypeStruct((nsteps, 1, _TC_BLK), jnp.float32),
            jax.ShapeDtypeStruct((_NW, _WSTRIDE), jnp.float32),
            jax.ShapeDtypeStruct((1, 1), jnp.float32),
        ],
    )(tc_scores, sc_scores, dest_arr)

    probs = jnp.concatenate(
        [pa.reshape(1, _TC_ROWS),
         pb[:, : _PER_W * _CHUNK].reshape(1, _SC_ROWS)], axis=1)[:, : n - 1]
    return probs, logp

# --- scband reference (transcript-rebuilt; emitter-appended) ---
"""Pipeline reference for scband-choose-dest-and-update-36180804502166 (READ-ONLY COPY).

The authoritative reference and input builder live on the scoring server;
editing this copy changes nothing except your own understanding.
"""

import jax, jax.numpy as jnp
import numpy as np

N_NODES = 100000
D_H = 128
N_BOND = 4
D_IN = 2 * D_H + N_BOND


def setup_inputs(seed: int = 0) -> dict:
    key = jax.random.key(seed)
    k1, k2, k3 = jax.random.split(key, 3)
    hv = jax.random.normal(k1, (N_NODES, D_H), dtype=jnp.float32)
    # choose_dest = Linear(D_IN, D_IN) -> Dropout (identity at eval) -> Linear(D_IN, 1)
    W1 = jax.random.normal(k2, (D_IN, D_IN), dtype=jnp.float32) * (1.0 / np.sqrt(D_IN))
    b1 = jnp.zeros((D_IN,), dtype=jnp.float32)
    W2 = jax.random.normal(k3, (D_IN, 1), dtype=jnp.float32) * (1.0 / np.sqrt(D_IN))
    b2 = jnp.zeros((1,), dtype=jnp.float32)
    return {"hv": hv, "W1": W1, "b1": b1, "W2": W2, "b2": b2, "bond_type": 2, "dest": 12345}


def reference(hv, W1, b1, W2, b2, bond_type, dest):
    # src is the newly added atom (last node); candidates are all earlier atoms
    src = hv.shape[0] - 1
    possible_dests_embed = hv[:src]                                   # gather of node reps
    src_embed_expand = jnp.broadcast_to(hv[src], (src, hv.shape[1]))  # expand src rep
    # bond_embedding = eye(n_bond_types); row bond_type == one-hot
    edge_embed = jax.nn.one_hot(jnp.asarray(bond_type), N_BOND, dtype=jnp.float32)
    edge_embed_expand = jnp.broadcast_to(edge_embed.reshape(1, N_BOND), (src, N_BOND))
    feats = jnp.concatenate([possible_dests_embed, src_embed_expand, edge_embed_expand], axis=1)
    # nn.Sequential(Linear, Dropout(eval=identity), Linear) -> no nonlinearity
    h = feats @ W1 + b1
    dests_scores = (h @ W2 + b2).reshape(1, -1)
    dests_probs = jax.nn.softmax(dests_scores, axis=1)
    # teacher-forced dest: log likelihood term appended in compute_log_prob branch
    log_prob = jax.lax.dynamic_slice_in_dim(
        jax.nn.log_softmax(dests_scores, axis=1), dest, 1, axis=1)
    return dests_probs, log_prob

if __name__ == "__main__":
    import jax
    _d = setup_inputs()
    print(jax.jit(kernel)(*tuple(_d.values())))

</pallas_src>

<mosaic_0001>
#map = affine_map<(d0, d1) -> (0, 0)>
#map1 = affine_map<(d0, d1) -> (0)>
module attributes {stable_mosaic.version = 14 : i64} {
  func.func @_sc_scores_body(%arg0: i32, %arg1: i32, %arg2: memref<100000x128xf32, #tpu.memory_space<hbm>>, %arg3: memref<33280xf32, #tpu.memory_space<hbm>>, %arg4: memref<520xf32, #tpu.memory_space<hbm>>, %arg5: memref<28160xf32, #tpu.memory_space<hbm>>, %arg6: memref<136x128xf32, #tpu.memory_space<vmem>>, %arg7: memref<136x128xf32, #tpu.memory_space<vmem>>, %arg8: memref<136x128xf32, #tpu.memory_space<vmem>>, %arg9: memref<33280xf32, #tpu.memory_space<vmem>>, %arg10: memref<520xf32, #tpu.memory_space<vmem>>, %arg11: memref<256xf32, #tpu.memory_space<vmem>>, %arg12: memref<880xf32, #tpu.memory_space<vmem>>, %arg13: memref<!tpu.dma_semaphore, #tpu.memory_space<semaphore_mem>>, %arg14: memref<!tpu.dma_semaphore, #tpu.memory_space<semaphore_mem>>, %arg15: memref<!tpu.dma_semaphore, #tpu.memory_space<semaphore_mem>>, %arg16: memref<!tpu.dma_semaphore, #tpu.memory_space<semaphore_mem>>) attributes {dimension_semantics = [#tpu.dimension_semantics<core_parallel>, #tpu.dimension_semantics<subcore_parallel>], iteration_bounds = array<i64: 2, 16>, scalar_prefetch = 0 : i64, scratch_operands = 11 : i64, tpu.core_type = #tpu.core_type<sc_vector_subcore>, window_params = [{transform_indices = #map}, {transform_indices = #map1}, {transform_indices = #map1}, {transform_indices = #map1}]} {
    %mul3A = arith.constant 2 : i32
    %mul3A_0 = arith.muli %arg1, %mul3A : i32
    %add3A = arith.addi %mul3A_0, %arg0 : i32
    %iota3A = tpu.iota {dimensions = array<i32: 0>} : vector<16xi32>
    %mul3A_1 = arith.constant 7 : i32
    %mul3A_2 = arith.muli %add3A, %mul3A_1 : i32
    tpu.enqueue_dma source(%arg3 : memref<33280xf32, #tpu.memory_space<hbm>>) target(%arg9 : memref<33280xf32, #tpu.memory_space<vmem>>) target_semaphore(%arg13 : memref<!tpu.dma_semaphore, #tpu.memory_space<semaphore_mem>>)
    %add3A_3 = arith.constant 0 : i32
    %add3A_4 = arith.addi %mul3A_2, %add3A_3 : i32
    %mul3A_5 = arith.constant 125 : i32
    %mul3A_6 = arith.muli %add3A_4, %mul3A_5 : i32
    %add3A_7 = arith.constant 72000 : i32
    %add3A_8 = arith.addi %add3A_7, %mul3A_6 : i32
    %jit3A = arith.constant 8 : i32
    %div3A = arith.divsi %add3A_8, %jit3A : i32
    %sign3A = arith.constant 0 : i32
    %sign3A_9 = arith.cmpi sgt, %add3A_8, %sign3A : i32
    %sign3A_10 = arith.extui %sign3A_9 : i1 to i32
    %sign3A_11 = arith.constant 0 : i32
    %sign3A_12 = arith.cmpi slt, %add3A_8, %sign3A_11 : i32
    %sign3A_13 = arith.extui %sign3A_12 : i1 to i32
    %sign3A_14 = arith.subi %sign3A_10, %sign3A_13 : i32
    %sign3A_15 = arith.constant 0 : i32
    %sign3A_16 = arith.cmpi sgt, %jit3A, %sign3A_15 : i32
    %sign3A_17 = arith.extui %sign3A_16 : i1 to i32
    %sign3A_18 = arith.constant 0 : i32
    %sign3A_19 = arith.cmpi slt, %jit3A, %sign3A_18 : i32
    %sign3A_20 = arith.extui %sign3A_19 : i1 to i32
    %sign3A_21 = arith.subi %sign3A_17, %sign3A_20 : i32
    %ne3A = arith.cmpi ne, %sign3A_14, %sign3A_21 : i32
    %rem3A = arith.remsi %add3A_8, %jit3A : i32
    %ne3A_22 = arith.constant 0 : i32
    %ne3A_23 = arith.cmpi ne, %rem3A, %ne3A_22 : i32
    %and3A = arith.andi %ne3A, %ne3A_23 : i1
    %sub3A = arith.constant 1 : i32
    %sub3A_24 = arith.subi %div3A, %sub3A : i32
    %select_n3A = arith.select %and3A, %sub3A_24, %div3A : i32
    %mul3A_25 = arith.constant 8 : i32
    %mul3A_26 = arith.muli %select_n3A, %mul3A_25 : i32
    %min3A = arith.constant 99864 : i32
    %min3A_27 = arith.minsi %mul3A_26, %min3A : i32
    %multiple_of3A = tpu.assume_multiple %min3A_27, 8 : i32
    %sub3A_28 = arith.subi %add3A_8, %multiple_of3A : i32
    %dma_start3A = arith.constant 0 : i32
    %dma_start3A_29 = tpu.memref_slice %arg2[%multiple_of3A, %dma_start3A] : memref<100000x128xf32, #tpu.memory_space<hbm>> -> memref<136x128xf32, #tpu.memory_space<hbm>>
    %dma_start3A_30 = arith.constant 0 : i32
    %dma_start3A_31 = tpu.memref_slice %arg2[%multiple_of3A, %dma_start3A_30] : memref<100000x128xf32, #tpu.memory_space<hbm>> -> memref<136x128xf32, #tpu.memory_space<hbm>>
    tpu.enqueue_dma source(%dma_start3A_31 : memref<136x128xf32, #tpu.memory_space<hbm>>) target(%arg6 : memref<136x128xf32, #tpu.memory_space<vmem>>) target_semaphore(%arg14 : memref<!tpu.dma_semaphore, #tpu.memory_space<semaphore_mem>>)
    "tpu.region"() ({
      %run_scoped3A = tpu.sem_alloc : memref<!tpu.dma_semaphore, #tpu.memory_space<semaphore_mem>>
      tpu.enqueue_dma source(%arg4 : memref<520xf32, #tpu.memory_space<hbm>>) target(%arg10 : memref<520xf32, #tpu.memory_space<vmem>>) target_semaphore(%run_scoped3A : memref<!tpu.dma_semaphore, #tpu.memory_space<semaphore_mem>>)
      tpu.wait_dma2 semaphore(%run_scoped3A : memref<!tpu.dma_semaphore, #tpu.memory_space<semaphore_mem>>) src(%arg4 : memref<520xf32, #tpu.memory_space<hbm>>) dst(%arg10 : memref<520xf32, #tpu.memory_space<vmem>>)
      tpu.yield
    }) : () -> ()
    tpu.wait_dma2 semaphore(%arg13 : memref<!tpu.dma_semaphore, #tpu.memory_space<semaphore_mem>>) src(%arg3 : memref<33280xf32, #tpu.memory_space<hbm>>) dst(%arg9 : memref<33280xf32, #tpu.memory_space<vmem>>)
    %add3A_32 = arith.constant 0 : i32
    %add3A_33 = vector.broadcast %add3A_32 : i32 to vector<16xi32>
    %add3A_34 = arith.addi %add3A_33, %iota3A : vector<16xi32>
    %mul3A_35 = arith.constant 260 : i32
    %mul3A_36 = vector.broadcast %mul3A_35 : i32 to vector<16xi32>
    %mul3A_37 = arith.muli %add3A_34, %mul3A_36 : vector<16xi32>
    %add3A_38 = arith.constant 16 : i32
    %add3A_39 = vector.broadcast %add3A_38 : i32 to vector<16xi32>
    %add3A_40 = arith.addi %add3A_39, %iota3A : vector<16xi32>
    %mul3A_41 = arith.constant 260 : i32
    %mul3A_42 = vector.broadcast %mul3A_41 : i32 to vector<16xi32>
    %mul3A_43 = arith.muli %add3A_40, %mul3A_42 : vector<16xi32>
    %add3A_44 = arith.constant 32 : i32
    %add3A_45 = vector.broadcast %add3A_44 : i32 to vector<16xi32>
    %add3A_46 = arith.addi %add3A_45, %iota3A : vector<16xi32>
    %mul3A_47 = arith.constant 260 : i32
    %mul3A_48 = vector.broadcast %mul3A_47 : i32 to vector<16xi32>
    %mul3A_49 = arith.muli %add3A_46, %mul3A_48 : vector<16xi32>
    %add3A_50 = arith.constant 48 : i32
    %add3A_51 = vector.broadcast %add3A_50 : i32 to vector<16xi32>
    %add3A_52 = arith.addi %add3A_51, %iota3A : vector<16xi32>
    %mul3A_53 = arith.constant 260 : i32
    %mul3A_54 = vector.broadcast %mul3A_53 : i32 to vector<16xi32>
    %mul3A_55 = arith.muli %add3A_52, %mul3A_54 : vector<16xi32>
    %add3A_56 = arith.constant 64 : i32
    %add3A_57 = vector.broadcast %add3A_56 : i32 to vector<16xi32>
    %add3A_58 = arith.addi %add3A_57, %iota3A : vector<16xi32>
    %mul3A_59 = arith.constant 260 : i32
    %mul3A_60 = vector.broadcast %mul3A_59 : i32 to vector<16xi32>
    %mul3A_61 = arith.muli %add3A_58, %mul3A_60 : vector<16xi32>
    %add3A_62 = arith.constant 80 : i32
    %add3A_63 = vector.broadcast %add3A_62 : i32 to vector<16xi32>
    %add3A_64 = arith.addi %add3A_63, %iota3A : vector<16xi32>
    %mul3A_65 = arith.constant 260 : i32
    %mul3A_66 = vector.broadcast %mul3A_65 : i32 to vector<16xi32>
    %mul3A_67 = arith.muli %add3A_64, %mul3A_66 : vector<16xi32>
    %add3A_68 = arith.constant 96 : i32
    %add3A_69 = vector.broadcast %add3A_68 : i32 to vector<16xi32>
    %add3A_70 = arith.addi %add3A_69, %iota3A : vector<16xi32>
    %mul3A_71 = arith.constant 260 : i32
    %mul3A_72 = vector.broadcast %mul3A_71 : i32 to vector<16xi32>
    %mul3A_73 = arith.muli %add3A_70, %mul3A_72 : vector<16xi32>
    %add3A_74 = arith.constant 112 : i32
    %add3A_75 = vector.broadcast %add3A_74 : i32 to vector<16xi32>
    %add3A_76 = arith.addi %add3A_75, %iota3A : vector<16xi32>
    %mul3A_77 = arith.constant 260 : i32
    %mul3A_78 = vector.broadcast %mul3A_77 : i32 to vector<16xi32>
    %mul3A_79 = arith.muli %add3A_76, %mul3A_78 : vector<16xi32>
    %broadcast_in_dim3A = arith.constant 0.000000e+00 : f32
    %broadcast_in_dim3A_80 = vector.broadcast %broadcast_in_dim3A : f32 to vector<16xf32>
    %broadcast_in_dim3A_81 = arith.constant 0.000000e+00 : f32
    %broadcast_in_dim3A_82 = vector.broadcast %broadcast_in_dim3A_81 : f32 to vector<16xf32>
    %broadcast_in_dim3A_83 = arith.constant 0.000000e+00 : f32
    %broadcast_in_dim3A_84 = vector.broadcast %broadcast_in_dim3A_83 : f32 to vector<16xf32>
    %broadcast_in_dim3A_85 = arith.constant 0.000000e+00 : f32
    %broadcast_in_dim3A_86 = vector.broadcast %broadcast_in_dim3A_85 : f32 to vector<16xf32>
    %broadcast_in_dim3A_87 = arith.constant 0.000000e+00 : f32
    %broadcast_in_dim3A_88 = vector.broadcast %broadcast_in_dim3A_87 : f32 to vector<16xf32>
    %broadcast_in_dim3A_89 = arith.constant 0.000000e+00 : f32
    %broadcast_in_dim3A_90 = vector.broadcast %broadcast_in_dim3A_89 : f32 to vector<16xf32>
    %broadcast_in_dim3A_91 = arith.constant 0.000000e+00 : f32
    %broadcast_in_dim3A_92 = vector.broadcast %broadcast_in_dim3A_91 : f32 to vector<16xf32>
    %broadcast_in_dim3A_93 = arith.constant 0.000000e+00 : f32
    %broadcast_in_dim3A_94 = vector.broadcast %broadcast_in_dim3A_93 : f32 to vector<16xf32>
    %scan3A = arith.constant 0 : i32
    %scan3A_95 = arith.constant 260 : i32
    %scan3A_96 = arith.addi %scan3A, %scan3A_95 : i32
    %scan3A_97 = arith.constant 4 : i32
    %scan3A_98:8 = scf.for %scan3A_396 = %scan3A to %scan3A_96 step %scan3A_97 iter_args(%scan3A_397 = %broadcast_in_dim3A_80, %scan3A_398 = %broadcast_in_dim3A_82, %scan3A_399 = %broadcast_in_dim3A_84, %scan3A_400 = %broadcast_in_dim3A_86, %scan3A_401 = %broadcast_in_dim3A_88, %scan3A_402 = %broadcast_in_dim3A_90, %scan3A_403 = %broadcast_in_dim3A_92, %scan3A_404 = %broadcast_in_dim3A_94) -> (vector<16xf32>, vector<16xf32>, vector<16xf32>, vector<16xf32>, vector<16xf32>, vector<16xf32>, vector<16xf32>, vector<16xf32>)  : i32 {
      %add3A_405 = vector.broadcast %scan3A_396 : i32 to vector<16xi32>
      %add3A_406 = arith.addi %add3A_405, %iota3A : vector<16xi32>
      %ge3A = arith.constant 260 : i32
      %ge3A_407 = vector.broadcast %ge3A : i32 to vector<16xi32>
      %ge3A_408 = arith.cmpi sge, %add3A_406, %ge3A_407 : vector<16xi32>
      %sub3A_409 = arith.constant 260 : i32
      %sub3A_410 = vector.broadcast %sub3A_409 : i32 to vector<16xi32>
      %sub3A_411 = arith.subi %add3A_406, %sub3A_410 : vector<16xi32>
      %select_n3A_412 = arith.select %ge3A_408, %sub3A_411, %add3A_406 : vector<16xi1>, vector<16xi32>
      %get3A = arith.index_cast %scan3A_396 : i32 to index
      %get3A_413 = tpu.vector_load %arg10[%get3A] {strides = array<i32>} : memref<520xf32, #tpu.memory_space<vmem>>, vector<16xf32>,
      %add3A_414 = arith.addi %mul3A_37, %select_n3A_412 : vector<16xi32>
      %gather3A = tpu.vector_load_idx %arg9[%add3A_414] : memref<33280xf32, #tpu.memory_space<vmem>>[vector<16xi32>], vector<16xf32>,
      %mul3A_415 = arith.mulf %gather3A, %get3A_413 : vector<16xf32>
      %add3A_416 = arith.addf %scan3A_397, %mul3A_415 : vector<16xf32>
      %add3A_417 = arith.addi %mul3A_43, %select_n3A_412 : vector<16xi32>
      %gather3A_418 = tpu.vector_load_idx %arg9[%add3A_417] : memref<33280xf32, #tpu.memory_space<vmem>>[vector<16xi32>], vector<16xf32>,
      %mul3A_419 = arith.mulf %gather3A_418, %get3A_413 : vector<16xf32>
      %add3A_420 = arith.addf %scan3A_398, %mul3A_419 : vector<16xf32>
      %add3A_421 = arith.addi %mul3A_49, %select_n3A_412 : vector<16xi32>
      %gather3A_422 = tpu.vector_load_idx %arg9[%add3A_421] : memref<33280xf32, #tpu.memory_space<vmem>>[vector<16xi32>], vector<16xf32>,
      %mul3A_423 = arith.mulf %gather3A_422, %get3A_413 : vector<16xf32>
      %add3A_424 = arith.addf %scan3A_399, %mul3A_423 : vector<16xf32>
      %add3A_425 = arith.addi %mul3A_55, %select_n3A_412 : vector<16xi32>
      %gather3A_426 = tpu.vector_load_idx %arg9[%add3A_425] : memref<33280xf32, #tpu.memory_space<vmem>>[vector<16xi32>], vector<16xf32>,
      %mul3A_427 = arith.mulf %gather3A_426, %get3A_413 : vector<16xf32>
      %add3A_428 = arith.addf %scan3A_400, %mul3A_427 : vector<16xf32>
      %add3A_429 = arith.addi %mul3A_61, %select_n3A_412 : vector<16xi32>
      %gather3A_430 = tpu.vector_load_idx %arg9[%add3A_429] : memref<33280xf32, #tpu.memory_space<vmem>>[vector<16xi32>], vector<16xf32>,
      %mul3A_431 = arith.mulf %gather3A_430, %get3A_413 : vector<16xf32>
      %add3A_432 = arith.addf %scan3A_401, %mul3A_431 : vector<16xf32>
      %add3A_433 = arith.addi %mul3A_67, %select_n3A_412 : vector<16xi32>
      %gather3A_434 = tpu.vector_load_idx %arg9[%add3A_433] : memref<33280xf32, #tpu.memory_space<vmem>>[vector<16xi32>], vector<16xf32>,
      %mul3A_435 = arith.mulf %gather3A_434, %get3A_413 : vector<16xf32>
      %add3A_436 = arith.addf %scan3A_402, %mul3A_435 : vector<16xf32>
      %add3A_437 = arith.addi %mul3A_73, %select_n3A_412 : vector<16xi32>
      %gather3A_438 = tpu.vector_load_idx %arg9[%add3A_437] : memref<33280xf32, #tpu.memory_space<vmem>>[vector<16xi32>], vector<16xf32>,
      %mul3A_439 = arith.mulf %gather3A_438, %get3A_413 : vector<16xf32>
      %add3A_440 = arith.addf %scan3A_403, %mul3A_439 : vector<16xf32>
      %add3A_441 = arith.addi %mul3A_79, %select_n3A_412 : vector<16xi32>
      %gather3A_442 = tpu.vector_load_idx %arg9[%add3A_441] : memref<33280xf32, #tpu.memory_space<vmem>>[vector<16xi32>], vector<16xf32>,
      %mul3A_443 = arith.mulf %gather3A_442, %get3A_413 : vector<16xf32>
      %add3A_444 = arith.addf %scan3A_404, %mul3A_443 : vector<16xf32>
      %scan3A_445 = arith.constant 1 : i32
      %scan3A_446 = arith.addi %scan3A_396, %scan3A_445 : i32
      %add3A_447 = vector.broadcast %scan3A_446 : i32 to vector<16xi32>
      %add3A_448 = arith.addi %add3A_447, %iota3A : vector<16xi32>
      %ge3A_449 = arith.constant 260 : i32
      %ge3A_450 = vector.broadcast %ge3A_449 : i32 to vector<16xi32>
      %ge3A_451 = arith.cmpi sge, %add3A_448, %ge3A_450 : vector<16xi32>
      %sub3A_452 = arith.constant 260 : i32
      %sub3A_453 = vector.broadcast %sub3A_452 : i32 to vector<16xi32>
      %sub3A_454 = arith.subi %add3A_448, %sub3A_453 : vector<16xi32>
      %select_n3A_455 = arith.select %ge3A_451, %sub3A_454, %add3A_448 : vector<16xi1>, vector<16xi32>
      %get3A_456 = arith.index_cast %scan3A_446 : i32 to index
      %get3A_457 = tpu.vector_load %arg10[%get3A_456] {strides = array<i32>} : memref<520xf32, #tpu.memory_space<vmem>>, vector<16xf32>,
      %add3A_458 = arith.addi %mul3A_37, %select_n3A_455 : vector<16xi32>
      %gather3A_459 = tpu.vector_load_idx %arg9[%add3A_458] : memref<33280xf32, #tpu.memory_space<vmem>>[vector<16xi32>], vector<16xf32>,
      %mul3A_460 = arith.mulf %gather3A_459, %get3A_457 : vector<16xf32>
      %add3A_461 = arith.addf %add3A_416, %mul3A_460 : vector<16xf32>
      %add3A_462 = arith.addi %mul3A_43, %select_n3A_455 : vector<16xi32>
      %gather3A_463 = tpu.vector_load_idx %arg9[%add3A_462] : memref<33280xf32, #tpu.memory_space<vmem>>[vector<16xi32>], vector<16xf32>,
      %mul3A_464 = arith.mulf %gather3A_463, %get3A_457 : vector<16xf32>
      %add3A_465 = arith.addf %add3A_420, %mul3A_464 : vector<16xf32>
      %add3A_466 = arith.addi %mul3A_49, %select_n3A_455 : vector<16xi32>
      %gather3A_467 = tpu.vector_load_idx %arg9[%add3A_466] : memref<33280xf32, #tpu.memory_space<vmem>>[vector<16xi32>], vector<16xf32>,
      %mul3A_468 = arith.mulf %gather3A_467, %get3A_457 : vector<16xf32>
      %add3A_469 = arith.addf %add3A_424, %mul3A_468 : vector<16xf32>
      %add3A_470 = arith.addi %mul3A_55, %select_n3A_455 : vector<16xi32>
      %gather3A_471 = tpu.vector_load_idx %arg9[%add3A_470] : memref<33280xf32, #tpu.memory_space<vmem>>[vector<16xi32>], vector<16xf32>,
      %mul3A_472 = arith.mulf %gather3A_471, %get3A_457 : vector<16xf32>
      %add3A_473 = arith.addf %add3A_428, %mul3A_472 : vector<16xf32>
      %add3A_474 = arith.addi %mul3A_61, %select_n3A_455 : vector<16xi32>
      %gather3A_475 = tpu.vector_load_idx %arg9[%add3A_474] : memref<33280xf32, #tpu.memory_space<vmem>>[vector<16xi32>], vector<16xf32>,
      %mul3A_476 = arith.mulf %gather3A_475, %get3A_457 : vector<16xf32>
      %add3A_477 = arith.addf %add3A_432, %mul3A_476 : vector<16xf32>
      %add3A_478 = arith.addi %mul3A_67, %select_n3A_455 : vector<16xi32>
      %gather3A_479 = tpu.vector_load_idx %arg9[%add3A_478] : memref<33280xf32, #tpu.memory_space<vmem>>[vector<16xi32>], vector<16xf32>,
      %mul3A_480 = arith.mulf %gather3A_479, %get3A_457 : vector<16xf32>
      %add3A_481 = arith.addf %add3A_436, %mul3A_480 : vector<16xf32>
      %add3A_482 = arith.addi %mul3A_73, %select_n3A_455 : vector<16xi32>
      %gather3A_483 = tpu.vector_load_idx %arg9[%add3A_482] : memref<33280xf32, #tpu.memory_space<vmem>>[vector<16xi32>], vector<16xf32>,
      %mul3A_484 = arith.mulf %gather3A_483, %get3A_457 : vector<16xf32>
      %add3A_485 = arith.addf %add3A_440, %mul3A_484 : vector<16xf32>
      %add3A_486 = arith.addi %mul3A_79, %select_n3A_455 : vector<16xi32>
      %gather3A_487 = tpu.vector_load_idx %arg9[%add3A_486] : memref<33280xf32, #tpu.memory_space<vmem>>[vector<16xi32>], vector<16xf32>,
      %mul3A_488 = arith.mulf %gather3A_487, %get3A_457 : vector<16xf32>
      %add3A_489 = arith.addf %add3A_444, %mul3A_488 : vector<16xf32>
      %scan3A_490 = arith.constant 2 : i32
      %scan3A_491 = arith.addi %scan3A_396, %scan3A_490 : i32
      %add3A_492 = vector.broadcast %scan3A_491 : i32 to vector<16xi32>
      %add3A_493 = arith.addi %add3A_492, %iota3A : vector<16xi32>
      %ge3A_494 = arith.constant 260 : i32
      %ge3A_495 = vector.broadcast %ge3A_494 : i32 to vector<16xi32>
      %ge3A_496 = arith.cmpi sge, %add3A_493, %ge3A_495 : vector<16xi32>
      %sub3A_497 = arith.constant 260 : i32
      %sub3A_498 = vector.broadcast %sub3A_497 : i32 to vector<16xi32>
      %sub3A_499 = arith.subi %add3A_493, %sub3A_498 : vector<16xi32>
      %select_n3A_500 = arith.select %ge3A_496, %sub3A_499, %add3A_493 : vector<16xi1>, vector<16xi32>
      %get3A_501 = arith.index_cast %scan3A_491 : i32 to index
      %get3A_502 = tpu.vector_load %arg10[%get3A_501] {strides = array<i32>} : memref<520xf32, #tpu.memory_space<vmem>>, vector<16xf32>,
      %add3A_503 = arith.addi %mul3A_37, %select_n3A_500 : vector<16xi32>
      %gather3A_504 = tpu.vector_load_idx %arg9[%add3A_503] : memref<33280xf32, #tpu.memory_space<vmem>>[vector<16xi32>], vector<16xf32>,
      %mul3A_505 = arith.mulf %gather3A_504, %get3A_502 : vector<16xf32>
      %add3A_506 = arith.addf %add3A_461, %mul3A_505 : vector<16xf32>
      %add3A_507 = arith.addi %mul3A_43, %select_n3A_500 : vector<16xi32>
      %gather3A_508 = tpu.vector_load_idx %arg9[%add3A_507] : memref<33280xf32, #tpu.memory_space<vmem>>[vector<16xi32>], vector<16xf32>,
      %mul3A_509 = arith.mulf %gather3A_508, %get3A_502 : vector<16xf32>
      %add3A_510 = arith.addf %add3A_465, %mul3A_509 : vector<16xf32>
      %add3A_511 = arith.addi %mul3A_49, %select_n3A_500 : vector<16xi32>
      %gather3A_512 = tpu.vector_load_idx %arg9[%add3A_511] : memref<33280xf32, #tpu.memory_space<vmem>>[vector<16xi32>], vector<16xf32>,
      %mul3A_513 = arith.mulf %gather3A_512, %get3A_502 : vector<16xf32>
      %add3A_514 = arith.addf %add3A_469, %mul3A_513 : vector<16xf32>
      %add3A_515 = arith.addi %mul3A_55, %select_n3A_500 : vector<16xi32>
      %gather3A_516 = tpu.vector_load_idx %arg9[%add3A_515] : memref<33280xf32, #tpu.memory_space<vmem>>[vector<16xi32>], vector<16xf32>,
      %mul3A_517 = arith.mulf %gather3A_516, %get3A_502 : vector<16xf32>
      %add3A_518 = arith.addf %add3A_473, %mul3A_517 : vector<16xf32>
      %add3A_519 = arith.addi %mul3A_61, %select_n3A_500 : vector<16xi32>
      %gather3A_520 = tpu.vector_load_idx %arg9[%add3A_519] : memref<33280xf32, #tpu.memory_space<vmem>>[vector<16xi32>], vector<16xf32>,
      %mul3A_521 = arith.mulf %gather3A_520, %get3A_502 : vector<16xf32>
      %add3A_522 = arith.addf %add3A_477, %mul3A_521 : vector<16xf32>
      %add3A_523 = arith.addi %mul3A_67, %select_n3A_500 : vector<16xi32>
      %gather3A_524 = tpu.vector_load_idx %arg9[%add3A_523] : memref<33280xf32, #tpu.memory_space<vmem>>[vector<16xi32>], vector<16xf32>,
      %mul3A_525 = arith.mulf %gather3A_524, %get3A_502 : vector<16xf32>
      %add3A_526 = arith.addf %add3A_481, %mul3A_525 : vector<16xf32>
      %add3A_527 = arith.addi %mul3A_73, %select_n3A_500 : vector<16xi32>
      %gather3A_528 = tpu.vector_load_idx %arg9[%add3A_527] : memref<33280xf32, #tpu.memory_space<vmem>>[vector<16xi32>], vector<16xf32>,
      %mul3A_529 = arith.mulf %gather3A_528, %get3A_502 : vector<16xf32>
      %add3A_530 = arith.addf %add3A_485, %mul3A_529 : vector<16xf32>
      %add3A_531 = arith.addi %mul3A_79, %select_n3A_500 : vector<16xi32>
      %gather3A_532 = tpu.vector_load_idx %arg9[%add3A_531] : memref<33280xf32, #tpu.memory_space<vmem>>[vector<16xi32>], vector<16xf32>,
      %mul3A_533 = arith.mulf %gather3A_532, %get3A_502 : vector<16xf32>
      %add3A_534 = arith.addf %add3A_489, %mul3A_533 : vector<16xf32>
      %scan3A_535 = arith.constant 3 : i32
      %scan3A_536 = arith.addi %scan3A_396, %scan3A_535 : i32
      %add3A_537 = vector.broadcast %scan3A_536 : i32 to vector<16xi32>
      %add3A_538 = arith.addi %add3A_537, %iota3A : vector<16xi32>
      %ge3A_539 = arith.constant 260 : i32
      %ge3A_540 = vector.broadcast %ge3A_539 : i32 to vector<16xi32>
      %ge3A_541 = arith.cmpi sge, %add3A_538, %ge3A_540 : vector<16xi32>
      %sub3A_542 = arith.constant 260 : i32
      %sub3A_543 = vector.broadcast %sub3A_542 : i32 to vector<16xi32>
      %sub3A_544 = arith.subi %add3A_538, %sub3A_543 : vector<16xi32>
      %select_n3A_545 = arith.select %ge3A_541, %sub3A_544, %add3A_538 : vector<16xi1>, vector<16xi32>
      %get3A_546 = arith.index_cast %scan3A_536 : i32 to index
      %get3A_547 = tpu.vector_load %arg10[%get3A_546] {strides = array<i32>} : memref<520xf32, #tpu.memory_space<vmem>>, vector<16xf32>,
      %add3A_548 = arith.addi %mul3A_37, %select_n3A_545 : vector<16xi32>
      %gather3A_549 = tpu.vector_load_idx %arg9[%add3A_548] : memref<33280xf32, #tpu.memory_space<vmem>>[vector<16xi32>], vector<16xf32>,
      %mul3A_550 = arith.mulf %gather3A_549, %get3A_547 : vector<16xf32>
      %add3A_551 = arith.addf %add3A_506, %mul3A_550 : vector<16xf32>
      %add3A_552 = arith.addi %mul3A_43, %select_n3A_545 : vector<16xi32>
      %gather3A_553 = tpu.vector_load_idx %arg9[%add3A_552] : memref<33280xf32, #tpu.memory_space<vmem>>[vector<16xi32>], vector<16xf32>,
      %mul3A_554 = arith.mulf %gather3A_553, %get3A_547 : vector<16xf32>
      %add3A_555 = arith.addf %add3A_510, %mul3A_554 : vector<16xf32>
      %add3A_556 = arith.addi %mul3A_49, %select_n3A_545 : vector<16xi32>
      %gather3A_557 = tpu.vector_load_idx %arg9[%add3A_556] : memref<33280xf32, #tpu.memory_space<vmem>>[vector<16xi32>], vector<16xf32>,
      %mul3A_558 = arith.mulf %gather3A_557, %get3A_547 : vector<16xf32>
      %add3A_559 = arith.addf %add3A_514, %mul3A_558 : vector<16xf32>
      %add3A_560 = arith.addi %mul3A_55, %select_n3A_545 : vector<16xi32>
      %gather3A_561 = tpu.vector_load_idx %arg9[%add3A_560] : memref<33280xf32, #tpu.memory_space<vmem>>[vector<16xi32>], vector<16xf32>,
      %mul3A_562 = arith.mulf %gather3A_561, %get3A_547 : vector<16xf32>
      %add3A_563 = arith.addf %add3A_518, %mul3A_562 : vector<16xf32>
      %add3A_564 = arith.addi %mul3A_61, %select_n3A_545 : vector<16xi32>
      %gather3A_565 = tpu.vector_load_idx %arg9[%add3A_564] : memref<33280xf32, #tpu.memory_space<vmem>>[vector<16xi32>], vector<16xf32>,
      %mul3A_566 = arith.mulf %gather3A_565, %get3A_547 : vector<16xf32>
      %add3A_567 = arith.addf %add3A_522, %mul3A_566 : vector<16xf32>
      %add3A_568 = arith.addi %mul3A_67, %select_n3A_545 : vector<16xi32>
      %gather3A_569 = tpu.vector_load_idx %arg9[%add3A_568] : memref<33280xf32, #tpu.memory_space<vmem>>[vector<16xi32>], vector<16xf32>,
      %mul3A_570 = arith.mulf %gather3A_569, %get3A_547 : vector<16xf32>
      %add3A_571 = arith.addf %add3A_526, %mul3A_570 : vector<16xf32>
      %add3A_572 = arith.addi %mul3A_73, %select_n3A_545 : vector<16xi32>
      %gather3A_573 = tpu.vector_load_idx %arg9[%add3A_572] : memref<33280xf32, #tpu.memory_space<vmem>>[vector<16xi32>], vector<16xf32>,
      %mul3A_574 = arith.mulf %gather3A_573, %get3A_547 : vector<16xf32>
      %add3A_575 = arith.addf %add3A_530, %mul3A_574 : vector<16xf32>
      %add3A_576 = arith.addi %mul3A_79, %select_n3A_545 : vector<16xi32>
      %gather3A_577 = tpu.vector_load_idx %arg9[%add3A_576] : memref<33280xf32, #tpu.memory_space<vmem>>[vector<16xi32>], vector<16xf32>,
      %mul3A_578 = arith.mulf %gather3A_577, %get3A_547 : vector<16xf32>
      %add3A_579 = arith.addf %add3A_534, %mul3A_578 : vector<16xf32>
      scf.yield %add3A_551, %add3A_555, %add3A_559, %add3A_563, %add3A_567, %add3A_571, %add3A_575, %add3A_579 : vector<16xf32>, vector<16xf32>, vector<16xf32>, vector<16xf32>, vector<16xf32>, vector<16xf32>, vector<16xf32>, vector<16xf32>
    }
    %scan3A_99 = arith.constant 260 : i32
    %swap3A = arith.constant 0 : index
    %swap3A_100 = tpu.vector_load %arg11[%swap3A] {strides = array<i32>} : memref<256xf32, #tpu.memory_space<vmem>>, vector<16xf32>,
    tpu.vector_store %arg11[%swap3A], %scan3A_98#0 {strides = array<i32>} : memref<256xf32, #tpu.memory_space<vmem>>, vector<16xf32>,
    %swap3A_101 = arith.constant 128 : index
    %swap3A_102 = tpu.vector_load %arg11[%swap3A_101] {strides = array<i32>} : memref<256xf32, #tpu.memory_space<vmem>>, vector<16xf32>,
    tpu.vector_store %arg11[%swap3A_101], %scan3A_98#0 {strides = array<i32>} : memref<256xf32, #tpu.memory_space<vmem>>, vector<16xf32>,
    %swap3A_103 = arith.constant 16 : index
    %swap3A_104 = tpu.vector_load %arg11[%swap3A_103] {strides = array<i32>} : memref<256xf32, #tpu.memory_space<vmem>>, vector<16xf32>,
    tpu.vector_store %arg11[%swap3A_103], %scan3A_98#1 {strides = array<i32>} : memref<256xf32, #tpu.memory_space<vmem>>, vector<16xf32>,
    %swap3A_105 = arith.constant 144 : index
    %swap3A_106 = tpu.vector_load %arg11[%swap3A_105] {strides = array<i32>} : memref<256xf32, #tpu.memory_space<vmem>>, vector<16xf32>,
    tpu.vector_store %arg11[%swap3A_105], %scan3A_98#1 {strides = array<i32>} : memref<256xf32, #tpu.memory_space<vmem>>, vector<16xf32>,
    %swap3A_107 = arith.constant 32 : index
    %swap3A_108 = tpu.vector_load %arg11[%swap3A_107] {strides = array<i32>} : memref<256xf32, #tpu.memory_space<vmem>>, vector<16xf32>,
    tpu.vector_store %arg11[%swap3A_107], %scan3A_98#2 {strides = array<i32>} : memref<256xf32, #tpu.memory_space<vmem>>, vector<16xf32>,
    %swap3A_109 = arith.constant 160 : index
    %swap3A_110 = tpu.vector_load %arg11[%swap3A_109] {strides = array<i32>} : memref<256xf32, #tpu.memory_space<vmem>>, vector<16xf32>,
    tpu.vector_store %arg11[%swap3A_109], %scan3A_98#2 {strides = array<i32>} : memref<256xf32, #tpu.memory_space<vmem>>, vector<16xf32>,
    %swap3A_111 = arith.constant 48 : index
    %swap3A_112 = tpu.vector_load %arg11[%swap3A_111] {strides = array<i32>} : memref<256xf32, #tpu.memory_space<vmem>>, vector<16xf32>,
    tpu.vector_store %arg11[%swap3A_111], %scan3A_98#3 {strides = array<i32>} : memref<256xf32, #tpu.memory_space<vmem>>, vector<16xf32>,
    %swap3A_113 = arith.constant 176 : index
    %swap3A_114 = tpu.vector_load %arg11[%swap3A_113] {strides = array<i32>} : memref<256xf32, #tpu.memory_space<vmem>>, vector<16xf32>,
    tpu.vector_store %arg11[%swap3A_113], %scan3A_98#3 {strides = array<i32>} : memref<256xf32, #tpu.memory_space<vmem>>, vector<16xf32>,
    %swap3A_115 = arith.constant 64 : index
    %swap3A_116 = tpu.vector_load %arg11[%swap3A_115] {strides = array<i32>} : memref<256xf32, #tpu.memory_space<vmem>>, vector<16xf32>,
    tpu.vector_store %arg11[%swap3A_115], %scan3A_98#4 {strides = array<i32>} : memref<256xf32, #tpu.memory_space<vmem>>, vector<16xf32>,
    %swap3A_117 = arith.constant 192 : index
    %swap3A_118 = tpu.vector_load %arg11[%swap3A_117] {strides = array<i32>} : memref<256xf32, #tpu.memory_space<vmem>>, vector<16xf32>,
    tpu.vector_store %arg11[%swap3A_117], %scan3A_98#4 {strides = array<i32>} : memref<256xf32, #tpu.memory_space<vmem>>, vector<16xf32>,
    %swap3A_119 = arith.constant 80 : index
    %swap3A_120 = tpu.vector_load %arg11[%swap3A_119] {strides = array<i32>} : memref<256xf32, #tpu.memory_space<vmem>>, vector<16xf32>,
    tpu.vector_store %arg11[%swap3A_119], %scan3A_98#5 {strides = array<i32>} : memref<256xf32, #tpu.memory_space<vmem>>, vector<16xf32>,
    %swap3A_121 = arith.constant 208 : index
    %swap3A_122 = tpu.vector_load %arg11[%swap3A_121] {strides = array<i32>} : memref<256xf32, #tpu.memory_space<vmem>>, vector<16xf32>,
    tpu.vector_store %arg11[%swap3A_121], %scan3A_98#5 {strides = array<i32>} : memref<256xf32, #tpu.memory_space<vmem>>, vector<16xf32>,
    %swap3A_123 = arith.constant 96 : index
    %swap3A_124 = tpu.vector_load %arg11[%swap3A_123] {strides = array<i32>} : memref<256xf32, #tpu.memory_space<vmem>>, vector<16xf32>,
    tpu.vector_store %arg11[%swap3A_123], %scan3A_98#6 {strides = array<i32>} : memref<256xf32, #tpu.memory_space<vmem>>, vector<16xf32>,
    %swap3A_125 = arith.constant 224 : index
    %swap3A_126 = tpu.vector_load %arg11[%swap3A_125] {strides = array<i32>} : memref<256xf32, #tpu.memory_space<vmem>>, vector<16xf32>,
    tpu.vector_store %arg11[%swap3A_125], %scan3A_98#6 {strides = array<i32>} : memref<256xf32, #tpu.memory_space<vmem>>, vector<16xf32>,
    %swap3A_127 = arith.constant 112 : index
    %swap3A_128 = tpu.vector_load %arg11[%swap3A_127] {strides = array<i32>} : memref<256xf32, #tpu.memory_space<vmem>>, vector<16xf32>,
    tpu.vector_store %arg11[%swap3A_127], %scan3A_98#7 {strides = array<i32>} : memref<256xf32, #tpu.memory_space<vmem>>, vector<16xf32>,
    %swap3A_129 = arith.constant 240 : index
    %swap3A_130 = tpu.vector_load %arg11[%swap3A_129] {strides = array<i32>} : memref<256xf32, #tpu.memory_space<vmem>>, vector<16xf32>,
    tpu.vector_store %arg11[%swap3A_129], %scan3A_98#7 {strides = array<i32>} : memref<256xf32, #tpu.memory_space<vmem>>, vector<16xf32>,
    %add3A_131 = arith.constant 1 : i32
    %add3A_132 = arith.addi %mul3A_2, %add3A_131 : i32
    %mul3A_133 = arith.constant 125 : i32
    %mul3A_134 = arith.muli %add3A_132, %mul3A_133 : i32
    %add3A_135 = arith.constant 72000 : i32
    %add3A_136 = arith.addi %add3A_135, %mul3A_134 : i32
    %jit3A_137 = arith.constant 8 : i32
    %div3A_138 = arith.divsi %add3A_136, %jit3A_137 : i32
    %sign3A_139 = arith.constant 0 : i32
    %sign3A_140 = arith.cmpi sgt, %add3A_136, %sign3A_139 : i32
    %sign3A_141 = arith.extui %sign3A_140 : i1 to i32
    %sign3A_142 = arith.constant 0 : i32
    %sign3A_143 = arith.cmpi slt, %add3A_136, %sign3A_142 : i32
    %sign3A_144 = arith.extui %sign3A_143 : i1 to i32
    %sign3A_145 = arith.subi %sign3A_141, %sign3A_144 : i32
    %sign3A_146 = arith.constant 0 : i32
    %sign3A_147 = arith.cmpi sgt, %jit3A_137, %sign3A_146 : i32
    %sign3A_148 = arith.extui %sign3A_147 : i1 to i32
    %sign3A_149 = arith.constant 0 : i32
    %sign3A_150 = arith.cmpi slt, %jit3A_137, %sign3A_149 : i32
    %sign3A_151 = arith.extui %sign3A_150 : i1 to i32
    %sign3A_152 = arith.subi %sign3A_148, %sign3A_151 : i32
    %ne3A_153 = arith.cmpi ne, %sign3A_145, %sign3A_152 : i32
    %rem3A_154 = arith.remsi %add3A_136, %jit3A_137 : i32
    %ne3A_155 = arith.constant 0 : i32
    %ne3A_156 = arith.cmpi ne, %rem3A_154, %ne3A_155 : i32
    %and3A_157 = arith.andi %ne3A_153, %ne3A_156 : i1
    %sub3A_158 = arith.constant 1 : i32
    %sub3A_159 = arith.subi %div3A_138, %sub3A_158 : i32
    %select_n3A_160 = arith.select %and3A_157, %sub3A_159, %div3A_138 : i32
    %mul3A_161 = arith.constant 8 : i32
    %mul3A_162 = arith.muli %select_n3A_160, %mul3A_161 : i32
    %min3A_163 = arith.constant 99864 : i32
    %min3A_164 = arith.minsi %mul3A_162, %min3A_163 : i32
    %multiple_of3A_165 = tpu.assume_multiple %min3A_164, 8 : i32
    %sub3A_166 = arith.subi %add3A_136, %multiple_of3A_165 : i32
    %dma_start3A_167 = arith.constant 0 : i32
    %dma_start3A_168 = tpu.memref_slice %arg2[%multiple_of3A_165, %dma_start3A_167] : memref<100000x128xf32, #tpu.memory_space<hbm>> -> memref<136x128xf32, #tpu.memory_space<hbm>>
    %dma_start3A_169 = arith.constant 0 : i32
    %dma_start3A_170 = tpu.memref_slice %arg2[%multiple_of3A_165, %dma_start3A_169] : memref<100000x128xf32, #tpu.memory_space<hbm>> -> memref<136x128xf32, #tpu.memory_space<hbm>>
    tpu.enqueue_dma source(%dma_start3A_170 : memref<136x128xf32, #tpu.memory_space<hbm>>) target(%arg7 : memref<136x128xf32, #tpu.memory_space<vmem>>) target_semaphore(%arg15 : memref<!tpu.dma_semaphore, #tpu.memory_space<semaphore_mem>>)
    %add3A_171 = arith.constant 2 : i32
    %add3A_172 = arith.addi %mul3A_2, %add3A_171 : i32
    %mul3A_173 = arith.constant 125 : i32
    %mul3A_174 = arith.muli %add3A_172, %mul3A_173 : i32
    %add3A_175 = arith.constant 72000 : i32
    %add3A_176 = arith.addi %add3A_175, %mul3A_174 : i32
    %jit3A_177 = arith.constant 8 : i32
    %div3A_178 = arith.divsi %add3A_176, %jit3A_177 : i32
    %sign3A_179 = arith.constant 0 : i32
    %sign3A_180 = arith.cmpi sgt, %add3A_176, %sign3A_179 : i32
    %sign3A_181 = arith.extui %sign3A_180 : i1 to i32
    %sign3A_182 = arith.constant 0 : i32
    %sign3A_183 = arith.cmpi slt, %add3A_176, %sign3A_182 : i32
    %sign3A_184 = arith.extui %sign3A_183 : i1 to i32
    %sign3A_185 = arith.subi %sign3A_181, %sign3A_184 : i32
    %sign3A_186 = arith.constant 0 : i32
    %sign3A_187 = arith.cmpi sgt, %jit3A_177, %sign3A_186 : i32
    %sign3A_188 = arith.extui %sign3A_187 : i1 to i32
    %sign3A_189 = arith.constant 0 : i32
    %sign3A_190 = arith.cmpi slt, %jit3A_177, %sign3A_189 : i32
    %sign3A_191 = arith.extui %sign3A_190 : i1 to i32
    %sign3A_192 = arith.subi %sign3A_188, %sign3A_191 : i32
    %ne3A_193 = arith.cmpi ne, %sign3A_185, %sign3A_192 : i32
    %rem3A_194 = arith.remsi %add3A_176, %jit3A_177 : i32
    %ne3A_195 = arith.constant 0 : i32
    %ne3A_196 = arith.cmpi ne, %rem3A_194, %ne3A_195 : i32
    %and3A_197 = arith.andi %ne3A_193, %ne3A_196 : i1
    %sub3A_198 = arith.constant 1 : i32
    %sub3A_199 = arith.subi %div3A_178, %sub3A_198 : i32
    %select_n3A_200 = arith.select %and3A_197, %sub3A_199, %div3A_178 : i32
    %mul3A_201 = arith.constant 8 : i32
    %mul3A_202 = arith.muli %select_n3A_200, %mul3A_201 : i32
    %min3A_203 = arith.constant 99864 : i32
    %min3A_204 = arith.minsi %mul3A_202, %min3A_203 : i32
    %multiple_of3A_205 = tpu.assume_multiple %min3A_204, 8 : i32
    %sub3A_206 = arith.subi %add3A_176, %multiple_of3A_205 : i32
    %dma_start3A_207 = arith.constant 0 : i32
    %dma_start3A_208 = tpu.memref_slice %arg2[%multiple_of3A_205, %dma_start3A_207] : memref<100000x128xf32, #tpu.memory_space<hbm>> -> memref<136x128xf32, #tpu.memory_space<hbm>>
    %dma_start3A_209 = arith.constant 0 : i32
    %dma_start3A_210 = tpu.memref_slice %arg2[%multiple_of3A_205, %dma_start3A_209] : memref<100000x128xf32, #tpu.memory_space<hbm>> -> memref<136x128xf32, #tpu.memory_space<hbm>>
    tpu.enqueue_dma source(%dma_start3A_210 : memref<136x128xf32, #tpu.memory_space<hbm>>) target(%arg8 : memref<136x128xf32, #tpu.memory_space<vmem>>) target_semaphore(%arg16 : memref<!tpu.dma_semaphore, #tpu.memory_space<semaphore_mem>>)
    %scan3A_211 = arith.constant 0 : i32
    %scan3A_212 = arith.constant 0 : i32
    %scan3A_213 = arith.constant 2 : i32
    %scan3A_214 = arith.addi %scan3A_212, %scan3A_213 : i32
    %scan3A_215 = arith.constant 1 : i32
    scf.for %scan3A_396 = %scan3A_212 to %scan3A_214 step %scan3A_215  : i32 {
      %mul3A_397 = arith.constant 3 : i32
      %mul3A_398 = arith.muli %mul3A_397, %scan3A_396 : i32
      %add3A_399 = arith.constant 0 : i32
      %add3A_400 = arith.addi %mul3A_398, %add3A_399 : i32
      %add3A_401 = arith.addi %mul3A_2, %add3A_400 : i32
      %mul3A_402 = arith.constant 125 : i32
      %mul3A_403 = arith.muli %add3A_401, %mul3A_402 : i32
      %add3A_404 = arith.constant 72000 : i32
      %add3A_405 = arith.addi %add3A_404, %mul3A_403 : i32
      %jit3A_406 = arith.constant 8 : i32
      %div3A_407 = arith.divsi %add3A_405, %jit3A_406 : i32
      %sign3A_408 = arith.constant 0 : i32
      %sign3A_409 = arith.cmpi sgt, %add3A_405, %sign3A_408 : i32
      %sign3A_410 = arith.extui %sign3A_409 : i1 to i32
      %sign3A_411 = arith.constant 0 : i32
      %sign3A_412 = arith.cmpi slt, %add3A_405, %sign3A_411 : i32
      %sign3A_413 = arith.extui %sign3A_412 : i1 to i32
      %sign3A_414 = arith.subi %sign3A_410, %sign3A_413 : i32
      %sign3A_415 = arith.constant 0 : i32
      %sign3A_416 = arith.cmpi sgt, %jit3A_406, %sign3A_415 : i32
      %sign3A_417 = arith.extui %sign3A_416 : i1 to i32
      %sign3A_418 = arith.constant 0 : i32
      %sign3A_419 = arith.cmpi slt, %jit3A_406, %sign3A_418 : i32
      %sign3A_420 = arith.extui %sign3A_419 : i1 to i32
      %sign3A_421 = arith.subi %sign3A_417, %sign3A_420 : i32
      %ne3A_422 = arith.cmpi ne, %sign3A_414, %sign3A_421 : i32
      %rem3A_423 = arith.remsi %add3A_405, %jit3A_406 : i32
      %ne3A_424 = arith.constant 0 : i32
      %ne3A_425 = arith.cmpi ne, %rem3A_423, %ne3A_424 : i32
      %and3A_426 = arith.andi %ne3A_422, %ne3A_425 : i1
      %sub3A_427 = arith.constant 1 : i32
      %sub3A_428 = arith.subi %div3A_407, %sub3A_427 : i32
      %select_n3A_429 = arith.select %and3A_426, %sub3A_428, %div3A_407 : i32
      %mul3A_430 = arith.constant 8 : i32
      %mul3A_431 = arith.muli %select_n3A_429, %mul3A_430 : i32
      %min3A_432 = arith.constant 99864 : i32
      %min3A_433 = arith.minsi %mul3A_431, %min3A_432 : i32
      %multiple_of3A_434 = tpu.assume_multiple %min3A_433, 8 : i32
      %sub3A_435 = arith.subi %add3A_405, %multiple_of3A_434 : i32
      %dma_wait3A_436 = arith.constant 0 : i32
      %dma_wait3A_437 = tpu.memref_slice %arg2[%multiple_of3A_434, %dma_wait3A_436] : memref<100000x128xf32, #tpu.memory_space<hbm>> -> memref<136x128xf32, #tpu.memory_space<hbm>>
      %dma_wait3A_438 = arith.constant 0 : i32
      %dma_wait3A_439 = tpu.memref_slice %arg2[%multiple_of3A_434, %dma_wait3A_438] : memref<100000x128xf32, #tpu.memory_space<hbm>> -> memref<136x128xf32, #tpu.memory_space<hbm>>
      tpu.wait_dma2 semaphore(%arg14 : memref<!tpu.dma_semaphore, #tpu.memory_space<semaphore_mem>>) src(%dma_wait3A_439 : memref<136x128xf32, #tpu.memory_space<hbm>>) dst(%arg6 : memref<136x128xf32, #tpu.memory_space<vmem>>)
      %add3A_440 = arith.addi %mul3A_2, %add3A_400 : i32
      %mul3A_441 = arith.constant 125 : i32
      %mul3A_442 = arith.muli %add3A_440, %mul3A_441 : i32
      %add3A_443 = arith.constant 72000 : i32
      %add3A_444 = arith.addi %add3A_443, %mul3A_442 : i32
      %jit3A_445 = arith.constant 8 : i32
      %div3A_446 = arith.divsi %add3A_444, %jit3A_445 : i32
      %sign3A_447 = arith.constant 0 : i32
      %sign3A_448 = arith.cmpi sgt, %add3A_444, %sign3A_447 : i32
      %sign3A_449 = arith.extui %sign3A_448 : i1 to i32
      %sign3A_450 = arith.constant 0 : i32
      %sign3A_451 = arith.cmpi slt, %add3A_444, %sign3A_450 : i32
      %sign3A_452 = arith.extui %sign3A_451 : i1 to i32
      %sign3A_453 = arith.subi %sign3A_449, %sign3A_452 : i32
      %sign3A_454 = arith.constant 0 : i32
      %sign3A_455 = arith.cmpi sgt, %jit3A_445, %sign3A_454 : i32
      %sign3A_456 = arith.extui %sign3A_455 : i1 to i32
      %sign3A_457 = arith.constant 0 : i32
      %sign3A_458 = arith.cmpi slt, %jit3A_445, %sign3A_457 : i32
      %sign3A_459 = arith.extui %sign3A_458 : i1 to i32
      %sign3A_460 = arith.subi %sign3A_456, %sign3A_459 : i32
      %ne3A_461 = arith.cmpi ne, %sign3A_453, %sign3A_460 : i32
      %rem3A_462 = arith.remsi %add3A_444, %jit3A_445 : i32
      %ne3A_463 = arith.constant 0 : i32
      %ne3A_464 = arith.cmpi ne, %rem3A_462, %ne3A_463 : i32
      %and3A_465 = arith.andi %ne3A_461, %ne3A_464 : i1
      %sub3A_466 = arith.constant 1 : i32
      %sub3A_467 = arith.subi %div3A_446, %sub3A_466 : i32
      %select_n3A_468 = arith.select %and3A_465, %sub3A_467, %div3A_446 : i32
      %mul3A_469 = arith.constant 8 : i32
      %mul3A_470 = arith.muli %select_n3A_468, %mul3A_469 : i32
      %min3A_471 = arith.constant 99864 : i32
      %min3A_472 = arith.minsi %mul3A_470, %min3A_471 : i32
      %multiple_of3A_473 = tpu.assume_multiple %min3A_472, 8 : i32
      %sub3A_474 = arith.subi %add3A_444, %multiple_of3A_473 : i32
      %add3A_475 = arith.constant 0 : i32
      %add3A_476 = vector.broadcast %add3A_475 : i32 to vector<16xi32>
      %add3A_477 = arith.addi %add3A_476, %iota3A : vector<16xi32>
      %min3A_478 = arith.constant 124 : i32
      %min3A_479 = vector.broadcast %min3A_478 : i32 to vector<16xi32>
      %min3A_480 = arith.minsi %add3A_477, %min3A_479 : vector<16xi32>
      %add3A_481 = vector.broadcast %sub3A_474 : i32 to vector<16xi32>
      %add3A_482 = arith.addi %min3A_480, %add3A_481 : vector<16xi32>
      %add3A_483 = arith.constant 16 : i32
      %add3A_484 = vector.broadcast %add3A_483 : i32 to vector<16xi32>
      %add3A_485 = arith.addi %add3A_484, %iota3A : vector<16xi32>
      %min3A_486 = arith.constant 124 : i32
      %min3A_487 = vector.broadcast %min3A_486 : i32 to vector<16xi32>
      %min3A_488 = arith.minsi %add3A_485, %min3A_487 : vector<16xi32>
      %add3A_489 = vector.broadcast %sub3A_474 : i32 to vector<16xi32>
      %add3A_490 = arith.addi %min3A_488, %add3A_489 : vector<16xi32>
      %add3A_491 = arith.constant 32 : i32
      %add3A_492 = vector.broadcast %add3A_491 : i32 to vector<16xi32>
      %add3A_493 = arith.addi %add3A_492, %iota3A : vector<16xi32>
      %min3A_494 = arith.constant 124 : i32
      %min3A_495 = vector.broadcast %min3A_494 : i32 to vector<16xi32>
      %min3A_496 = arith.minsi %add3A_493, %min3A_495 : vector<16xi32>
      %add3A_497 = vector.broadcast %sub3A_474 : i32 to vector<16xi32>
      %add3A_498 = arith.addi %min3A_496, %add3A_497 : vector<16xi32>
      %add3A_499 = arith.constant 48 : i32
      %add3A_500 = vector.broadcast %add3A_499 : i32 to vector<16xi32>
      %add3A_501 = arith.addi %add3A_500, %iota3A : vector<16xi32>
      %min3A_502 = arith.constant 124 : i32
      %min3A_503 = vector.broadcast %min3A_502 : i32 to vector<16xi32>
      %min3A_504 = arith.minsi %add3A_501, %min3A_503 : vector<16xi32>
      %add3A_505 = vector.broadcast %sub3A_474 : i32 to vector<16xi32>
      %add3A_506 = arith.addi %min3A_504, %add3A_505 : vector<16xi32>
      %add3A_507 = arith.constant 64 : i32
      %add3A_508 = vector.broadcast %add3A_507 : i32 to vector<16xi32>
      %add3A_509 = arith.addi %add3A_508, %iota3A : vector<16xi32>
      %min3A_510 = arith.constant 124 : i32
      %min3A_511 = vector.broadcast %min3A_510 : i32 to vector<16xi32>
      %min3A_512 = arith.minsi %add3A_509, %min3A_511 : vector<16xi32>
      %add3A_513 = vector.broadcast %sub3A_474 : i32 to vector<16xi32>
      %add3A_514 = arith.addi %min3A_512, %add3A_513 : vector<16xi32>
      %add3A_515 = arith.constant 80 : i32
      %add3A_516 = vector.broadcast %add3A_515 : i32 to vector<16xi32>
      %add3A_517 = arith.addi %add3A_516, %iota3A : vector<16xi32>
      %min3A_518 = arith.constant 124 : i32
      %min3A_519 = vector.broadcast %min3A_518 : i32 to vector<16xi32>
      %min3A_520 = arith.minsi %add3A_517, %min3A_519 : vector<16xi32>
      %add3A_521 = vector.broadcast %sub3A_474 : i32 to vector<16xi32>
      %add3A_522 = arith.addi %min3A_520, %add3A_521 : vector<16xi32>
      %add3A_523 = arith.constant 96 : i32
      %add3A_524 = vector.broadcast %add3A_523 : i32 to vector<16xi32>
      %add3A_525 = arith.addi %add3A_524, %iota3A : vector<16xi32>
      %min3A_526 = arith.constant 124 : i32
      %min3A_527 = vector.broadcast %min3A_526 : i32 to vector<16xi32>
      %min3A_528 = arith.minsi %add3A_525, %min3A_527 : vector<16xi32>
      %add3A_529 = vector.broadcast %sub3A_474 : i32 to vector<16xi32>
      %add3A_530 = arith.addi %min3A_528, %add3A_529 : vector<16xi32>
      %add3A_531 = arith.constant 112 : i32
      %add3A_532 = vector.broadcast %add3A_531 : i32 to vector<16xi32>
      %add3A_533 = arith.addi %add3A_532, %iota3A : vector<16xi32>
      %min3A_534 = arith.constant 124 : i32
      %min3A_535 = vector.broadcast %min3A_534 : i32 to vector<16xi32>
      %min3A_536 = arith.minsi %add3A_533, %min3A_535 : vector<16xi32>
      %add3A_537 = vector.broadcast %sub3A_474 : i32 to vector<16xi32>
      %add3A_538 = arith.addi %min3A_536, %add3A_537 : vector<16xi32>
      %broadcast_in_dim3A_539 = arith.constant 0.000000e+00 : f32
      %broadcast_in_dim3A_540 = vector.broadcast %broadcast_in_dim3A_539 : f32 to vector<16xf32>
      %broadcast_in_dim3A_541 = arith.constant 0.000000e+00 : f32
      %broadcast_in_dim3A_542 = vector.broadcast %broadcast_in_dim3A_541 : f32 to vector<16xf32>
      %broadcast_in_dim3A_543 = arith.constant 0.000000e+00 : f32
      %broadcast_in_dim3A_544 = vector.broadcast %broadcast_in_dim3A_543 : f32 to vector<16xf32>
      %broadcast_in_dim3A_545 = arith.constant 0.000000e+00 : f32
      %broadcast_in_dim3A_546 = vector.broadcast %broadcast_in_dim3A_545 : f32 to vector<16xf32>
      %broadcast_in_dim3A_547 = arith.constant 0.000000e+00 : f32
      %broadcast_in_dim3A_548 = vector.broadcast %broadcast_in_dim3A_547 : f32 to vector<16xf32>
      %broadcast_in_dim3A_549 = arith.constant 0.000000e+00 : f32
      %broadcast_in_dim3A_550 = vector.broadcast %broadcast_in_dim3A_549 : f32 to vector<16xf32>
      %broadcast_in_dim3A_551 = arith.constant 0.000000e+00 : f32
      %broadcast_in_dim3A_552 = vector.broadcast %broadcast_in_dim3A_551 : f32 to vector<16xf32>
      %broadcast_in_dim3A_553 = arith.constant 0.000000e+00 : f32
      %broadcast_in_dim3A_554 = vector.broadcast %broadcast_in_dim3A_553 : f32 to vector<16xf32>
      %scan3A_555 = arith.constant 0 : i32
      %scan3A_556 = arith.constant 128 : i32
      %scan3A_557 = arith.addi %scan3A_555, %scan3A_556 : i32
      %scan3A_558 = arith.constant 4 : i32
      %scan3A_559:8 = scf.for %scan3A_1047 = %scan3A_555 to %scan3A_557 step %scan3A_558 iter_args(%scan3A_1048 = %broadcast_in_dim3A_540, %scan3A_1049 = %broadcast_in_dim3A_542, %scan3A_1050 = %broadcast_in_dim3A_544, %scan3A_1051 = %broadcast_in_dim3A_546, %scan3A_1052 = %broadcast_in_dim3A_548, %scan3A_1053 = %broadcast_in_dim3A_550, %scan3A_1054 = %broadcast_in_dim3A_552, %scan3A_1055 = %broadcast_in_dim3A_554) -> (vector<16xf32>, vector<16xf32>, vector<16xf32>, vector<16xf32>, vector<16xf32>, vector<16xf32>, vector<16xf32>, vector<16xf32>)  : i32 {
        %add3A_1056 = vector.broadcast %scan3A_1047 : i32 to vector<16xi32>
        %add3A_1057 = arith.addi %add3A_1056, %iota3A : vector<16xi32>
        %and3A_1058 = arith.constant 127 : i32
        %and3A_1059 = vector.broadcast %and3A_1058 : i32 to vector<16xi32>
        %and3A_1060 = arith.andi %add3A_1057, %and3A_1059 : vector<16xi32>
        %get3A = arith.index_cast %scan3A_1047 : i32 to index
        %get3A_1061 = tpu.vector_load %arg11[%get3A] {strides = array<i32>} : memref<256xf32, #tpu.memory_space<vmem>>, vector<16xf32>,
        %gather3A = tpu.vector_load_idx %arg6[%add3A_482, %and3A_1060] : memref<136x128xf32, #tpu.memory_space<vmem>>[vector<16xi32>, vector<16xi32>], vector<16xf32>,
        %mul3A_1062 = arith.mulf %gather3A, %get3A_1061 : vector<16xf32>
        %add3A_1063 = arith.addf %scan3A_1048, %mul3A_1062 : vector<16xf32>
        %gather3A_1064 = tpu.vector_load_idx %arg6[%add3A_490, %and3A_1060] : memref<136x128xf32, #tpu.memory_space<vmem>>[vector<16xi32>, vector<16xi32>], vector<16xf32>,
        %mul3A_1065 = arith.mulf %gather3A_1064, %get3A_1061 : vector<16xf32>
        %add3A_1066 = arith.addf %scan3A_1049, %mul3A_1065 : vector<16xf32>
        %gather3A_1067 = tpu.vector_load_idx %arg6[%add3A_498, %and3A_1060] : memref<136x128xf32, #tpu.memory_space<vmem>>[vector<16xi32>, vector<16xi32>], vector<16xf32>,
        %mul3A_1068 = arith.mulf %gather3A_1067, %get3A_1061 : vector<16xf32>
        %add3A_1069 = arith.addf %scan3A_1050, %mul3A_1068 : vector<16xf32>
        %gather3A_1070 = tpu.vector_load_idx %arg6[%add3A_506, %and3A_1060] : memref<136x128xf32, #tpu.memory_space<vmem>>[vector<16xi32>, vector<16xi32>], vector<16xf32>,
        %mul3A_1071 = arith.mulf %gather3A_1070, %get3A_1061 : vector<16xf32>
        %add3A_1072 = arith.addf %scan3A_1051, %mul3A_1071 : vector<16xf32>
        %gather3A_1073 = tpu.vector_load_idx %arg6[%add3A_514, %and3A_1060] : memref<136x128xf32, #tpu.memory_space<vmem>>[vector<16xi32>, vector<16xi32>], vector<16xf32>,
        %mul3A_1074 = arith.mulf %gather3A_1073, %get3A_1061 : vector<16xf32>
        %add3A_1075 = arith.addf %scan3A_1052, %mul3A_1074 : vector<16xf32>
        %gather3A_1076 = tpu.vector_load_idx %arg6[%add3A_522, %and3A_1060] : memref<136x128xf32, #tpu.memory_space<vmem>>[vector<16xi32>, vector<16xi32>], vector<16xf32>,
        %mul3A_1077 = arith.mulf %gather3A_1076, %get3A_1061 : vector<16xf32>
        %add3A_1078 = arith.addf %scan3A_1053, %mul3A_1077 : vector<16xf32>
        %gather3A_1079 = tpu.vector_load_idx %arg6[%add3A_530, %and3A_1060] : memref<136x128xf32, #tpu.memory_space<vmem>>[vector<16xi32>, vector<16xi32>], vector<16xf32>,
        %mul3A_1080 = arith.mulf %gather3A_1079, %get3A_1061 : vector<16xf32>
        %add3A_1081 = arith.addf %scan3A_1054, %mul3A_1080 : vector<16xf32>
        %gather3A_1082 = tpu.vector_load_idx %arg6[%add3A_538, %and3A_1060] : memref<136x128xf32, #tpu.memory_space<vmem>>[vector<16xi32>, vector<16xi32>], vector<16xf32>,
        %mul3A_1083 = arith.mulf %gather3A_1082, %get3A_1061 : vector<16xf32>
        %add3A_1084 = arith.addf %scan3A_1055, %mul3A_1083 : vector<16xf32>
        %scan3A_1085 = arith.constant 1 : i32
        %scan3A_1086 = arith.addi %scan3A_1047, %scan3A_1085 : i32
        %add3A_1087 = vector.broadcast %scan3A_1086 : i32 to vector<16xi32>
        %add3A_1088 = arith.addi %add3A_1087, %iota3A : vector<16xi32>
        %and3A_1089 = arith.constant 127 : i32
        %and3A_1090 = vector.broadcast %and3A_1089 : i32 to vector<16xi32>
        %and3A_1091 = arith.andi %add3A_1088, %and3A_1090 : vector<16xi32>
        %get3A_1092 = arith.index_cast %scan3A_1086 : i32 to index
        %get3A_1093 = tpu.vector_load %arg11[%get3A_1092] {strides = array<i32>} : memref<256xf32, #tpu.memory_space<vmem>>, vector<16xf32>,
        %gather3A_1094 = tpu.vector_load_idx %arg6[%add3A_482, %and3A_1091] : memref<136x128xf32, #tpu.memory_space<vmem>>[vector<16xi32>, vector<16xi32>], vector<16xf32>,
        %mul3A_1095 = arith.mulf %gather3A_1094, %get3A_1093 : vector<16xf32>
        %add3A_1096 = arith.addf %add3A_1063, %mul3A_1095 : vector<16xf32>
        %gather3A_1097 = tpu.vector_load_idx %arg6[%add3A_490, %and3A_1091] : memref<136x128xf32, #tpu.memory_space<vmem>>[vector<16xi32>, vector<16xi32>], vector<16xf32>,
        %mul3A_1098 = arith.mulf %gather3A_1097, %get3A_1093 : vector<16xf32>
        %add3A_1099 = arith.addf %add3A_1066, %mul3A_1098 : vector<16xf32>
        %gather3A_1100 = tpu.vector_load_idx %arg6[%add3A_498, %and3A_1091] : memref<136x128xf32, #tpu.memory_space<vmem>>[vector<16xi32>, vector<16xi32>], vector<16xf32>,
        %mul3A_1101 = arith.mulf %gather3A_1100, %get3A_1093 : vector<16xf32>
        %add3A_1102 = arith.addf %add3A_1069, %mul3A_1101 : vector<16xf32>
        %gather3A_1103 = tpu.vector_load_idx %arg6[%add3A_506, %and3A_1091] : memref<136x128xf32, #tpu.memory_space<vmem>>[vector<16xi32>, vector<16xi32>], vector<16xf32>,
        %mul3A_1104 = arith.mulf %gather3A_1103, %get3A_1093 : vector<16xf32>
        %add3A_1105 = arith.addf %add3A_1072, %mul3A_1104 : vector<16xf32>
        %gather3A_1106 = tpu.vector_load_idx %arg6[%add3A_514, %and3A_1091] : memref<136x128xf32, #tpu.memory_space<vmem>>[vector<16xi32>, vector<16xi32>], vector<16xf32>,
        %mul3A_1107 = arith.mulf %gather3A_1106, %get3A_1093 : vector<16xf32>
        %add3A_1108 = arith.addf %add3A_1075, %mul3A_1107 : vector<16xf32>
        %gather3A_1109 = tpu.vector_load_idx %arg6[%add3A_522, %and3A_1091] : memref<136x128xf32, #tpu.memory_space<vmem>>[vector<16xi32>, vector<16xi32>], vector<16xf32>,
        %mul3A_1110 = arith.mulf %gather3A_1109, %get3A_1093 : vector<16xf32>
        %add3A_1111 = arith.addf %add3A_1078, %mul3A_1110 : vector<16xf32>
        %gather3A_1112 = tpu.vector_load_idx %arg6[%add3A_530, %and3A_1091] : memref<136x128xf32, #tpu.memory_space<vmem>>[vector<16xi32>, vector<16xi32>], vector<16xf32>,
        %mul3A_1113 = arith.mulf %gather3A_1112, %get3A_1093 : vector<16xf32>
        %add3A_1114 = arith.addf %add3A_1081, %mul3A_1113 : vector<16xf32>
        %gather3A_1115 = tpu.vector_load_idx %arg6[%add3A_538, %and3A_1091] : memref<136x128xf32, #tpu.memory_space<vmem>>[vector<16xi32>, vector<16xi32>], vector<16xf32>,
        %mul3A_1116 = arith.mulf %gather3A_1115, %get3A_1093 : vector<16xf32>
        %add3A_1117 = arith.addf %add3A_1084, %mul3A_1116 : vector<16xf32>
        %scan3A_1118 = arith.constant 2 : i32
        %scan3A_1119 = arith.addi %scan3A_1047, %scan3A_1118 : i32
        %add3A_1120 = vector.broadcast %scan3A_1119 : i32 to vector<16xi32>
        %add3A_1121 = arith.addi %add3A_1120, %iota3A : vector<16xi32>
        %and3A_1122 = arith.constant 127 : i32
        %and3A_1123 = vector.broadcast %and3A_1122 : i32 to vector<16xi32>
        %and3A_1124 = arith.andi %add3A_1121, %and3A_1123 : vector<16xi32>
        %get3A_1125 = arith.index_cast %scan3A_1119 : i32 to index
        %get3A_1126 = tpu.vector_load %arg11[%get3A_1125] {strides = array<i32>} : memref<256xf32, #tpu.memory_space<vmem>>, vector<16xf32>,
        %gather3A_1127 = tpu.vector_load_idx %arg6[%add3A_482, %and3A_1124] : memref<136x128xf32, #tpu.memory_space<vmem>>[vector<16xi32>, vector<16xi32>], vector<16xf32>,
        %mul3A_1128 = arith.mulf %gather3A_1127, %get3A_1126 : vector<16xf32>
        %add3A_1129 = arith.addf %add3A_1096, %mul3A_1128 : vector<16xf32>
        %gather3A_1130 = tpu.vector_load_idx %arg6[%add3A_490, %and3A_1124] : memref<136x128xf32, #tpu.memory_space<vmem>>[vector<16xi32>, vector<16xi32>], vector<16xf32>,
        %mul3A_1131 = arith.mulf %gather3A_1130, %get3A_1126 : vector<16xf32>
        %add3A_1132 = arith.addf %add3A_1099, %mul3A_1131 : vector<16xf32>
        %gather3A_1133 = tpu.vector_load_idx %arg6[%add3A_498, %and3A_1124] : memref<136x128xf32, #tpu.memory_space<vmem>>[vector<16xi32>, vector<16xi32>], vector<16xf32>,
        %mul3A_1134 = arith.mulf %gather3A_1133, %get3A_1126 : vector<16xf32>
        %add3A_1135 = arith.addf %add3A_1102, %mul3A_1134 : vector<16xf32>
        %gather3A_1136 = tpu.vector_load_idx %arg6[%add3A_506, %and3A_1124] : memref<136x128xf32, #tpu.memory_space<vmem>>[vector<16xi32>, vector<16xi32>], vector<16xf32>,
        %mul3A_1137 = arith.mulf %gather3A_1136, %get3A_1126 : vector<16xf32>
        %add3A_1138 = arith.addf %add3A_1105, %mul3A_1137 : vector<16xf32>
        %gather3A_1139 = tpu.vector_load_idx %arg6[%add3A_514, %and3A_1124] : memref<136x128xf32, #tpu.memory_space<vmem>>[vector<16xi32>, vector<16xi32>], vector<16xf32>,
        %mul3A_1140 = arith.mulf %gather3A_1139, %get3A_1126 : vector<16xf32>
        %add3A_1141 = arith.addf %add3A_1108, %mul3A_1140 : vector<16xf32>
        %gather3A_1142 = tpu.vector_load_idx %arg6[%add3A_522, %and3A_1124] : memref<136x128xf32, #tpu.memory_space<vmem>>[vector<16xi32>, vector<16xi32>], vector<16xf32>,
        %mul3A_1143 = arith.mulf %gather3A_1142, %get3A_1126 : vector<16xf32>
        %add3A_1144 = arith.addf %add3A_1111, %mul3A_1143 : vector<16xf32>
        %gather3A_1145 = tpu.vector_load_idx %arg6[%add3A_530, %and3A_1124] : memref<136x128xf32, #tpu.memory_space<vmem>>[vector<16xi32>, vector<16xi32>], vector<16xf32>,
        %mul3A_1146 = arith.mulf %gather3A_1145, %get3A_1126 : vector<16xf32>
        %add3A_1147 = arith.addf %add3A_1114, %mul3A_1146 : vector<16xf32>
        %gather3A_1148 = tpu.vector_load_idx %arg6[%add3A_538, %and3A_1124] : memref<136x128xf32, #tpu.memory_space<vmem>>[vector<16xi32>, vector<16xi32>], vector<16xf32>,
        %mul3A_1149 = arith.mulf %gather3A_1148, %get3A_1126 : vector<16xf32>
        %add3A_1150 = arith.addf %add3A_1117, %mul3A_1149 : vector<16xf32>
        %scan3A_1151 = arith.constant 3 : i32
        %scan3A_1152 = arith.addi %scan3A_1047, %scan3A_1151 : i32
        %add3A_1153 = vector.broadcast %scan3A_1152 : i32 to vector<16xi32>
        %add3A_1154 = arith.addi %add3A_1153, %iota3A : vector<16xi32>
        %and3A_1155 = arith.constant 127 : i32
        %and3A_1156 = vector.broadcast %and3A_1155 : i32 to vector<16xi32>
        %and3A_1157 = arith.andi %add3A_1154, %and3A_1156 : vector<16xi32>
        %get3A_1158 = arith.index_cast %scan3A_1152 : i32 to index
        %get3A_1159 = tpu.vector_load %arg11[%get3A_1158] {strides = array<i32>} : memref<256xf32, #tpu.memory_space<vmem>>, vector<16xf32>,
        %gather3A_1160 = tpu.vector_load_idx %arg6[%add3A_482, %and3A_1157] : memref<136x128xf32, #tpu.memory_space<vmem>>[vector<16xi32>, vector<16xi32>], vector<16xf32>,
        %mul3A_1161 = arith.mulf %gather3A_1160, %get3A_1159 : vector<16xf32>
        %add3A_1162 = arith.addf %add3A_1129, %mul3A_1161 : vector<16xf32>
        %gather3A_1163 = tpu.vector_load_idx %arg6[%add3A_490, %and3A_1157] : memref<136x128xf32, #tpu.memory_space<vmem>>[vector<16xi32>, vector<16xi32>], vector<16xf32>,
        %mul3A_1164 = arith.mulf %gather3A_1163, %get3A_1159 : vector<16xf32>
        %add3A_1165 = arith.addf %add3A_1132, %mul3A_1164 : vector<16xf32>
        %gather3A_1166 = tpu.vector_load_idx %arg6[%add3A_498, %and3A_1157] : memref<136x128xf32, #tpu.memory_space<vmem>>[vector<16xi32>, vector<16xi32>], vector<16xf32>,
        %mul3A_1167 = arith.mulf %gather3A_1166, %get3A_1159 : vector<16xf32>
        %add3A_1168 = arith.addf %add3A_1135, %mul3A_1167 : vector<16xf32>
        %gather3A_1169 = tpu.vector_load_idx %arg6[%add3A_506, %and3A_1157] : memref<136x128xf32, #tpu.memory_space<vmem>>[vector<16xi32>, vector<16xi32>], vector<16xf32>,
        %mul3A_1170 = arith.mulf %gather3A_1169, %get3A_1159 : vector<16xf32>
        %add3A_1171 = arith.addf %add3A_1138, %mul3A_1170 : vector<16xf32>
        %gather3A_1172 = tpu.vector_load_idx %arg6[%add3A_514, %and3A_1157] : memref<136x128xf32, #tpu.memory_space<vmem>>[vector<16xi32>, vector<16xi32>], vector<16xf32>,
        %mul3A_1173 = arith.mulf %gather3A_1172, %get3A_1159 : vector<16xf32>
        %add3A_1174 = arith.addf %add3A_1141, %mul3A_1173 : vector<16xf32>
        %gather3A_1175 = tpu.vector_load_idx %arg6[%add3A_522, %and3A_1157] : memref<136x128xf32, #tpu.memory_space<vmem>>[vector<16xi32>, vector<16xi32>], vector<16xf32>,
        %mul3A_1176 = arith.mulf %gather3A_1175, %get3A_1159 : vector<16xf32>
        %add3A_1177 = arith.addf %add3A_1144, %mul3A_1176 : vector<16xf32>
        %gather3A_1178 = tpu.vector_load_idx %arg6[%add3A_530, %and3A_1157] : memref<136x128xf32, #tpu.memory_space<vmem>>[vector<16xi32>, vector<16xi32>], vector<16xf32>,
        %mul3A_1179 = arith.mulf %gather3A_1178, %get3A_1159 : vector<16xf32>
        %add3A_1180 = arith.addf %add3A_1147, %mul3A_1179 : vector<16xf32>
        %gather3A_1181 = tpu.vector_load_idx %arg6[%add3A_538, %and3A_1157] : memref<136x128xf32, #tpu.memory_space<vmem>>[vector<16xi32>, vector<16xi32>], vector<16xf32>,
        %mul3A_1182 = arith.mulf %gather3A_1181, %get3A_1159 : vector<16xf32>
        %add3A_1183 = arith.addf %add3A_1150, %mul3A_1182 : vector<16xf32>
        scf.yield %add3A_1162, %add3A_1165, %add3A_1168, %add3A_1171, %add3A_1174, %add3A_1177, %add3A_1180, %add3A_1183 : vector<16xf32>, vector<16xf32>, vector<16xf32>, vector<16xf32>, vector<16xf32>, vector<16xf32>, vector<16xf32>, vector<16xf32>
      }
      %scan3A_560 = arith.constant 128 : i32
      %mul3A_561 = arith.constant 125 : i32
      %mul3A_562 = arith.muli %add3A_400, %mul3A_561 : i32
      %add3A_563 = arith.constant 0 : i32
      %add3A_564 = arith.addi %mul3A_562, %add3A_563 : i32
      %swap3A_565 = arith.index_cast %add3A_564 : i32 to index
      %swap3A_566 = tpu.vector_load %arg12[%swap3A_565] {strides = array<i32>} : memref<880xf32, #tpu.memory_space<vmem>>, vector<16xf32>,
      tpu.vector_store %arg12[%swap3A_565], %scan3A_559#0 {strides = array<i32>} : memref<880xf32, #tpu.memory_space<vmem>>, vector<16xf32>,
      %mul3A_567 = arith.constant 125 : i32
      %mul3A_568 = arith.muli %add3A_400, %mul3A_567 : i32
      %add3A_569 = arith.constant 16 : i32
      %add3A_570 = arith.addi %mul3A_568, %add3A_569 : i32
      %swap3A_571 = arith.index_cast %add3A_570 : i32 to index
      %swap3A_572 = tpu.vector_load %arg12[%swap3A_571] {strides = array<i32>} : memref<880xf32, #tpu.memory_space<vmem>>, vector<16xf32>,
      tpu.vector_store %arg12[%swap3A_571], %scan3A_559#1 {strides = array<i32>} : memref<880xf32, #tpu.memory_space<vmem>>, vector<16xf32>,
      %mul3A_573 = arith.constant 125 : i32
      %mul3A_574 = arith.muli %add3A_400, %mul3A_573 : i32
      %add3A_575 = arith.constant 32 : i32
      %add3A_576 = arith.addi %mul3A_574, %add3A_575 : i32
      %swap3A_577 = arith.index_cast %add3A_576 : i32 to index
      %swap3A_578 = tpu.vector_load %arg12[%swap3A_577] {strides = array<i32>} : memref<880xf32, #tpu.memory_space<vmem>>, vector<16xf32>,
      tpu.vector_store %arg12[%swap3A_577], %scan3A_559#2 {strides = array<i32>} : memref<880xf32, #tpu.memory_space<vmem>>, vector<16xf32>,
      %mul3A_579 = arith.constant 125 : i32
      %mul3A_580 = arith.muli %add3A_400, %mul3A_579 : i32
      %add3A_581 = arith.constant 48 : i32
      %add3A_582 = arith.addi %mul3A_580, %add3A_581 : i32
      %swap3A_583 = arith.index_cast %add3A_582 : i32 to index
      %swap3A_584 = tpu.vector_load %arg12[%swap3A_583] {strides = array<i32>} : memref<880xf32, #tpu.memory_space<vmem>>, vector<16xf32>,
      tpu.vector_store %arg12[%swap3A_583], %scan3A_559#3 {strides = array<i32>} : memref<880xf32, #tpu.memory_space<vmem>>, vector<16xf32>,
      %mul3A_585 = arith.constant 125 : i32
      %mul3A_586 = arith.muli %add3A_400, %mul3A_585 : i32
      %add3A_587 = arith.constant 64 : i32
      %add3A_588 = arith.addi %mul3A_586, %add3A_587 : i32
      %swap3A_589 = arith.index_cast %add3A_588 : i32 to index
      %swap3A_590 = tpu.vector_load %arg12[%swap3A_589] {strides = array<i32>} : memref<880xf32, #tpu.memory_space<vmem>>, vector<16xf32>,
      tpu.vector_store %arg12[%swap3A_589], %scan3A_559#4 {strides = array<i32>} : memref<880xf32, #tpu.memory_space<vmem>>, vector<16xf32>,
      %mul3A_591 = arith.constant 125 : i32
      %mul3A_592 = arith.muli %add3A_400, %mul3A_591 : i32
      %add3A_593 = arith.constant 80 : i32
      %add3A_594 = arith.addi %mul3A_592, %add3A_593 : i32
      %swap3A_595 = arith.index_cast %add3A_594 : i32 to index
      %swap3A_596 = tpu.vector_load %arg12[%swap3A_595] {strides = array<i32>} : memref<880xf32, #tpu.memory_space<vmem>>, vector<16xf32>,
      tpu.vector_store %arg12[%swap3A_595], %scan3A_559#5 {strides = array<i32>} : memref<880xf32, #tpu.memory_space<vmem>>, vector<16xf32>,
      %mul3A_597 = arith.constant 125 : i32
      %mul3A_598 = arith.muli %add3A_400, %mul3A_597 : i32
      %add3A_599 = arith.constant 96 : i32
      %add3A_600 = arith.addi %mul3A_598, %add3A_599 : i32
      %swap3A_601 = arith.index_cast %add3A_600 : i32 to index
      %swap3A_602 = tpu.vector_load %arg12[%swap3A_601] {strides = array<i32>} : memref<880xf32, #tpu.memory_space<vmem>>, vector<16xf32>,
      tpu.vector_store %arg12[%swap3A_601], %scan3A_559#6 {strides = array<i32>} : memref<880xf32, #tpu.memory_space<vmem>>, vector<16xf32>,
      %mul3A_603 = arith.constant 125 : i32
      %mul3A_604 = arith.muli %add3A_400, %mul3A_603 : i32
      %add3A_605 = arith.constant 112 : i32
      %add3A_606 = arith.addi %mul3A_604, %add3A_605 : i32
      %swap3A_607 = arith.index_cast %add3A_606 : i32 to index
      %swap3A_608 = tpu.vector_load %arg12[%swap3A_607] {strides = array<i32>} : memref<880xf32, #tpu.memory_space<vmem>>, vector<16xf32>,
      tpu.vector_store %arg12[%swap3A_607], %scan3A_559#7 {strides = array<i32>} : memref<880xf32, #tpu.memory_space<vmem>>, vector<16xf32>,
      %add3A_609 = arith.constant 3 : i32
      %add3A_610 = arith.addi %add3A_400, %add3A_609 : i32
      %lt3A = arith.constant 7 : i32
      %lt3A_611 = arith.cmpi slt, %add3A_610, %lt3A : i32
      %convert_element_type3A = arith.extui %lt3A_611 : i1 to i32
      %cond3A = arith.constant 0 : i32
      %cond3A_612 = arith.cmpi ne, %convert_element_type3A, %cond3A : i32
      scf.if %cond3A_612 {
        %add3A_1047 = arith.constant 3 : i32
        %add3A_1048 = arith.addi %add3A_400, %add3A_1047 : i32
        %add3A_1049 = arith.addi %mul3A_2, %add3A_1048 : i32
        %mul3A_1050 = arith.constant 125 : i32
        %mul3A_1051 = arith.muli %add3A_1049, %mul3A_1050 : i32
        %add3A_1052 = arith.constant 72000 : i32
        %add3A_1053 = arith.addi %add3A_1052, %mul3A_1051 : i32
        %jit3A_1054 = arith.constant 8 : i32
        %div3A_1055 = arith.divsi %add3A_1053, %jit3A_1054 : i32
        %sign3A_1056 = arith.constant 0 : i32
        %sign3A_1057 = arith.cmpi sgt, %add3A_1053, %sign3A_1056 : i32
        %sign3A_1058 = arith.extui %sign3A_1057 : i1 to i32
        %sign3A_1059 = arith.constant 0 : i32
        %sign3A_1060 = arith.cmpi slt, %add3A_1053, %sign3A_1059 : i32
        %sign3A_1061 = arith.extui %sign3A_1060 : i1 to i32
        %sign3A_1062 = arith.subi %sign3A_1058, %sign3A_1061 : i32
        %sign3A_1063 = arith.constant 0 : i32
        %sign3A_1064 = arith.cmpi sgt, %jit3A_1054, %sign3A_1063 : i32
        %sign3A_1065 = arith.extui %sign3A_1064 : i1 to i32
        %sign3A_1066 = arith.constant 0 : i32
        %sign3A_1067 = arith.cmpi slt, %jit3A_1054, %sign3A_1066 : i32
        %sign3A_1068 = arith.extui %sign3A_1067 : i1 to i32
        %sign3A_1069 = arith.subi %sign3A_1065, %sign3A_1068 : i32
        %ne3A_1070 = arith.cmpi ne, %sign3A_1062, %sign3A_1069 : i32
        %rem3A_1071 = arith.remsi %add3A_1053, %jit3A_1054 : i32
        %ne3A_1072 = arith.constant 0 : i32
        %ne3A_1073 = arith.cmpi ne, %rem3A_1071, %ne3A_1072 : i32
        %and3A_1074 = arith.andi %ne3A_1070, %ne3A_1073 : i1
        %sub3A_1075 = arith.constant 1 : i32
        %sub3A_1076 = arith.subi %div3A_1055, %sub3A_1075 : i32
        %select_n3A_1077 = arith.select %and3A_1074, %sub3A_1076, %div3A_1055 : i32
        %mul3A_1078 = arith.constant 8 : i32
        %mul3A_1079 = arith.muli %select_n3A_1077, %mul3A_1078 : i32
        %min3A_1080 = arith.constant 99864 : i32
        %min3A_1081 = arith.minsi %mul3A_1079, %min3A_1080 : i32
        %multiple_of3A_1082 = tpu.assume_multiple %min3A_1081, 8 : i32
        %sub3A_1083 = arith.subi %add3A_1053, %multiple_of3A_1082 : i32
        %dma_start3A_1084 = arith.constant 0 : i32
        %dma_start3A_1085 = tpu.memref_slice %arg2[%multiple_of3A_1082, %dma_start3A_1084] : memref<100000x128xf32, #tpu.memory_space<hbm>> -> memref<136x128xf32, #tpu.memory_space<hbm>>
        %dma_start3A_1086 = arith.constant 0 : i32
        %dma_start3A_1087 = tpu.memref_slice %arg2[%multiple_of3A_1082, %dma_start3A_1086] : memref<100000x128xf32, #tpu.memory_space<hbm>> -> memref<136x128xf32, #tpu.memory_space<hbm>>
        tpu.enqueue_dma source(%dma_start3A_1087 : memref<136x128xf32, #tpu.memory_space<hbm>>) target(%arg6 : memref<136x128xf32, #tpu.memory_space<vmem>>) target_semaphore(%arg14 : memref<!tpu.dma_semaphore, #tpu.memory_space<semaphore_mem>>)
      } else {
      }
      %add3A_613 = arith.constant 1 : i32
      %add3A_614 = arith.addi %mul3A_398, %add3A_613 : i32
      %add3A_615 = arith.addi %mul3A_2, %add3A_614 : i32
      %mul3A_616 = arith.constant 125 : i32
      %mul3A_617 = arith.muli %add3A_615, %mul3A_616 : i32
      %add3A_618 = arith.constant 72000 : i32
      %add3A_619 = arith.addi %add3A_618, %mul3A_617 : i32
      %jit3A_620 = arith.constant 8 : i32
      %div3A_621 = arith.divsi %add3A_619, %jit3A_620 : i32
      %sign3A_622 = arith.constant 0 : i32
      %sign3A_623 = arith.cmpi sgt, %add3A_619, %sign3A_622 : i32
      %sign3A_624 = arith.extui %sign3A_623 : i1 to i32
      %sign3A_625 = arith.constant 0 : i32
      %sign3A_626 = arith.cmpi slt, %add3A_619, %sign3A_625 : i32
      %sign3A_627 = arith.extui %sign3A_626 : i1 to i32
      %sign3A_628 = arith.subi %sign3A_624, %sign3A_627 : i32
      %sign3A_629 = arith.constant 0 : i32
      %sign3A_630 = arith.cmpi sgt, %jit3A_620, %sign3A_629 : i32
      %sign3A_631 = arith.extui %sign3A_630 : i1 to i32
      %sign3A_632 = arith.constant 0 : i32
      %sign3A_633 = arith.cmpi slt, %jit3A_620, %sign3A_632 : i32
      %sign3A_634 = arith.extui %sign3A_633 : i1 to i32
      %sign3A_635 = arith.subi %sign3A_631, %sign3A_634 : i32
      %ne3A_636 = arith.cmpi ne, %sign3A_628, %sign3A_635 : i32
      %rem3A_637 = arith.remsi %add3A_619, %jit3A_620 : i32
      %ne3A_638 = arith.constant 0 : i32
      %ne3A_639 = arith.cmpi ne, %rem3A_637, %ne3A_638 : i32
      %and3A_640 = arith.andi %ne3A_636, %ne3A_639 : i1
      %sub3A_641 = arith.constant 1 : i32
      %sub3A_642 = arith.subi %div3A_621, %sub3A_641 : i32
      %select_n3A_643 = arith.select %and3A_640, %sub3A_642, %div3A_621 : i32
      %mul3A_644 = arith.constant 8 : i32
      %mul3A_645 = arith.muli %select_n3A_643, %mul3A_644 : i32
      %min3A_646 = arith.constant 99864 : i32
      %min3A_647 = arith.minsi %mul3A_645, %min3A_646 : i32
      %multiple_of3A_648 = tpu.assume_multiple %min3A_647, 8 : i32
      %sub3A_649 = arith.subi %add3A_619, %multiple_of3A_648 : i32
      %dma_wait3A_650 = arith.constant 0 : i32
      %dma_wait3A_651 = tpu.memref_slice %arg2[%multiple_of3A_648, %dma_wait3A_650] : memref<100000x128xf32, #tpu.memory_space<hbm>> -> memref<136x128xf32, #tpu.memory_space<hbm>>
      %dma_wait3A_652 = arith.constant 0 : i32
      %dma_wait3A_653 = tpu.memref_slice %arg2[%multiple_of3A_648, %dma_wait3A_652] : memref<100000x128xf32, #tpu.memory_space<hbm>> -> memref<136x128xf32, #tpu.memory_space<hbm>>
      tpu.wait_dma2 semaphore(%arg15 : memref<!tpu.dma_semaphore, #tpu.memory_space<semaphore_mem>>) src(%dma_wait3A_653 : memref<136x128xf32, #tpu.memory_space<hbm>>) dst(%arg7 : memref<136x128xf32, #tpu.memory_space<vmem>>)
      %add3A_654 = arith.addi %mul3A_2, %add3A_614 : i32
      %mul3A_655 = arith.constant 125 : i32
      %mul3A_656 = arith.muli %add3A_654, %mul3A_655 : i32
      %add3A_657 = arith.constant 72000 : i32
      %add3A_658 = arith.addi %add3A_657, %mul3A_656 : i32
      %jit3A_659 = arith.constant 8 : i32
      %div3A_660 = arith.divsi %add3A_658, %jit3A_659 : i32
      %sign3A_661 = arith.constant 0 : i32
      %sign3A_662 = arith.cmpi sgt, %add3A_658, %sign3A_661 : i32
      %sign3A_663 = arith.extui %sign3A_662 : i1 to i32
      %sign3A_664 = arith.constant 0 : i32
      %sign3A_665 = arith.cmpi slt, %add3A_658, %sign3A_664 : i32
      %sign3A_666 = arith.extui %sign3A_665 : i1 to i32
      %sign3A_667 = arith.subi %sign3A_663, %sign3A_666 : i32
      %sign3A_668 = arith.constant 0 : i32
      %sign3A_669 = arith.cmpi sgt, %jit3A_659, %sign3A_668 : i32
      %sign3A_670 = arith.extui %sign3A_669 : i1 to i32
      %sign3A_671 = arith.constant 0 : i32
      %sign3A_672 = arith.cmpi slt, %jit3A_659, %sign3A_671 : i32
      %sign3A_673 = arith.extui %sign3A_672 : i1 to i32
      %sign3A_674 = arith.subi %sign3A_670, %sign3A_673 : i32
      %ne3A_675 = arith.cmpi ne, %sign3A_667, %sign3A_674 : i32
      %rem3A_676 = arith.remsi %add3A_658, %jit3A_659 : i32
      %ne3A_677 = arith.constant 0 : i32
      %ne3A_678 = arith.cmpi ne, %rem3A_676, %ne3A_677 : i32
      %and3A_679 = arith.andi %ne3A_675, %ne3A_678 : i1
      %sub3A_680 = arith.constant 1 : i32
      %sub3A_681 = arith.subi %div3A_660, %sub3A_680 : i32
      %select_n3A_682 = arith.select %and3A_679, %sub3A_681, %div3A_660 : i32
      %mul3A_683 = arith.constant 8 : i32
      %mul3A_684 = arith.muli %select_n3A_682, %mul3A_683 : i32
      %min3A_685 = arith.constant 99864 : i32
      %min3A_686 = arith.minsi %mul3A_684, %min3A_685 : i32
      %multiple_of3A_687 = tpu.assume_multiple %min3A_686, 8 : i32
      %sub3A_688 = arith.subi %add3A_658, %multiple_of3A_687 : i32
      %add3A_689 = arith.constant 0 : i32
      %add3A_690 = vector.broadcast %add3A_689 : i32 to vector<16xi32>
      %add3A_691 = arith.addi %add3A_690, %iota3A : vector<16xi32>
      %min3A_692 = arith.constant 124 : i32
      %min3A_693 = vector.broadcast %min3A_692 : i32 to vector<16xi32>
      %min3A_694 = arith.minsi %add3A_691, %min3A_693 : vector<16xi32>
      %add3A_695 = vector.broadcast %sub3A_688 : i32 to vector<16xi32>
      %add3A_696 = arith.addi %min3A_694, %add3A_695 : vector<16xi32>
      %add3A_697 = arith.constant 16 : i32
      %add3A_698 = vector.broadcast %add3A_697 : i32 to vector<16xi32>
      %add3A_699 = arith.addi %add3A_698, %iota3A : vector<16xi32>
      %min3A_700 = arith.constant 124 : i32
      %min3A_701 = vector.broadcast %min3A_700 : i32 to vector<16xi32>
      %min3A_702 = arith.minsi %add3A_699, %min3A_701 : vector<16xi32>
      %add3A_703 = vector.broadcast %sub3A_688 : i32 to vector<16xi32>
      %add3A_704 = arith.addi %min3A_702, %add3A_703 : vector<16xi32>
      %add3A_705 = arith.constant 32 : i32
      %add3A_706 = vector.broadcast %add3A_705 : i32 to vector<16xi32>
      %add3A_707 = arith.addi %add3A_706, %iota3A : vector<16xi32>
      %min3A_708 = arith.constant 124 : i32
      %min3A_709 = vector.broadcast %min3A_708 : i32 to vector<16xi32>
      %min3A_710 = arith.minsi %add3A_707, %min3A_709 : vector<16xi32>
      %add3A_711 = vector.broadcast %sub3A_688 : i32 to vector<16xi32>
      %add3A_712 = arith.addi %min3A_710, %add3A_711 : vector<16xi32>
      %add3A_713 = arith.constant 48 : i32
      %add3A_714 = vector.broadcast %add3A_713 : i32 to vector<16xi32>
      %add3A_715 = arith.addi %add3A_714, %iota3A : vector<16xi32>
      %min3A_716 = arith.constant 124 : i32
      %min3A_717 = vector.broadcast %min3A_716 : i32 to vector<16xi32>
      %min3A_718 = arith.minsi %add3A_715, %min3A_717 : vector<16xi32>
      %add3A_719 = vector.broadcast %sub3A_688 : i32 to vector<16xi32>
      %add3A_720 = arith.addi %min3A_718, %add3A_719 : vector<16xi32>
      %add3A_721 = arith.constant 64 : i32
      %add3A_722 = vector.broadcast %add3A_721 : i32 to vector<16xi32>
      %add3A_723 = arith.addi %add3A_722, %iota3A : vector<16xi32>
      %min3A_724 = arith.constant 124 : i32
      %min3A_725 = vector.broadcast %min3A_724 : i32 to vector<16xi32>
      %min3A_726 = arith.minsi %add3A_723, %min3A_725 : vector<16xi32>
      %add3A_727 = vector.broadcast %sub3A_688 : i32 to vector<16xi32>
      %add3A_728 = arith.addi %min3A_726, %add3A_727 : vector<16xi32>
      %add3A_729 = arith.constant 80 : i32
      %add3A_730 = vector.broadcast %add3A_729 : i32 to vector<16xi32>
      %add3A_731 = arith.addi %add3A_730, %iota3A : vector<16xi32>
      %min3A_732 = arith.constant 124 : i32
      %min3A_733 = vector.broadcast %min3A_732 : i32 to vector<16xi32>
      %min3A_734 = arith.minsi %add3A_731, %min3A_733 : vector<16xi32>
      %add3A_735 = vector.broadcast %sub3A_688 : i32 to vector<16xi32>
      %add3A_736 = arith.addi %min3A_734, %add3A_735 : vector<16xi32>
      %add3A_737 = arith.constant 96 : i32
      %add3A_738 = vector.broadcast %add3A_737 : i32 to vector<16xi32>
      %add3A_739 = arith.addi %add3A_738, %iota3A : vector<16xi32>
      %min3A_740 = arith.constant 124 : i32
      %min3A_741 = vector.broadcast %min3A_740 : i32 to vector<16xi32>
      %min3A_742 = arith.minsi %add3A_739, %min3A_741 : vector<16xi32>
      %add3A_743 = vector.broadcast %sub3A_688 : i32 to vector<16xi32>
      %add3A_744 = arith.addi %min3A_742, %add3A_743 : vector<16xi32>
      %add3A_745 = arith.constant 112 : i32
      %add3A_746 = vector.broadcast %add3A_745 : i32 to vector<16xi32>
      %add3A_747 = arith.addi %add3A_746, %iota3A : vector<16xi32>
      %min3A_748 = arith.constant 124 : i32
      %min3A_749 = vector.broadcast %min3A_748 : i32 to vector<16xi32>
      %min3A_750 = arith.minsi %add3A_747, %min3A_749 : vector<16xi32>
      %add3A_751 = vector.broadcast %sub3A_688 : i32 to vector<16xi32>
      %add3A_752 = arith.addi %min3A_750, %add3A_751 : vector<16xi32>
      %broadcast_in_dim3A_753 = arith.constant 0.000000e+00 : f32
      %broadcast_in_dim3A_754 = vector.broadcast %broadcast_in_dim3A_753 : f32 to vector<16xf32>
      %broadcast_in_dim3A_755 = arith.constant 0.000000e+00 : f32
      %broadcast_in_dim3A_756 = vector.broadcast %broadcast_in_dim3A_755 : f32 to vector<16xf32>
      %broadcast_in_dim3A_757 = arith.constant 0.000000e+00 : f32
      %broadcast_in_dim3A_758 = vector.broadcast %broadcast_in_dim3A_757 : f32 to vector<16xf32>
      %broadcast_in_dim3A_759 = arith.constant 0.000000e+00 : f32
      %broadcast_in_dim3A_760 = vector.broadcast %broadcast_in_dim3A_759 : f32 to vector<16xf32>
      %broadcast_in_dim3A_761 = arith.constant 0.000000e+00 : f32
      %broadcast_in_dim3A_762 = vector.broadcast %broadcast_in_dim3A_761 : f32 to vector<16xf32>
      %broadcast_in_dim3A_763 = arith.constant 0.000000e+00 : f32
      %broadcast_in_dim3A_764 = vector.broadcast %broadcast_in_dim3A_763 : f32 to vector<16xf32>
      %broadcast_in_dim3A_765 = arith.constant 0.000000e+00 : f32
      %broadcast_in_dim3A_766 = vector.broadcast %broadcast_in_dim3A_765 : f32 to vector<16xf32>
      %broadcast_in_dim3A_767 = arith.constant 0.000000e+00 : f32
      %broadcast_in_dim3A_768 = vector.broadcast %broadcast_in_dim3A_767 : f32 to vector<16xf32>
      %scan3A_769 = arith.constant 0 : i32
      %scan3A_770 = arith.constant 128 : i32
      %scan3A_771 = arith.addi %scan3A_769, %scan3A_770 : i32
      %scan3A_772 = arith.constant 4 : i32
      %scan3A_773:8 = scf.for %scan3A_1047 = %scan3A_769 to %scan3A_771 step %scan3A_772 iter_args(%scan3A_1048 = %broadcast_in_dim3A_754, %scan3A_1049 = %broadcast_in_dim3A_756, %scan3A_1050 = %broadcast_in_dim3A_758, %scan3A_1051 = %broadcast_in_dim3A_760, %scan3A_1052 = %broadcast_in_dim3A_762, %scan3A_1053 = %broadcast_in_dim3A_764, %scan3A_1054 = %broadcast_in_dim3A_766, %scan3A_1055 = %broadcast_in_dim3A_768) -> (vector<16xf32>, vector<16xf32>, vector<16xf32>, vector<16xf32>, vector<16xf32>, vector<16xf32>, vector<16xf32>, vector<16xf32>)  : i32 {
        %add3A_1056 = vector.broadcast %scan3A_1047 : i32 to vector<16xi32>
        %add3A_1057 = arith.addi %add3A_1056, %iota3A : vector<16xi32>
        %and3A_1058 = arith.constant 127 : i32
        %and3A_1059 = vector.broadcast %and3A_1058 : i32 to vector<16xi32>
        %and3A_1060 = arith.andi %add3A_1057, %and3A_1059 : vector<16xi32>
        %get3A = arith.index_cast %scan3A_1047 : i32 to index
        %get3A_1061 = tpu.vector_load %arg11[%get3A] {strides = array<i32>} : memref<256xf32, #tpu.memory_space<vmem>>, vector<16xf32>,
        %gather3A = tpu.vector_load_idx %arg7[%add3A_696, %and3A_1060] : memref<136x128xf32, #tpu.memory_space<vmem>>[vector<16xi32>, vector<16xi32>], vector<16xf32>,
        %mul3A_1062 = arith.mulf %gather3A, %get3A_1061 : vector<16xf32>
        %add3A_1063 = arith.addf %scan3A_1048, %mul3A_1062 : vector<16xf32>
        %gather3A_1064 = tpu.vector_load_idx %arg7[%add3A_704, %and3A_1060] : memref<136x128xf32, #tpu.memory_space<vmem>>[vector<16xi32>, vector<16xi32>], vector<16xf32>,
        %mul3A_1065 = arith.mulf %gather3A_1064, %get3A_1061 : vector<16xf32>
        %add3A_1066 = arith.addf %scan3A_1049, %mul3A_1065 : vector<16xf32>
        %gather3A_1067 = tpu.vector_load_idx %arg7[%add3A_712, %and3A_1060] : memref<136x128xf32, #tpu.memory_space<vmem>>[vector<16xi32>, vector<16xi32>], vector<16xf32>,
        %mul3A_1068 = arith.mulf %gather3A_1067, %get3A_1061 : vector<16xf32>
        %add3A_1069 = arith.addf %scan3A_1050, %mul3A_1068 : vector<16xf32>
        %gather3A_1070 = tpu.vector_load_idx %arg7[%add3A_720, %and3A_1060] : memref<136x128xf32, #tpu.memory_space<vmem>>[vector<16xi32>, vector<16xi32>], vector<16xf32>,
        %mul3A_1071 = arith.mulf %gather3A_1070, %get3A_1061 : vector<16xf32>
        %add3A_1072 = arith.addf %scan3A_1051, %mul3A_1071 : vector<16xf32>
        %gather3A_1073 = tpu.vector_load_idx %arg7[%add3A_728, %and3A_1060] : memref<136x128xf32, #tpu.memory_space<vmem>>[vector<16xi32>, vector<16xi32>], vector<16xf32>,
        %mul3A_1074 = arith.mulf %gather3A_1073, %get3A_1061 : vector<16xf32>
        %add3A_1075 = arith.addf %scan3A_1052, %mul3A_1074 : vector<16xf32>
        %gather3A_1076 = tpu.vector_load_idx %arg7[%add3A_736, %and3A_1060] : memref<136x128xf32, #tpu.memory_space<vmem>>[vector<16xi32>, vector<16xi32>], vector<16xf32>,
        %mul3A_1077 = arith.mulf %gather3A_1076, %get3A_1061 : vector<16xf32>
        %add3A_1078 = arith.addf %scan3A_1053, %mul3A_1077 : vector<16xf32>
        %gather3A_1079 = tpu.vector_load_idx %arg7[%add3A_744, %and3A_1060] : memref<136x128xf32, #tpu.memory_space<vmem>>[vector<16xi32>, vector<16xi32>], vector<16xf32>,
        %mul3A_1080 = arith.mulf %gather3A_1079, %get3A_1061 : vector<16xf32>
        %add3A_1081 = arith.addf %scan3A_1054, %mul3A_1080 : vector<16xf32>
        %gather3A_1082 = tpu.vector_load_idx %arg7[%add3A_752, %and3A_1060] : memref<136x128xf32, #tpu.memory_space<vmem>>[vector<16xi32>, vector<16xi32>], vector<16xf32>,
        %mul3A_1083 = arith.mulf %gather3A_1082, %get3A_1061 : vector<16xf32>
        %add3A_1084 = arith.addf %scan3A_1055, %mul3A_1083 : vector<16xf32>
        %scan3A_1085 = arith.constant 1 : i32
        %scan3A_1086 = arith.addi %scan3A_1047, %scan3A_1085 : i32
        %add3A_1087 = vector.broadcast %scan3A_1086 : i32 to vector<16xi32>
        %add3A_1088 = arith.addi %add3A_1087, %iota3A : vector<16xi32>
        %and3A_1089 = arith.constant 127 : i32
        %and3A_1090 = vector.broadcast %and3A_1089 : i32 to vector<16xi32>
        %and3A_1091 = arith.andi %add3A_1088, %and3A_1090 : vector<16xi32>
        %get3A_1092 = arith.index_cast %scan3A_1086 : i32 to index
        %get3A_1093 = tpu.vector_load %arg11[%get3A_1092] {strides = array<i32>} : memref<256xf32, #tpu.memory_space<vmem>>, vector<16xf32>,
        %gather3A_1094 = tpu.vector_load_idx %arg7[%add3A_696, %and3A_1091] : memref<136x128xf32, #tpu.memory_space<vmem>>[vector<16xi32>, vector<16xi32>], vector<16xf32>,
        %mul3A_1095 = arith.mulf %gather3A_1094, %get3A_1093 : vector<16xf32>
        %add3A_1096 = arith.addf %add3A_1063, %mul3A_1095 : vector<16xf32>
        %gather3A_1097 = tpu.vector_load_idx %arg7[%add3A_704, %and3A_1091] : memref<136x128xf32, #tpu.memory_space<vmem>>[vector<16xi32>, vector<16xi32>], vector<16xf32>,
        %mul3A_1098 = arith.mulf %gather3A_1097, %get3A_1093 : vector<16xf32>
        %add3A_1099 = arith.addf %add3A_1066, %mul3A_1098 : vector<16xf32>
        %gather3A_1100 = tpu.vector_load_idx %arg7[%add3A_712, %and3A_1091] : memref<136x128xf32, #tpu.memory_space<vmem>>[vector<16xi32>, vector<16xi32>], vector<16xf32>,
        %mul3A_1101 = arith.mulf %gather3A_1100, %get3A_1093 : vector<16xf32>
        %add3A_1102 = arith.addf %add3A_1069, %mul3A_1101 : vector<16xf32>
        %gather3A_1103 = tpu.vector_load_idx %arg7[%add3A_720, %and3A_1091] : memref<136x128xf32, #tpu.memory_space<vmem>>[vector<16xi32>, vector<16xi32>], vector<16xf32>,
        %mul3A_1104 = arith.mulf %gather3A_1103, %get3A_1093 : vector<16xf32>
        %add3A_1105 = arith.addf %add3A_1072, %mul3A_1104 : vector<16xf32>
        %gather3A_1106 = tpu.vector_load_idx %arg7[%add3A_728, %and3A_1091] : memref<136x128xf32, #tpu.memory_space<vmem>>[vector<16xi32>, vector<16xi32>], vector<16xf32>,
        %mul3A_1107 = arith.mulf %gather3A_1106, %get3A_1093 : vector<16xf32>
        %add3A_1108 = arith.addf %add3A_1075, %mul3A_1107 : vector<16xf32>
        %gather3A_1109 = tpu.vector_load_idx %arg7[%add3A_736, %and3A_1091] : memref<136x128xf32, #tpu.memory_space<vmem>>[vector<16xi32>, vector<16xi32>], vector<16xf32>,
        %mul3A_1110 = arith.mulf %gather3A_1109, %get3A_1093 : vector<16xf32>
        %add3A_1111 = arith.addf %add3A_1078, %mul3A_1110 : vector<16xf32>
        %gather3A_1112 = tpu.vector_load_idx %arg7[%add3A_744, %and3A_1091] : memref<136x128xf32, #tpu.memory_space<vmem>>[vector<16xi32>, vector<16xi32>], vector<16xf32>,
        %mul3A_1113 = arith.mulf %gather3A_1112, %get3A_1093 : vector<16xf32>
        %add3A_1114 = arith.addf %add3A_1081, %mul3A_1113 : vector<16xf32>
        %gather3A_1115 = tpu.vector_load_idx %arg7[%add3A_752, %and3A_1091] : memref<136x128xf32, #tpu.memory_space<vmem>>[vector<16xi32>, vector<16xi32>], vector<16xf32>,
        %mul3A_1116 = arith.mulf %gather3A_1115, %get3A_1093 : vector<16xf32>
        %add3A_1117 = arith.addf %add3A_1084, %mul3A_1116 : vector<16xf32>
        %scan3A_1118 = arith.constant 2 : i32
        %scan3A_1119 = arith.addi %scan3A_1047, %scan3A_1118 : i32
        %add3A_1120 = vector.broadcast %scan3A_1119 : i32 to vector<16xi32>
        %add3A_1121 = arith.addi %add3A_1120, %iota3A : vector<16xi32>
        %and3A_1122 = arith.constant 127 : i32
        %and3A_1123 = vector.broadcast %and3A_1122 : i32 to vector<16xi32>
        %and3A_1124 = arith.andi %add3A_1121, %and3A_1123 : vector<16xi32>
        %get3A_1125 = arith.index_cast %scan3A_1119 : i32 to index
        %get3A_1126 = tpu.vector_load %arg11[%get3A_1125] {strides = array<i32>} : memref<256xf32, #tpu.memory_space<vmem>>, vector<16xf32>,
        %gather3A_1127 = tpu.vector_load_idx %arg7[%add3A_696, %and3A_1124] : memref<136x128xf32, #tpu.memory_space<vmem>>[vector<16xi32>, vector<16xi32>], vector<16xf32>,
        %mul3A_1128 = arith.mulf %gather3A_1127, %get3A_1126 : vector<16xf32>
        %add3A_1129 = arith.addf %add3A_1096, %mul3A_1128 : vector<16xf32>
        %gather3A_1130 = tpu.vector_load_idx %arg7[%add3A_704, %and3A_1124] : memref<136x128xf32, #tpu.memory_space<vmem>>[vector<16xi32>, vector<16xi32>], vector<16xf32>,
        %mul3A_1131 = arith.mulf %gather3A_1130, %get3A_1126 : vector<16xf32>
        %add3A_1132 = arith.addf %add3A_1099, %mul3A_1131 : vector<16xf32>
        %gather3A_1133 = tpu.vector_load_idx %arg7[%add3A_712, %and3A_1124] : memref<136x128xf32, #tpu.memory_space<vmem>>[vector<16xi32>, vector<16xi32>], vector<16xf32>,
        %mul3A_1134 = arith.mulf %gather3A_1133, %get3A_1126 : vector<16xf32>
        %add3A_1135 = arith.addf %add3A_1102, %mul3A_1134 : vector<16xf32>
        %gather3A_1136 = tpu.vector_load_idx %arg7[%add3A_720, %and3A_1124] : memref<136x128xf32, #tpu.memory_space<vmem>>[vector<16xi32>, vector<16xi32>], vector<16xf32>,
        %mul3A_1137 = arith.mulf %gather3A_1136, %get3A_1126 : vector<16xf32>
        %add3A_1138 = arith.addf %add3A_1105, %mul3A_1137 : vector<16xf32>
        %gather3A_1139 = tpu.vector_load_idx %arg7[%add3A_728, %and3A_1124] : memref<136x128xf32, #tpu.memory_space<vmem>>[vector<16xi32>, vector<16xi32>], vector<16xf32>,
        %mul3A_1140 = arith.mulf %gather3A_1139, %get3A_1126 : vector<16xf32>
        %add3A_1141 = arith.addf %add3A_1108, %mul3A_1140 : vector<16xf32>
        %gather3A_1142 = tpu.vector_load_idx %arg7[%add3A_736, %and3A_1124] : memref<136x128xf32, #tpu.memory_space<vmem>>[vector<16xi32>, vector<16xi32>], vector<16xf32>,
        %mul3A_1143 = arith.mulf %gather3A_1142, %get3A_1126 : vector<16xf32>
        %add3A_1144 = arith.addf %add3A_1111, %mul3A_1143 : vector<16xf32>
        %gather3A_1145 = tpu.vector_load_idx %arg7[%add3A_744, %and3A_1124] : memref<136x128xf32, #tpu.memory_space<vmem>>[vector<16xi32>, vector<16xi32>], vector<16xf32>,
        %mul3A_1146 = arith.mulf %gather3A_1145, %get3A_1126 : vector<16xf32>
        %add3A_1147 = arith.addf %add3A_1114, %mul3A_1146 : vector<16xf32>
        %gather3A_1148 = tpu.vector_load_idx %arg7[%add3A_752, %and3A_1124] : memref<136x128xf32, #tpu.memory_space<vmem>>[vector<16xi32>, vector<16xi32>], vector<16xf32>,
        %mul3A_1149 = arith.mulf %gather3A_1148, %get3A_1126 : vector<16xf32>
        %add3A_1150 = arith.addf %add3A_1117, %mul3A_1149 : vector<16xf32>
        %scan3A_1151 = arith.constant 3 : i32
        %scan3A_1152 = arith.addi %scan3A_1047, %scan3A_1151 : i32
        %add3A_1153 = vector.broadcast %scan3A_1152 : i32 to vector<16xi32>
        %add3A_1154 = arith.addi %add3A_1153, %iota3A : vector<16xi32>
        %and3A_1155 = arith.constant 127 : i32
        %and3A_1156 = vector.broadcast %and3A_1155 : i32 to vector<16xi32>
        %and3A_1157 = arith.andi %add3A_1154, %and3A_1156 : vector<16xi32>
        %get3A_1158 = arith.index_cast %scan3A_1152 : i32 to index
        %get3A_1159 = tpu.vector_load %arg11[%get3A_1158] {strides = array<i32>} : memref<256xf32, #tpu.memory_space<vmem>>, vector<16xf32>,
        %gather3A_1160 = tpu.vector_load_idx %arg7[%add3A_696, %and3A_1157] : memref<136x128xf32, #tpu.memory_space<vmem>>[vector<16xi32>, vector<16xi32>], vector<16xf32>,
        %mul3A_1161 = arith.mulf %gather3A_1160, %get3A_1159 : vector<16xf32>
        %add3A_1162 = arith.addf %add3A_1129, %mul3A_1161 : vector<16xf32>
        %gather3A_1163 = tpu.vector_load_idx %arg7[%add3A_704, %and3A_1157] : memref<136x128xf32, #tpu.memory_space<vmem>>[vector<16xi32>, vector<16xi32>], vector<16xf32>,
        %mul3A_1164 = arith.mulf %gather3A_1163, %get3A_1159 : vector<16xf32>
        %add3A_1165 = arith.addf %add3A_1132, %mul3A_1164 : vector<16xf32>
        %gather3A_1166 = tpu.vector_load_idx %arg7[%add3A_712, %and3A_1157] : memref<136x128xf32, #tpu.memory_space<vmem>>[vector<16xi32>, vector<16xi32>], vector<16xf32>,
        %mul3A_1167 = arith.mulf %gather3A_1166, %get3A_1159 : vector<16xf32>
        %add3A_1168 = arith.addf %add3A_1135, %mul3A_1167 : vector<16xf32>
        %gather3A_1169 = tpu.vector_load_idx %arg7[%add3A_720, %and3A_1157] : memref<136x128xf32, #tpu.memory_space<vmem>>[vector<16xi32>, vector<16xi32>], vector<16xf32>,
        %mul3A_1170 = arith.mulf %gather3A_1169, %get3A_1159 : vector<16xf32>
        %add3A_1171 = arith.addf %add3A_1138, %mul3A_1170 : vector<16xf32>
        %gather3A_1172 = tpu.vector_load_idx %arg7[%add3A_728, %and3A_1157] : memref<136x128xf32, #tpu.memory_space<vmem>>[vector<16xi32>, vector<16xi32>], vector<16xf32>,
        %mul3A_1173 = arith.mulf %gather3A_1172, %get3A_1159 : vector<16xf32>
        %add3A_1174 = arith.addf %add3A_1141, %mul3A_1173 : vector<16xf32>
        %gather3A_1175 = tpu.vector_load_idx %arg7[%add3A_736, %and3A_1157] : memref<136x128xf32, #tpu.memory_space<vmem>>[vector<16xi32>, vector<16xi32>], vector<16xf32>,
        %mul3A_1176 = arith.mulf %gather3A_1175, %get3A_1159 : vector<16xf32>
        %add3A_1177 = arith.addf %add3A_1144, %mul3A_1176 : vector<16xf32>
        %gather3A_1178 = tpu.vector_load_idx %arg7[%add3A_744, %and3A_1157] : memref<136x128xf32, #tpu.memory_space<vmem>>[vector<16xi32>, vector<16xi32>], vector<16xf32>,
        %mul3A_1179 = arith.mulf %gather3A_1178, %get3A_1159 : vector<16xf32>
        %add3A_1180 = arith.addf %add3A_1147, %mul3A_1179 : vector<16xf32>
        %gather3A_1181 = tpu.vector_load_idx %arg7[%add3A_752, %and3A_1157] : memref<136x128xf32, #tpu.memory_space<vmem>>[vector<16xi32>, vector<16xi32>], vector<16xf32>,
        %mul3A_1182 = arith.mulf %gather3A_1181, %get3A_1159 : vector<16xf32>
        %add3A_1183 = arith.addf %add3A_1150, %mul3A_1182 : vector<16xf32>
        scf.yield %add3A_1162, %add3A_1165, %add3A_1168, %add3A_1171, %add3A_1174, %add3A_1177, %add3A_1180, %add3A_1183 : vector<16xf32>, vector<16xf32>, vector<16xf32>, vector<16xf32>, vector<16xf32>, vector<16xf32>, vector<16xf32>, vector<16xf32>
      }
      %scan3A_774 = arith.constant 128 : i32
      %mul3A_775 = arith.constant 125 : i32
      %mul3A_776 = arith.muli %add3A_614, %mul3A_775 : i32
      %add3A_777 = arith.constant 0 : i32
      %add3A_778 = arith.addi %mul3A_776, %add3A_777 : i32
      %swap3A_779 = arith.index_cast %add3A_778 : i32 to index
      %swap3A_780 = tpu.vector_load %arg12[%swap3A_779] {strides = array<i32>} : memref<880xf32, #tpu.memory_space<vmem>>, vector<16xf32>,
      tpu.vector_store %arg12[%swap3A_779], %scan3A_773#0 {strides = array<i32>} : memref<880xf32, #tpu.memory_space<vmem>>, vector<16xf32>,
      %mul3A_781 = arith.constant 125 : i32
      %mul3A_782 = arith.muli %add3A_614, %mul3A_781 : i32
      %add3A_783 = arith.constant 16 : i32
      %add3A_784 = arith.addi %mul3A_782, %add3A_783 : i32
      %swap3A_785 = arith.index_cast %add3A_784 : i32 to index
      %swap3A_786 = tpu.vector_load %arg12[%swap3A_785] {strides = array<i32>} : memref<880xf32, #tpu.memory_space<vmem>>, vector<16xf32>,
      tpu.vector_store %arg12[%swap3A_785], %scan3A_773#1 {strides = array<i32>} : memref<880xf32, #tpu.memory_space<vmem>>, vector<16xf32>,
      %mul3A_787 = arith.constant 125 : i32
      %mul3A_788 = arith.muli %add3A_614, %mul3A_787 : i32
      %add3A_789 = arith.constant 32 : i32
      %add3A_790 = arith.addi %mul3A_788, %add3A_789 : i32
      %swap3A_791 = arith.index_cast %add3A_790 : i32 to index
      %swap3A_792 = tpu.vector_load %arg12[%swap3A_791] {strides = array<i32>} : memref<880xf32, #tpu.memory_space<vmem>>, vector<16xf32>,
      tpu.vector_store %arg12[%swap3A_791], %scan3A_773#2 {strides = array<i32>} : memref<880xf32, #tpu.memory_space<vmem>>, vector<16xf32>,
      %mul3A_793 = arith.constant 125 : i32
      %mul3A_794 = arith.muli %add3A_614, %mul3A_793 : i32
      %add3A_795 = arith.constant 48 : i32
      %add3A_796 = arith.addi %mul3A_794, %add3A_795 : i32
      %swap3A_797 = arith.index_cast %add3A_796 : i32 to index
      %swap3A_798 = tpu.vector_load %arg12[%swap3A_797] {strides = array<i32>} : memref<880xf32, #tpu.memory_space<vmem>>, vector<16xf32>,
      tpu.vector_store %arg12[%swap3A_797], %scan3A_773#3 {strides = array<i32>} : memref<880xf32, #tpu.memory_space<vmem>>, vector<16xf32>,
      %mul3A_799 = arith.constant 125 : i32
      %mul3A_800 = arith.muli %add3A_614, %mul3A_799 : i32
      %add3A_801 = arith.constant 64 : i32
      %add3A_802 = arith.addi %mul3A_800, %add3A_801 : i32
      %swap3A_803 = arith.index_cast %add3A_802 : i32 to index
      %swap3A_804 = tpu.vector_load %arg12[%swap3A_803] {strides = array<i32>} : memref<880xf32, #tpu.memory_space<vmem>>, vector<16xf32>,
      tpu.vector_store %arg12[%swap3A_803], %scan3A_773#4 {strides = array<i32>} : memref<880xf32, #tpu.memory_space<vmem>>, vector<16xf32>,
      %mul3A_805 = arith.constant 125 : i32
      %mul3A_806 = arith.muli %add3A_614, %mul3A_805 : i32
      %add3A_807 = arith.constant 80 : i32
      %add3A_808 = arith.addi %mul3A_806, %add3A_807 : i32
      %swap3A_809 = arith.index_cast %add3A_808 : i32 to index
      %swap3A_810 = tpu.vector_load %arg12[%swap3A_809] {strides = array<i32>} : memref<880xf32, #tpu.memory_space<vmem>>, vector<16xf32>,
      tpu.vector_store %arg12[%swap3A_809], %scan3A_773#5 {strides = array<i32>} : memref<880xf32, #tpu.memory_space<vmem>>, vector<16xf32>,
      %mul3A_811 = arith.constant 125 : i32
      %mul3A_812 = arith.muli %add3A_614, %mul3A_811 : i32
      %add3A_813 = arith.constant 96 : i32
      %add3A_814 = arith.addi %mul3A_812, %add3A_813 : i32
      %swap3A_815 = arith.index_cast %add3A_814 : i32 to index
      %swap3A_816 = tpu.vector_load %arg12[%swap3A_815] {strides = array<i32>} : memref<880xf32, #tpu.memory_space<vmem>>, vector<16xf32>,
      tpu.vector_store %arg12[%swap3A_815], %scan3A_773#6 {strides = array<i32>} : memref<880xf32, #tpu.memory_space<vmem>>, vector<16xf32>,
      %mul3A_817 = arith.constant 125 : i32
      %mul3A_818 = arith.muli %add3A_614, %mul3A_817 : i32
      %add3A_819 = arith.constant 112 : i32
      %add3A_820 = arith.addi %mul3A_818, %add3A_819 : i32
      %swap3A_821 = arith.index_cast %add3A_820 : i32 to index
      %swap3A_822 = tpu.vector_load %arg12[%swap3A_821] {strides = array<i32>} : memref<880xf32, #tpu.memory_space<vmem>>, vector<16xf32>,
      tpu.vector_store %arg12[%swap3A_821], %scan3A_773#7 {strides = array<i32>} : memref<880xf32, #tpu.memory_space<vmem>>, vector<16xf32>,
      %add3A_823 = arith.constant 3 : i32
      %add3A_824 = arith.addi %add3A_614, %add3A_823 : i32
      %lt3A_825 = arith.constant 7 : i32
      %lt3A_826 = arith.cmpi slt, %add3A_824, %lt3A_825 : i32
      %convert_element_type3A_827 = arith.extui %lt3A_826 : i1 to i32
      %cond3A_828 = arith.constant 0 : i32
      %cond3A_829 = arith.cmpi ne, %convert_element_type3A_827, %cond3A_828 : i32
      scf.if %cond3A_829 {
        %add3A_1047 = arith.constant 3 : i32
        %add3A_1048 = arith.addi %add3A_614, %add3A_1047 : i32
        %add3A_1049 = arith.addi %mul3A_2, %add3A_1048 : i32
        %mul3A_1050 = arith.constant 125 : i32
        %mul3A_1051 = arith.muli %add3A_1049, %mul3A_1050 : i32
        %add3A_1052 = arith.constant 72000 : i32
        %add3A_1053 = arith.addi %add3A_1052, %mul3A_1051 : i32
        %jit3A_1054 = arith.constant 8 : i32
        %div3A_1055 = arith.divsi %add3A_1053, %jit3A_1054 : i32
        %sign3A_1056 = arith.constant 0 : i32
        %sign3A_1057 = arith.cmpi sgt, %add3A_1053, %sign3A_1056 : i32
        %sign3A_1058 = arith.extui %sign3A_1057 : i1 to i32
        %sign3A_1059 = arith.constant 0 : i32
        %sign3A_1060 = arith.cmpi slt, %add3A_1053, %sign3A_1059 : i32
        %sign3A_1061 = arith.extui %sign3A_1060 : i1 to i32
        %sign3A_1062 = arith.subi %sign3A_1058, %sign3A_1061 : i32
        %sign3A_1063 = arith.constant 0 : i32
        %sign3A_1064 = arith.cmpi sgt, %jit3A_1054, %sign3A_1063 : i32
        %sign3A_1065 = arith.extui %sign3A_1064 : i1 to i32
        %sign3A_1066 = arith.constant 0 : i32
        %sign3A_1067 = arith.cmpi slt, %jit3A_1054, %sign3A_1066 : i32
        %sign3A_1068 = arith.extui %sign3A_1067 : i1 to i32
        %sign3A_1069 = arith.subi %sign3A_1065, %sign3A_1068 : i32
        %ne3A_1070 = arith.cmpi ne, %sign3A_1062, %sign3A_1069 : i32
        %rem3A_1071 = arith.remsi %add3A_1053, %jit3A_1054 : i32
        %ne3A_1072 = arith.constant 0 : i32
        %ne3A_1073 = arith.cmpi ne, %rem3A_1071, %ne3A_1072 : i32
        %and3A_1074 = arith.andi %ne3A_1070, %ne3A_1073 : i1
        %sub3A_1075 = arith.constant 1 : i32
        %sub3A_1076 = arith.subi %div3A_1055, %sub3A_1075 : i32
        %select_n3A_1077 = arith.select %and3A_1074, %sub3A_1076, %div3A_1055 : i32
        %mul3A_1078 = arith.constant 8 : i32
        %mul3A_1079 = arith.muli %select_n3A_1077, %mul3A_1078 : i32
        %min3A_1080 = arith.constant 99864 : i32
        %min3A_1081 = arith.minsi %mul3A_1079, %min3A_1080 : i32
        %multiple_of3A_1082 = tpu.assume_multiple %min3A_1081, 8 : i32
        %sub3A_1083 = arith.subi %add3A_1053, %multiple_of3A_1082 : i32
        %dma_start3A_1084 = arith.constant 0 : i32
        %dma_start3A_1085 = tpu.memref_slice %arg2[%multiple_of3A_1082, %dma_start3A_1084] : memref<100000x128xf32, #tpu.memory_space<hbm>> -> memref<136x128xf32, #tpu.memory_space<hbm>>
        %dma_start3A_1086 = arith.constant 0 : i32
        %dma_start3A_1087 = tpu.memref_slice %arg2[%multiple_of3A_1082, %dma_start3A_1086] : memref<100000x128xf32, #tpu.memory_space<hbm>> -> memref<136x128xf32, #tpu.memory_space<hbm>>
        tpu.enqueue_dma source(%dma_start3A_1087 : memref<136x128xf32, #tpu.memory_space<hbm>>) target(%arg7 : memref<136x128xf32, #tpu.memory_space<vmem>>) target_semaphore(%arg15 : memref<!tpu.dma_semaphore, #tpu.memory_space<semaphore_mem>>)
      } else {
      }
      %add3A_830 = arith.constant 2 : i32
      %add3A_831 = arith.addi %mul3A_398, %add3A_830 : i32
      %add3A_832 = arith.addi %mul3A_2, %add3A_831 : i32
      %mul3A_833 = arith.constant 125 : i32
      %mul3A_834 = arith.muli %add3A_832, %mul3A_833 : i32
      %add3A_835 = arith.constant 72000 : i32
      %add3A_836 = arith.addi %add3A_835, %mul3A_834 : i32
      %jit3A_837 = arith.constant 8 : i32
      %div3A_838 = arith.divsi %add3A_836, %jit3A_837 : i32
      %sign3A_839 = arith.constant 0 : i32
      %sign3A_840 = arith.cmpi sgt, %add3A_836, %sign3A_839 : i32
      %sign3A_841 = arith.extui %sign3A_840 : i1 to i32
      %sign3A_842 = arith.constant 0 : i32
      %sign3A_843 = arith.cmpi slt, %add3A_836, %sign3A_842 : i32
      %sign3A_844 = arith.extui %sign3A_843 : i1 to i32
      %sign3A_845 = arith.subi %sign3A_841, %sign3A_844 : i32
      %sign3A_846 = arith.constant 0 : i32
      %sign3A_847 = arith.cmpi sgt, %jit3A_837, %sign3A_846 : i32
      %sign3A_848 = arith.extui %sign3A_847 : i1 to i32
      %sign3A_849 = arith.constant 0 : i32
      %sign3A_850 = arith.cmpi slt, %jit3A_837, %sign3A_849 : i32
      %sign3A_851 = arith.extui %sign3A_850 : i1 to i32
      %sign3A_852 = arith.subi %sign3A_848, %sign3A_851 : i32
      %ne3A_853 = arith.cmpi ne, %sign3A_845, %sign3A_852 : i32
      %rem3A_854 = arith.remsi %add3A_836, %jit3A_837 : i32
      %ne3A_855 = arith.constant 0 : i32
      %ne3A_856 = arith.cmpi ne, %rem3A_854, %ne3A_855 : i32
      %and3A_857 = arith.andi %ne3A_853, %ne3A_856 : i1
      %sub3A_858 = arith.constant 1 : i32
      %sub3A_859 = arith.subi %div3A_838, %sub3A_858 : i32
      %select_n3A_860 = arith.select %and3A_857, %sub3A_859, %div3A_838 : i32
      %mul3A_861 = arith.constant 8 : i32
      %mul3A_862 = arith.muli %select_n3A_860, %mul3A_861 : i32
      %min3A_863 = arith.constant 99864 : i32
      %min3A_864 = arith.minsi %mul3A_862, %min3A_863 : i32
      %multiple_of3A_865 = tpu.assume_multiple %min3A_864, 8 : i32
      %sub3A_866 = arith.subi %add3A_836, %multiple_of3A_865 : i32
      %dma_wait3A_867 = arith.constant 0 : i32
      %dma_wait3A_868 = tpu.memref_slice %arg2[%multiple_of3A_865, %dma_wait3A_867] : memref<100000x128xf32, #tpu.memory_space<hbm>> -> memref<136x128xf32, #tpu.memory_space<hbm>>
      %dma_wait3A_869 = arith.constant 0 : i32
      %dma_wait3A_870 = tpu.memref_slice %arg2[%multiple_of3A_865, %dma_wait3A_869] : memref<100000x128xf32, #tpu.memory_space<hbm>> -> memref<136x128xf32, #tpu.memory_space<hbm>>
      tpu.wait_dma2 semaphore(%arg16 : memref<!tpu.dma_semaphore, #tpu.memory_space<semaphore_mem>>) src(%dma_wait3A_870 : memref<136x128xf32, #tpu.memory_space<hbm>>) dst(%arg8 : memref<136x128xf32, #tpu.memory_space<vmem>>)
      %add3A_871 = arith.addi %mul3A_2, %add3A_831 : i32
      %mul3A_872 = arith.constant 125 : i32
      %mul3A_873 = arith.muli %add3A_871, %mul3A_872 : i32
      %add3A_874 = arith.constant 72000 : i32
      %add3A_875 = arith.addi %add3A_874, %mul3A_873 : i32
      %jit3A_876 = arith.constant 8 : i32
      %div3A_877 = arith.divsi %add3A_875, %jit3A_876 : i32
      %sign3A_878 = arith.constant 0 : i32
      %sign3A_879 = arith.cmpi sgt, %add3A_875, %sign3A_878 : i32
      %sign3A_880 = arith.extui %sign3A_879 : i1 to i32
      %sign3A_881 = arith.constant 0 : i32
      %sign3A_882 = arith.cmpi slt, %add3A_875, %sign3A_881 : i32
      %sign3A_883 = arith.extui %sign3A_882 : i1 to i32
      %sign3A_884 = arith.subi %sign3A_880, %sign3A_883 : i32
      %sign3A_885 = arith.constant 0 : i32
      %sign3A_886 = arith.cmpi sgt, %jit3A_876, %sign3A_885 : i32
      %sign3A_887 = arith.extui %sign3A_886 : i1 to i32
      %sign3A_888 = arith.constant 0 : i32
      %sign3A_889 = arith.cmpi slt, %jit3A_876, %sign3A_888 : i32
      %sign3A_890 = arith.extui %sign3A_889 : i1 to i32
      %sign3A_891 = arith.subi %sign3A_887, %sign3A_890 : i32
      %ne3A_892 = arith.cmpi ne, %sign3A_884, %sign3A_891 : i32
      %rem3A_893 = arith.remsi %add3A_875, %jit3A_876 : i32
      %ne3A_894 = arith.constant 0 : i32
      %ne3A_895 = arith.cmpi ne, %rem3A_893, %ne3A_894 : i32
      %and3A_896 = arith.andi %ne3A_892, %ne3A_895 : i1
      %sub3A_897 = arith.constant 1 : i32
      %sub3A_898 = arith.subi %div3A_877, %sub3A_897 : i32
      %select_n3A_899 = arith.select %and3A_896, %sub3A_898, %div3A_877 : i32
      %mul3A_900 = arith.constant 8 : i32
      %mul3A_901 = arith.muli %select_n3A_899, %mul3A_900 : i32
      %min3A_902 = arith.constant 99864 : i32
      %min3A_903 = arith.minsi %mul3A_901, %min3A_902 : i32
      %multiple_of3A_904 = tpu.assume_multiple %min3A_903, 8 : i32
      %sub3A_905 = arith.subi %add3A_875, %multiple_of3A_904 : i32
      %add3A_906 = arith.constant 0 : i32
      %add3A_907 = vector.broadcast %add3A_906 : i32 to vector<16xi32>
      %add3A_908 = arith.addi %add3A_907, %iota3A : vector<16xi32>
      %min3A_909 = arith.constant 124 : i32
      %min3A_910 = vector.broadcast %min3A_909 : i32 to vector<16xi32>
      %min3A_911 = arith.minsi %add3A_908, %min3A_910 : vector<16xi32>
      %add3A_912 = vector.broadcast %sub3A_905 : i32 to vector<16xi32>
      %add3A_913 = arith.addi %min3A_911, %add3A_912 : vector<16xi32>
      %add3A_914 = arith.constant 16 : i32
      %add3A_915 = vector.broadcast %add3A_914 : i32 to vector<16xi32>
      %add3A_916 = arith.addi %add3A_915, %iota3A : vector<16xi32>
      %min3A_917 = arith.constant 124 : i32
      %min3A_918 = vector.broadcast %min3A_917 : i32 to vector<16xi32>
      %min3A_919 = arith.minsi %add3A_916, %min3A_918 : vector<16xi32>
      %add3A_920 = vector.broadcast %sub3A_905 : i32 to vector<16xi32>
      %add3A_921 = arith.addi %min3A_919, %add3A_920 : vector<16xi32>
      %add3A_922 = arith.constant 32 : i32
      %add3A_923 = vector.broadcast %add3A_922 : i32 to vector<16xi32>
      %add3A_924 = arith.addi %add3A_923, %iota3A : vector<16xi32>
      %min3A_925 = arith.constant 124 : i32
      %min3A_926 = vector.broadcast %min3A_925 : i32 to vector<16xi32>
      %min3A_927 = arith.minsi %add3A_924, %min3A_926 : vector<16xi32>
      %add3A_928 = vector.broadcast %sub3A_905 : i32 to vector<16xi32>
      %add3A_929 = arith.addi %min3A_927, %add3A_928 : vector<16xi32>
      %add3A_930 = arith.constant 48 : i32
      %add3A_931 = vector.broadcast %add3A_930 : i32 to vector<16xi32>
      %add3A_932 = arith.addi %add3A_931, %iota3A : vector<16xi32>
      %min3A_933 = arith.constant 124 : i32
      %min3A_934 = vector.broadcast %min3A_933 : i32 to vector<16xi32>
      %min3A_935 = arith.minsi %add3A_932, %min3A_934 : vector<16xi32>
      %add3A_936 = vector.broadcast %sub3A_905 : i32 to vector<16xi32>
      %add3A_937 = arith.addi %min3A_935, %add3A_936 : vector<16xi32>
      %add3A_938 = arith.constant 64 : i32
      %add3A_939 = vector.broadcast %add3A_938 : i32 to vector<16xi32>
      %add3A_940 = arith.addi %add3A_939, %iota3A : vector<16xi32>
      %min3A_941 = arith.constant 124 : i32
      %min3A_942 = vector.broadcast %min3A_941 : i32 to vector<16xi32>
      %min3A_943 = arith.minsi %add3A_940, %min3A_942 : vector<16xi32>
      %add3A_944 = vector.broadcast %sub3A_905 : i32 to vector<16xi32>
      %add3A_945 = arith.addi %min3A_943, %add3A_944 : vector<16xi32>
      %add3A_946 = arith.constant 80 : i32
      %add3A_947 = vector.broadcast %add3A_946 : i32 to vector<16xi32>
      %add3A_948 = arith.addi %add3A_947, %iota3A : vector<16xi32>
      %min3A_949 = arith.constant 124 : i32
      %min3A_950 = vector.broadcast %min3A_949 : i32 to vector<16xi32>
      %min3A_951 = arith.minsi %add3A_948, %min3A_950 : vector<16xi32>
      %add3A_952 = vector.broadcast %sub3A_905 : i32 to vector<16xi32>
      %add3A_953 = arith.addi %min3A_951, %add3A_952 : vector<16xi32>
      %add3A_954 = arith.constant 96 : i32
      %add3A_955 = vector.broadcast %add3A_954 : i32 to vector<16xi32>
      %add3A_956 = arith.addi %add3A_955, %iota3A : vector<16xi32>
      %min3A_957 = arith.constant 124 : i32
      %min3A_958 = vector.broadcast %min3A_957 : i32 to vector<16xi32>
      %min3A_959 = arith.minsi %add3A_956, %min3A_958 : vector<16xi32>
      %add3A_960 = vector.broadcast %sub3A_905 : i32 to vector<16xi32>
      %add3A_961 = arith.addi %min3A_959, %add3A_960 : vector<16xi32>
      %add3A_962 = arith.constant 112 : i32
      %add3A_963 = vector.broadcast %add3A_962 : i32 to vector<16xi32>
      %add3A_964 = arith.addi %add3A_963, %iota3A : vector<16xi32>
      %min3A_965 = arith.constant 124 : i32
      %min3A_966 = vector.broadcast %min3A_965 : i32 to vector<16xi32>
      %min3A_967 = arith.minsi %add3A_964, %min3A_966 : vector<16xi32>
      %add3A_968 = vector.broadcast %sub3A_905 : i32 to vector<16xi32>
      %add3A_969 = arith.addi %min3A_967, %add3A_968 : vector<16xi32>
      %broadcast_in_dim3A_970 = arith.constant 0.000000e+00 : f32
      %broadcast_in_dim3A_971 = vector.broadcast %broadcast_in_dim3A_970 : f32 to vector<16xf32>
      %broadcast_in_dim3A_972 = arith.constant 0.000000e+00 : f32
      %broadcast_in_dim3A_973 = vector.broadcast %broadcast_in_dim3A_972 : f32 to vector<16xf32>
      %broadcast_in_dim3A_974 = arith.constant 0.000000e+00 : f32
      %broadcast_in_dim3A_975 = vector.broadcast %broadcast_in_dim3A_974 : f32 to vector<16xf32>
      %broadcast_in_dim3A_976 = arith.constant 0.000000e+00 : f32
      %broadcast_in_dim3A_977 = vector.broadcast %broadcast_in_dim3A_976 : f32 to vector<16xf32>
      %broadcast_in_dim3A_978 = arith.constant 0.000000e+00 : f32
      %broadcast_in_dim3A_979 = vector.broadcast %broadcast_in_dim3A_978 : f32 to vector<16xf32>
      %broadcast_in_dim3A_980 = arith.constant 0.000000e+00 : f32
      %broadcast_in_dim3A_981 = vector.broadcast %broadcast_in_dim3A_980 : f32 to vector<16xf32>
      %broadcast_in_dim3A_982 = arith.constant 0.000000e+00 : f32
      %broadcast_in_dim3A_983 = vector.broadcast %broadcast_in_dim3A_982 : f32 to vector<16xf32>
      %broadcast_in_dim3A_984 = arith.constant 0.000000e+00 : f32
      %broadcast_in_dim3A_985 = vector.broadcast %broadcast_in_dim3A_984 : f32 to vector<16xf32>
      %scan3A_986 = arith.constant 0 : i32
      %scan3A_987 = arith.constant 128 : i32
      %scan3A_988 = arith.addi %scan3A_986, %scan3A_987 : i32
      %scan3A_989 = arith.constant 4 : i32
      %scan3A_990:8 = scf.for %scan3A_1047 = %scan3A_986 to %scan3A_988 step %scan3A_989 iter_args(%scan3A_1048 = %broadcast_in_dim3A_971, %scan3A_1049 = %broadcast_in_dim3A_973, %scan3A_1050 = %broadcast_in_dim3A_975, %scan3A_1051 = %broadcast_in_dim3A_977, %scan3A_1052 = %broadcast_in_dim3A_979, %scan3A_1053 = %broadcast_in_dim3A_981, %scan3A_1054 = %broadcast_in_dim3A_983, %scan3A_1055 = %broadcast_in_dim3A_985) -> (vector<16xf32>, vector<16xf32>, vector<16xf32>, vector<16xf32>, vector<16xf32>, vector<16xf32>, vector<16xf32>, vector<16xf32>)  : i32 {
        %add3A_1056 = vector.broadcast %scan3A_1047 : i32 to vector<16xi32>
        %add3A_1057 = arith.addi %add3A_1056, %iota3A : vector<16xi32>
        %and3A_1058 = arith.constant 127 : i32
        %and3A_1059 = vector.broadcast %and3A_1058 : i32 to vector<16xi32>
        %and3A_1060 = arith.andi %add3A_1057, %and3A_1059 : vector<16xi32>
        %get3A = arith.index_cast %scan3A_1047 : i32 to index
        %get3A_1061 = tpu.vector_load %arg11[%get3A] {strides = array<i32>} : memref<256xf32, #tpu.memory_space<vmem>>, vector<16xf32>,
        %gather3A = tpu.vector_load_idx %arg8[%add3A_913, %and3A_1060] : memref<136x128xf32, #tpu.memory_space<vmem>>[vector<16xi32>, vector<16xi32>], vector<16xf32>,
        %mul3A_1062 = arith.mulf %gather3A, %get3A_1061 : vector<16xf32>
        %add3A_1063 = arith.addf %scan3A_1048, %mul3A_1062 : vector<16xf32>
        %gather3A_1064 = tpu.vector_load_idx %arg8[%add3A_921, %and3A_1060] : memref<136x128xf32, #tpu.memory_space<vmem>>[vector<16xi32>, vector<16xi32>], vector<16xf32>,
        %mul3A_1065 = arith.mulf %gather3A_1064, %get3A_1061 : vector<16xf32>
        %add3A_1066 = arith.addf %scan3A_1049, %mul3A_1065 : vector<16xf32>
        %gather3A_1067 = tpu.vector_load_idx %arg8[%add3A_929, %and3A_1060] : memref<136x128xf32, #tpu.memory_space<vmem>>[vector<16xi32>, vector<16xi32>], vector<16xf32>,
        %mul3A_1068 = arith.mulf %gather3A_1067, %get3A_1061 : vector<16xf32>
        %add3A_1069 = arith.addf %scan3A_1050, %mul3A_1068 : vector<16xf32>
        %gather3A_1070 = tpu.vector_load_idx %arg8[%add3A_937, %and3A_1060] : memref<136x128xf32, #tpu.memory_space<vmem>>[vector<16xi32>, vector<16xi32>], vector<16xf32>,
        %mul3A_1071 = arith.mulf %gather3A_1070, %get3A_1061 : vector<16xf32>
        %add3A_1072 = arith.addf %scan3A_1051, %mul3A_1071 : vector<16xf32>
        %gather3A_1073 = tpu.vector_load_idx %arg8[%add3A_945, %and3A_1060] : memref<136x128xf32, #tpu.memory_space<vmem>>[vector<16xi32>, vector<16xi32>], vector<16xf32>,
        %mul3A_1074 = arith.mulf %gather3A_1073, %get3A_1061 : vector<16xf32>
        %add3A_1075 = arith.addf %scan3A_1052, %mul3A_1074 : vector<16xf32>
        %gather3A_1076 = tpu.vector_load_idx %arg8[%add3A_953, %and3A_1060] : memref<136x128xf32, #tpu.memory_space<vmem>>[vector<16xi32>, vector<16xi32>], vector<16xf32>,
        %mul3A_1077 = arith.mulf %gather3A_1076, %get3A_1061 : vector<16xf32>
        %add3A_1078 = arith.addf %scan3A_1053, %mul3A_1077 : vector<16xf32>
        %gather3A_1079 = tpu.vector_load_idx %arg8[%add3A_961, %and3A_1060] : memref<136x128xf32, #tpu.memory_space<vmem>>[vector<16xi32>, vector<16xi32>], vector<16xf32>,
        %mul3A_1080 = arith.mulf %gather3A_1079, %get3A_1061 : vector<16xf32>
        %add3A_1081 = arith.addf %scan3A_1054, %mul3A_1080 : vector<16xf32>
        %gather3A_1082 = tpu.vector_load_idx %arg8[%add3A_969, %and3A_1060] : memref<136x128xf32, #tpu.memory_space<vmem>>[vector<16xi32>, vector<16xi32>], vector<16xf32>,
        %mul3A_1083 = arith.mulf %gather3A_1082, %get3A_1061 : vector<16xf32>
        %add3A_1084 = arith.addf %scan3A_1055, %mul3A_1083 : vector<16xf32>
        %scan3A_1085 = arith.constant 1 : i32
        %scan3A_1086 = arith.addi %scan3A_1047, %scan3A_1085 : i32
        %add3A_1087 = vector.broadcast %scan3A_1086 : i32 to vector<16xi32>
        %add3A_1088 = arith.addi %add3A_1087, %iota3A : vector<16xi32>
        %and3A_1089 = arith.constant 127 : i32
        %and3A_1090 = vector.broadcast %and3A_1089 : i32 to vector<16xi32>
        %and3A_1091 = arith.andi %add3A_1088, %and3A_1090 : vector<16xi32>
        %get3A_1092 = arith.index_cast %scan3A_1086 : i32 to index
        %get3A_1093 = tpu.vector_load %arg11[%get3A_1092] {strides = array<i32>} : memref<256xf32, #tpu.memory_space<vmem>>, vector<16xf32>,
        %gather3A_1094 = tpu.vector_load_idx %arg8[%add3A_913, %and3A_1091] : memref<136x128xf32, #tpu.memory_space<vmem>>[vector<16xi32>, vector<16xi32>], vector<16xf32>,
        %mul3A_1095 = arith.mulf %gather3A_1094, %get3A_1093 : vector<16xf32>
        %add3A_1096 = arith.addf %add3A_1063, %mul3A_1095 : vector<16xf32>
        %gather3A_1097 = tpu.vector_load_idx %arg8[%add3A_921, %and3A_1091] : memref<136x128xf32, #tpu.memory_space<vmem>>[vector<16xi32>, vector<16xi32>], vector<16xf32>,
        %mul3A_1098 = arith.mulf %gather3A_1097, %get3A_1093 : vector<16xf32>
        %add3A_1099 = arith.addf %add3A_1066, %mul3A_1098 : vector<16xf32>
        %gather3A_1100 = tpu.vector_load_idx %arg8[%add3A_929, %and3A_1091] : memref<136x128xf32, #tpu.memory_space<vmem>>[vector<16xi32>, vector<16xi32>], vector<16xf32>,
        %mul3A_1101 = arith.mulf %gather3A_1100, %get3A_1093 : vector<16xf32>
        %add3A_1102 = arith.addf %add3A_1069, %mul3A_1101 : vector<16xf32>
        %gather3A_1103 = tpu.vector_load_idx %arg8[%add3A_937, %and3A_1091] : memref<136x128xf32, #tpu.memory_space<vmem>>[vector<16xi32>, vector<16xi32>], vector<16xf32>,
        %mul3A_1104 = arith.mulf %gather3A_1103, %get3A_1093 : vector<16xf32>
        %add3A_1105 = arith.addf %add3A_1072, %mul3A_1104 : vector<16xf32>
        %gather3A_1106 = tpu.vector_load_idx %arg8[%add3A_945, %and3A_1091] : memref<136x128xf32, #tpu.memory_space<vmem>>[vector<16xi32>, vector<16xi32>], vector<16xf32>,
        %mul3A_1107 = arith.mulf %gather3A_1106, %get3A_1093 : vector<16xf32>
        %add3A_1108 = arith.addf %add3A_1075, %mul3A_1107 : vector<16xf32>
        %gather3A_1109 = tpu.vector_load_idx %arg8[%add3A_953, %and3A_1091] : memref<136x128xf32, #tpu.memory_space<vmem>>[vector<16xi32>, vector<16xi32>], vector<16xf32>,
        %mul3A_1110 = arith.mulf %gather3A_1109, %get3A_1093 : vector<16xf32>
        %add3A_1111 = arith.addf %add3A_1078, %mul3A_1110 : vector<16xf32>
        %gather3A_1112 = tpu.vector_load_idx %arg8[%add3A_961, %and3A_1091] : memref<136x128xf32, #tpu.memory_space<vmem>>[vector<16xi32>, vector<16xi32>], vector<16xf32>,
        %mul3A_1113 = arith.mulf %gather3A_1112, %get3A_1093 : vector<16xf32>
        %add3A_1114 = arith.addf %add3A_1081, %mul3A_1113 : vector<16xf32>
        %gather3A_1115 = tpu.vector_load_idx %arg8[%add3A_969, %and3A_1091] : memref<136x128xf32, #tpu.memory_space<vmem>>[vector<16xi32>, vector<16xi32>], vector<16xf32>,
        %mul3A_1116 = arith.mulf %gather3A_1115, %get3A_1093 : vector<16xf32>
        %add3A_1117 = arith.addf %add3A_1084, %mul3A_1116 : vector<16xf32>
        %scan3A_1118 = arith.constant 2 : i32
        %scan3A_1119 = arith.addi %scan3A_1047, %scan3A_1118 : i32
        %add3A_1120 = vector.broadcast %scan3A_1119 : i32 to vector<16xi32>
        %add3A_1121 = arith.addi %add3A_1120, %iota3A : vector<16xi32>
        %and3A_1122 = arith.constant 127 : i32
        %and3A_1123 = vector.broadcast %and3A_1122 : i32 to vector<16xi32>
        %and3A_1124 = arith.andi %add3A_1121, %and3A_1123 : vector<16xi32>
        %get3A_1125 = arith.index_cast %scan3A_1119 : i32 to index
        %get3A_1126 = tpu.vector_load %arg11[%get3A_1125] {strides = array<i32>} : memref<256xf32, #tpu.memory_space<vmem>>, vector<16xf32>,
        %gather3A_1127 = tpu.vector_load_idx %arg8[%add3A_913, %and3A_1124] : memref<136x128xf32, #tpu.memory_space<vmem>>[vector<16xi32>, vector<16xi32>], vector<16xf32>,
        %mul3A_1128 = arith.mulf %gather3A_1127, %get3A_1126 : vector<16xf32>
        %add3A_1129 = arith.addf %add3A_1096, %mul3A_1128 : vector<16xf32>
        %gather3A_1130 = tpu.vector_load_idx %arg8[%add3A_921, %and3A_1124] : memref<136x128xf32, #tpu.memory_space<vmem>>[vector<16xi32>, vector<16xi32>], vector<16xf32>,
        %mul3A_1131 = arith.mulf %gather3A_1130, %get3A_1126 : vector<16xf32>
        %add3A_1132 = arith.addf %add3A_1099, %mul3A_1131 : vector<16xf32>
        %gather3A_1133 = tpu.vector_load_idx %arg8[%add3A_929, %and3A_1124] : memref<136x128xf32, #tpu.memory_space<vmem>>[vector<16xi32>, vector<16xi32>], vector<16xf32>,
        %mul3A_1134 = arith.mulf %gather3A_1133, %get3A_1126 : vector<16xf32>
        %add3A_1135 = arith.addf %add3A_1102, %mul3A_1134 : vector<16xf32>
        %gather3A_1136 = tpu.vector_load_idx %arg8[%add3A_937, %and3A_1124] : memref<136x128xf32, #tpu.memory_space<vmem>>[vector<16xi32>, vector<16xi32>], vector<16xf32>,
        %mul3A_1137 = arith.mulf %gather3A_1136, %get3A_1126 : vector<16xf32>
        %add3A_1138 = arith.addf %add3A_1105, %mul3A_1137 : vector<16xf32>
        %gather3A_1139 = tpu.vector_load_idx %arg8[%add3A_945, %and3A_1124] : memref<136x128xf32, #tpu.memory_space<vmem>>[vector<16xi32>, vector<16xi32>], vector<16xf32>,
        %mul3A_1140 = arith.mulf %gather3A_1139, %get3A_1126 : vector<16xf32>
        %add3A_1141 = arith.addf %add3A_1108, %mul3A_1140 : vector<16xf32>
        %gather3A_1142 = tpu.vector_load_idx %arg8[%add3A_953, %and3A_1124] : memref<136x128xf32, #tpu.memory_space<vmem>>[vector<16xi32>, vector<16xi32>], vector<16xf32>,
        %mul3A_1143 = arith.mulf %gather3A_1142, %get3A_1126 : vector<16xf32>
        %add3A_1144 = arith.addf %add3A_1111, %mul3A_1143 : vector<16xf32>
        %gather3A_1145 = tpu.vector_load_idx %arg8[%add3A_961, %and3A_1124] : memref<136x128xf32, #tpu.memory_space<vmem>>[vector<16xi32>, vector<16xi32>], vector<16xf32>,
        %mul3A_1146 = arith.mulf %gather3A_1145, %get3A_1126 : vector<16xf32>
        %add3A_1147 = arith.addf %add3A_1114, %mul3A_1146 : vector<16xf32>
        %gather3A_1148 = tpu.vector_load_idx %arg8[%add3A_969, %and3A_1124] : memref<136x128xf32, #tpu.memory_space<vmem>>[vector<16xi32>, vector<16xi32>], vector<16xf32>,
        %mul3A_1149 = arith.mulf %gather3A_1148, %get3A_1126 : vector<16xf32>
        %add3A_1150 = arith.addf %add3A_1117, %mul3A_1149 : vector<16xf32>
        %scan3A_1151 = arith.constant 3 : i32
        %scan3A_1152 = arith.addi %scan3A_1047, %scan3A_1151 : i32
        %add3A_1153 = vector.broadcast %scan3A_1152 : i32 to vector<16xi32>
        %add3A_1154 = arith.addi %add3A_1153, %iota3A : vector<16xi32>
        %and3A_1155 = arith.constant 127 : i32
        %and3A_1156 = vector.broadcast %and3A_1155 : i32 to vector<16xi32>
        %and3A_1157 = arith.andi %add3A_1154, %and3A_1156 : vector<16xi32>
        %get3A_1158 = arith.index_cast %scan3A_1152 : i32 to index
        %get3A_1159 = tpu.vector_load %arg11[%get3A_1158] {strides = array<i32>} : memref<256xf32, #tpu.memory_space<vmem>>, vector<16xf32>,
        %gather3A_1160 = tpu.vector_load_idx %arg8[%add3A_913, %and3A_1157] : memref<136x128xf32, #tpu.memory_space<vmem>>[vector<16xi32>, vector<16xi32>], vector<16xf32>,
        %mul3A_1161 = arith.mulf %gather3A_1160, %get3A_1159 : vector<16xf32>
        %add3A_1162 = arith.addf %add3A_1129, %mul3A_1161 : vector<16xf32>
        %gather3A_1163 = tpu.vector_load_idx %arg8[%add3A_921, %and3A_1157] : memref<136x128xf32, #tpu.memory_space<vmem>>[vector<16xi32>, vector<16xi32>], vector<16xf32>,
        %mul3A_1164 = arith.mulf %gather3A_1163, %get3A_1159 : vector<16xf32>
        %add3A_1165 = arith.addf %add3A_1132, %mul3A_1164 : vector<16xf32>
        %gather3A_1166 = tpu.vector_load_idx %arg8[%add3A_929, %and3A_1157] : memref<136x128xf32, #tpu.memory_space<vmem>>[vector<16xi32>, vector<16xi32>], vector<16xf32>,
        %mul3A_1167 = arith.mulf %gather3A_1166, %get3A_1159 : vector<16xf32>
        %add3A_1168 = arith.addf %add3A_1135, %mul3A_1167 : vector<16xf32>
        %gather3A_1169 = tpu.vector_load_idx %arg8[%add3A_937, %and3A_1157] : memref<136x128xf32, #tpu.memory_space<vmem>>[vector<16xi32>, vector<16xi32>], vector<16xf32>,
        %mul3A_1170 = arith.mulf %gather3A_1169, %get3A_1159 : vector<16xf32>
        %add3A_1171 = arith.addf %add3A_1138, %mul3A_1170 : vector<16xf32>
        %gather3A_1172 = tpu.vector_load_idx %arg8[%add3A_945, %and3A_1157] : memref<136x128xf32, #tpu.memory_space<vmem>>[vector<16xi32>, vector<16xi32>], vector<16xf32>,
        %mul3A_1173 = arith.mulf %gather3A_1172, %get3A_1159 : vector<16xf32>
        %add3A_1174 = arith.addf %add3A_1141, %mul3A_1173 : vector<16xf32>
        %gather3A_1175 = tpu.vector_load_idx %arg8[%add3A_953, %and3A_1157] : memref<136x128xf32, #tpu.memory_space<vmem>>[vector<16xi32>, vector<16xi32>], vector<16xf32>,
        %mul3A_1176 = arith.mulf %gather3A_1175, %get3A_1159 : vector<16xf32>
        %add3A_1177 = arith.addf %add3A_1144, %mul3A_1176 : vector<16xf32>
        %gather3A_1178 = tpu.vector_load_idx %arg8[%add3A_961, %and3A_1157] : memref<136x128xf32, #tpu.memory_space<vmem>>[vector<16xi32>, vector<16xi32>], vector<16xf32>,
        %mul3A_1179 = arith.mulf %gather3A_1178, %get3A_1159 : vector<16xf32>
        %add3A_1180 = arith.addf %add3A_1147, %mul3A_1179 : vector<16xf32>
        %gather3A_1181 = tpu.vector_load_idx %arg8[%add3A_969, %and3A_1157] : memref<136x128xf32, #tpu.memory_space<vmem>>[vector<16xi32>, vector<16xi32>], vector<16xf32>,
        %mul3A_1182 = arith.mulf %gather3A_1181, %get3A_1159 : vector<16xf32>
        %add3A_1183 = arith.addf %add3A_1150, %mul3A_1182 : vector<16xf32>
        scf.yield %add3A_1162, %add3A_1165, %add3A_1168, %add3A_1171, %add3A_1174, %add3A_1177, %add3A_1180, %add3A_1183 : vector<16xf32>, vector<16xf32>, vector<16xf32>, vector<16xf32>, vector<16xf32>, vector<16xf32>, vector<16xf32>, vector<16xf32>
      }
      %scan3A_991 = arith.constant 128 : i32
      %mul3A_992 = arith.constant 125 : i32
      %mul3A_993 = arith.muli %add3A_831, %mul3A_992 : i32
      %add3A_994 = arith.constant 0 : i32
      %add3A_995 = arith.addi %mul3A_993, %add3A_994 : i32
      %swap3A_996 = arith.index_cast %add3A_995 : i32 to index
      %swap3A_997 = tpu.vector_load %arg12[%swap3A_996] {strides = array<i32>} : memref<880xf32, #tpu.memory_space<vmem>>, vector<16xf32>,
      tpu.vector_store %arg12[%swap3A_996], %scan3A_990#0 {strides = array<i32>} : memref<880xf32, #tpu.memory_space<vmem>>, vector<16xf32>,
      %mul3A_998 = arith.constant 125 : i32
      %mul3A_999 = arith.muli %add3A_831, %mul3A_998 : i32
      %add3A_1000 = arith.constant 16 : i32
      %add3A_1001 = arith.addi %mul3A_999, %add3A_1000 : i32
      %swap3A_1002 = arith.index_cast %add3A_1001 : i32 to index
      %swap3A_1003 = tpu.vector_load %arg12[%swap3A_1002] {strides = array<i32>} : memref<880xf32, #tpu.memory_space<vmem>>, vector<16xf32>,
      tpu.vector_store %arg12[%swap3A_1002], %scan3A_990#1 {strides = array<i32>} : memref<880xf32, #tpu.memory_space<vmem>>, vector<16xf32>,
      %mul3A_1004 = arith.constant 125 : i32
      %mul3A_1005 = arith.muli %add3A_831, %mul3A_1004 : i32
      %add3A_1006 = arith.constant 32 : i32
      %add3A_1007 = arith.addi %mul3A_1005, %add3A_1006 : i32
      %swap3A_1008 = arith.index_cast %add3A_1007 : i32 to index
      %swap3A_1009 = tpu.vector_load %arg12[%swap3A_1008] {strides = array<i32>} : memref<880xf32, #tpu.memory_space<vmem>>, vector<16xf32>,
      tpu.vector_store %arg12[%swap3A_1008], %scan3A_990#2 {strides = array<i32>} : memref<880xf32, #tpu.memory_space<vmem>>, vector<16xf32>,
      %mul3A_1010 = arith.constant 125 : i32
      %mul3A_1011 = arith.muli %add3A_831, %mul3A_1010 : i32
      %add3A_1012 = arith.constant 48 : i32
      %add3A_1013 = arith.addi %mul3A_1011, %add3A_1012 : i32
      %swap3A_1014 = arith.index_cast %add3A_1013 : i32 to index
      %swap3A_1015 = tpu.vector_load %arg12[%swap3A_1014] {strides = array<i32>} : memref<880xf32, #tpu.memory_space<vmem>>, vector<16xf32>,
      tpu.vector_store %arg12[%swap3A_1014], %scan3A_990#3 {strides = array<i32>} : memref<880xf32, #tpu.memory_space<vmem>>, vector<16xf32>,
      %mul3A_1016 = arith.constant 125 : i32
      %mul3A_1017 = arith.muli %add3A_831, %mul3A_1016 : i32
      %add3A_1018 = arith.constant 64 : i32
      %add3A_1019 = arith.addi %mul3A_1017, %add3A_1018 : i32
      %swap3A_1020 = arith.index_cast %add3A_1019 : i32 to index
      %swap3A_1021 = tpu.vector_load %arg12[%swap3A_1020] {strides = array<i32>} : memref<880xf32, #tpu.memory_space<vmem>>, vector<16xf32>,
      tpu.vector_store %arg12[%swap3A_1020], %scan3A_990#4 {strides = array<i32>} : memref<880xf32, #tpu.memory_space<vmem>>, vector<16xf32>,
      %mul3A_1022 = arith.constant 125 : i32
      %mul3A_1023 = arith.muli %add3A_831, %mul3A_1022 : i32
      %add3A_1024 = arith.constant 80 : i32
      %add3A_1025 = arith.addi %mul3A_1023, %add3A_1024 : i32
      %swap3A_1026 = arith.index_cast %add3A_1025 : i32 to index
      %swap3A_1027 = tpu.vector_load %arg12[%swap3A_1026] {strides = array<i32>} : memref<880xf32, #tpu.memory_space<vmem>>, vector<16xf32>,
      tpu.vector_store %arg12[%swap3A_1026], %scan3A_990#5 {strides = array<i32>} : memref<880xf32, #tpu.memory_space<vmem>>, vector<16xf32>,
      %mul3A_1028 = arith.constant 125 : i32
      %mul3A_1029 = arith.muli %add3A_831, %mul3A_1028 : i32
      %add3A_1030 = arith.constant 96 : i32
      %add3A_1031 = arith.addi %mul3A_1029, %add3A_1030 : i32
      %swap3A_1032 = arith.index_cast %add3A_1031 : i32 to index
      %swap3A_1033 = tpu.vector_load %arg12[%swap3A_1032] {strides = array<i32>} : memref<880xf32, #tpu.memory_space<vmem>>, vector<16xf32>,
      tpu.vector_store %arg12[%swap3A_1032], %scan3A_990#6 {strides = array<i32>} : memref<880xf32, #tpu.memory_space<vmem>>, vector<16xf32>,
      %mul3A_1034 = arith.constant 125 : i32
      %mul3A_1035 = arith.muli %add3A_831, %mul3A_1034 : i32
      %add3A_1036 = arith.constant 112 : i32
      %add3A_1037 = arith.addi %mul3A_1035, %add3A_1036 : i32
      %swap3A_1038 = arith.index_cast %add3A_1037 : i32 to index
      %swap3A_1039 = tpu.vector_load %arg12[%swap3A_1038] {strides = array<i32>} : memref<880xf32, #tpu.memory_space<vmem>>, vector<16xf32>,
      tpu.vector_store %arg12[%swap3A_1038], %scan3A_990#7 {strides = array<i32>} : memref<880xf32, #tpu.memory_space<vmem>>, vector<16xf32>,
      %add3A_1040 = arith.constant 3 : i32
      %add3A_1041 = arith.addi %add3A_831, %add3A_1040 : i32
      %lt3A_1042 = arith.constant 7 : i32
      %lt3A_1043 = arith.cmpi slt, %add3A_1041, %lt3A_1042 : i32
      %convert_element_type3A_1044 = arith.extui %lt3A_1043 : i1 to i32
      %cond3A_1045 = arith.constant 0 : i32
      %cond3A_1046 = arith.cmpi ne, %convert_element_type3A_1044, %cond3A_1045 : i32
      scf.if %cond3A_1046 {
        %add3A_1047 = arith.constant 3 : i32
        %add3A_1048 = arith.addi %add3A_831, %add3A_1047 : i32
        %add3A_1049 = arith.addi %mul3A_2, %add3A_1048 : i32
        %mul3A_1050 = arith.constant 125 : i32
        %mul3A_1051 = arith.muli %add3A_1049, %mul3A_1050 : i32
        %add3A_1052 = arith.constant 72000 : i32
        %add3A_1053 = arith.addi %add3A_1052, %mul3A_1051 : i32
        %jit3A_1054 = arith.constant 8 : i32
        %div3A_1055 = arith.divsi %add3A_1053, %jit3A_1054 : i32
        %sign3A_1056 = arith.constant 0 : i32
        %sign3A_1057 = arith.cmpi sgt, %add3A_1053, %sign3A_1056 : i32
        %sign3A_1058 = arith.extui %sign3A_1057 : i1 to i32
        %sign3A_1059 = arith.constant 0 : i32
        %sign3A_1060 = arith.cmpi slt, %add3A_1053, %sign3A_1059 : i32
        %sign3A_1061 = arith.extui %sign3A_1060 : i1 to i32
        %sign3A_1062 = arith.subi %sign3A_1058, %sign3A_1061 : i32
        %sign3A_1063 = arith.constant 0 : i32
        %sign3A_1064 = arith.cmpi sgt, %jit3A_1054, %sign3A_1063 : i32
        %sign3A_1065 = arith.extui %sign3A_1064 : i1 to i32
        %sign3A_1066 = arith.constant 0 : i32
        %sign3A_1067 = arith.cmpi slt, %jit3A_1054, %sign3A_1066 : i32
        %sign3A_1068 = arith.extui %sign3A_1067 : i1 to i32
        %sign3A_1069 = arith.subi %sign3A_1065, %sign3A_1068 : i32
        %ne3A_1070 = arith.cmpi ne, %sign3A_1062, %sign3A_1069 : i32
        %rem3A_1071 = arith.remsi %add3A_1053, %jit3A_1054 : i32
        %ne3A_1072 = arith.constant 0 : i32
        %ne3A_1073 = arith.cmpi ne, %rem3A_1071, %ne3A_1072 : i32
        %and3A_1074 = arith.andi %ne3A_1070, %ne3A_1073 : i1
        %sub3A_1075 = arith.constant 1 : i32
        %sub3A_1076 = arith.subi %div3A_1055, %sub3A_1075 : i32
        %select_n3A_1077 = arith.select %and3A_1074, %sub3A_1076, %div3A_1055 : i32
        %mul3A_1078 = arith.constant 8 : i32
        %mul3A_1079 = arith.muli %select_n3A_1077, %mul3A_1078 : i32
        %min3A_1080 = arith.constant 99864 : i32
        %min3A_1081 = arith.minsi %mul3A_1079, %min3A_1080 : i32
        %multiple_of3A_1082 = tpu.assume_multiple %min3A_1081, 8 : i32
        %sub3A_1083 = arith.subi %add3A_1053, %multiple_of3A_1082 : i32
        %dma_start3A_1084 = arith.constant 0 : i32
        %dma_start3A_1085 = tpu.memref_slice %arg2[%multiple_of3A_1082, %dma_start3A_1084] : memref<100000x128xf32, #tpu.memory_space<hbm>> -> memref<136x128xf32, #tpu.memory_space<hbm>>
        %dma_start3A_1086 = arith.constant 0 : i32
        %dma_start3A_1087 = tpu.memref_slice %arg2[%multiple_of3A_1082, %dma_start3A_1086] : memref<100000x128xf32, #tpu.memory_space<hbm>> -> memref<136x128xf32, #tpu.memory_space<hbm>>
        tpu.enqueue_dma source(%dma_start3A_1087 : memref<136x128xf32, #tpu.memory_space<hbm>>) target(%arg8 : memref<136x128xf32, #tpu.memory_space<vmem>>) target_semaphore(%arg16 : memref<!tpu.dma_semaphore, #tpu.memory_space<semaphore_mem>>)
      } else {
      }
    }
    %scan3A_216 = arith.constant 2 : i32
    %add3A_217 = arith.constant 6 : i32
    %add3A_218 = arith.addi %mul3A_2, %add3A_217 : i32
    %mul3A_219 = arith.constant 125 : i32
    %mul3A_220 = arith.muli %add3A_218, %mul3A_219 : i32
    %add3A_221 = arith.constant 72000 : i32
    %add3A_222 = arith.addi %add3A_221, %mul3A_220 : i32
    %jit3A_223 = arith.constant 8 : i32
    %div3A_224 = arith.divsi %add3A_222, %jit3A_223 : i32
    %sign3A_225 = arith.constant 0 : i32
    %sign3A_226 = arith.cmpi sgt, %add3A_222, %sign3A_225 : i32
    %sign3A_227 = arith.extui %sign3A_226 : i1 to i32
    %sign3A_228 = arith.constant 0 : i32
    %sign3A_229 = arith.cmpi slt, %add3A_222, %sign3A_228 : i32
    %sign3A_230 = arith.extui %sign3A_229 : i1 to i32
    %sign3A_231 = arith.subi %sign3A_227, %sign3A_230 : i32
    %sign3A_232 = arith.constant 0 : i32
    %sign3A_233 = arith.cmpi sgt, %jit3A_223, %sign3A_232 : i32
    %sign3A_234 = arith.extui %sign3A_233 : i1 to i32
    %sign3A_235 = arith.constant 0 : i32
    %sign3A_236 = arith.cmpi slt, %jit3A_223, %sign3A_235 : i32
    %sign3A_237 = arith.extui %sign3A_236 : i1 to i32
    %sign3A_238 = arith.subi %sign3A_234, %sign3A_237 : i32
    %ne3A_239 = arith.cmpi ne, %sign3A_231, %sign3A_238 : i32
    %rem3A_240 = arith.remsi %add3A_222, %jit3A_223 : i32
    %ne3A_241 = arith.constant 0 : i32
    %ne3A_242 = arith.cmpi ne, %rem3A_240, %ne3A_241 : i32
    %and3A_243 = arith.andi %ne3A_239, %ne3A_242 : i1
    %sub3A_244 = arith.constant 1 : i32
    %sub3A_245 = arith.subi %div3A_224, %sub3A_244 : i32
    %select_n3A_246 = arith.select %and3A_243, %sub3A_245, %div3A_224 : i32
    %mul3A_247 = arith.constant 8 : i32
    %mul3A_248 = arith.muli %select_n3A_246, %mul3A_247 : i32
    %min3A_249 = arith.constant 99864 : i32
    %min3A_250 = arith.minsi %mul3A_248, %min3A_249 : i32
    %multiple_of3A_251 = tpu.assume_multiple %min3A_250, 8 : i32
    %sub3A_252 = arith.subi %add3A_222, %multiple_of3A_251 : i32
    %dma_wait3A = arith.constant 0 : i32
    %dma_wait3A_253 = tpu.memref_slice %arg2[%multiple_of3A_251, %dma_wait3A] : memref<100000x128xf32, #tpu.memory_space<hbm>> -> memref<136x128xf32, #tpu.memory_space<hbm>>
    %dma_wait3A_254 = arith.constant 0 : i32
    %dma_wait3A_255 = tpu.memref_slice %arg2[%multiple_of3A_251, %dma_wait3A_254] : memref<100000x128xf32, #tpu.memory_space<hbm>> -> memref<136x128xf32, #tpu.memory_space<hbm>>
    tpu.wait_dma2 semaphore(%arg14 : memref<!tpu.dma_semaphore, #tpu.memory_space<semaphore_mem>>) src(%dma_wait3A_255 : memref<136x128xf32, #tpu.memory_space<hbm>>) dst(%arg6 : memref<136x128xf32, #tpu.memory_space<vmem>>)
    %add3A_256 = arith.constant 6 : i32
    %add3A_257 = arith.addi %mul3A_2, %add3A_256 : i32
    %mul3A_258 = arith.constant 125 : i32
    %mul3A_259 = arith.muli %add3A_257, %mul3A_258 : i32
    %add3A_260 = arith.constant 72000 : i32
    %add3A_261 = arith.addi %add3A_260, %mul3A_259 : i32
    %jit3A_262 = arith.constant 8 : i32
    %div3A_263 = arith.divsi %add3A_261, %jit3A_262 : i32
    %sign3A_264 = arith.constant 0 : i32
    %sign3A_265 = arith.cmpi sgt, %add3A_261, %sign3A_264 : i32
    %sign3A_266 = arith.extui %sign3A_265 : i1 to i32
    %sign3A_267 = arith.constant 0 : i32
    %sign3A_268 = arith.cmpi slt, %add3A_261, %sign3A_267 : i32
    %sign3A_269 = arith.extui %sign3A_268 : i1 to i32
    %sign3A_270 = arith.subi %sign3A_266, %sign3A_269 : i32
    %sign3A_271 = arith.constant 0 : i32
    %sign3A_272 = arith.cmpi sgt, %jit3A_262, %sign3A_271 : i32
    %sign3A_273 = arith.extui %sign3A_272 : i1 to i32
    %sign3A_274 = arith.constant 0 : i32
    %sign3A_275 = arith.cmpi slt, %jit3A_262, %sign3A_274 : i32
    %sign3A_276 = arith.extui %sign3A_275 : i1 to i32
    %sign3A_277 = arith.subi %sign3A_273, %sign3A_276 : i32
    %ne3A_278 = arith.cmpi ne, %sign3A_270, %sign3A_277 : i32
    %rem3A_279 = arith.remsi %add3A_261, %jit3A_262 : i32
    %ne3A_280 = arith.constant 0 : i32
    %ne3A_281 = arith.cmpi ne, %rem3A_279, %ne3A_280 : i32
    %and3A_282 = arith.andi %ne3A_278, %ne3A_281 : i1
    %sub3A_283 = arith.constant 1 : i32
    %sub3A_284 = arith.subi %div3A_263, %sub3A_283 : i32
    %select_n3A_285 = arith.select %and3A_282, %sub3A_284, %div3A_263 : i32
    %mul3A_286 = arith.constant 8 : i32
    %mul3A_287 = arith.muli %select_n3A_285, %mul3A_286 : i32
    %min3A_288 = arith.constant 99864 : i32
    %min3A_289 = arith.minsi %mul3A_287, %min3A_288 : i32
    %multiple_of3A_290 = tpu.assume_multiple %min3A_289, 8 : i32
    %sub3A_291 = arith.subi %add3A_261, %multiple_of3A_290 : i32
    %add3A_292 = arith.constant 0 : i32
    %add3A_293 = vector.broadcast %add3A_292 : i32 to vector<16xi32>
    %add3A_294 = arith.addi %add3A_293, %iota3A : vector<16xi32>
    %min3A_295 = arith.constant 124 : i32
    %min3A_296 = vector.broadcast %min3A_295 : i32 to vector<16xi32>
    %min3A_297 = arith.minsi %add3A_294, %min3A_296 : vector<16xi32>
    %add3A_298 = vector.broadcast %sub3A_291 : i32 to vector<16xi32>
    %add3A_299 = arith.addi %min3A_297, %add3A_298 : vector<16xi32>
    %add3A_300 = arith.constant 16 : i32
    %add3A_301 = vector.broadcast %add3A_300 : i32 to vector<16xi32>
    %add3A_302 = arith.addi %add3A_301, %iota3A : vector<16xi32>
    %min3A_303 = arith.constant 124 : i32
    %min3A_304 = vector.broadcast %min3A_303 : i32 to vector<16xi32>
    %min3A_305 = arith.minsi %add3A_302, %min3A_304 : vector<16xi32>
    %add3A_306 = vector.broadcast %sub3A_291 : i32 to vector<16xi32>
    %add3A_307 = arith.addi %min3A_305, %add3A_306 : vector<16xi32>
    %add3A_308 = arith.constant 32 : i32
    %add3A_309 = vector.broadcast %add3A_308 : i32 to vector<16xi32>
    %add3A_310 = arith.addi %add3A_309, %iota3A : vector<16xi32>
    %min3A_311 = arith.constant 124 : i32
    %min3A_312 = vector.broadcast %min3A_311 : i32 to vector<16xi32>
    %min3A_313 = arith.minsi %add3A_310, %min3A_312 : vector<16xi32>
    %add3A_314 = vector.broadcast %sub3A_291 : i32 to vector<16xi32>
    %add3A_315 = arith.addi %min3A_313, %add3A_314 : vector<16xi32>
    %add3A_316 = arith.constant 48 : i32
    %add3A_317 = vector.broadcast %add3A_316 : i32 to vector<16xi32>
    %add3A_318 = arith.addi %add3A_317, %iota3A : vector<16xi32>
    %min3A_319 = arith.constant 124 : i32
    %min3A_320 = vector.broadcast %min3A_319 : i32 to vector<16xi32>
    %min3A_321 = arith.minsi %add3A_318, %min3A_320 : vector<16xi32>
    %add3A_322 = vector.broadcast %sub3A_291 : i32 to vector<16xi32>
    %add3A_323 = arith.addi %min3A_321, %add3A_322 : vector<16xi32>
    %add3A_324 = arith.constant 64 : i32
    %add3A_325 = vector.broadcast %add3A_324 : i32 to vector<16xi32>
    %add3A_326 = arith.addi %add3A_325, %iota3A : vector<16xi32>
    %min3A_327 = arith.constant 124 : i32
    %min3A_328 = vector.broadcast %min3A_327 : i32 to vector<16xi32>
    %min3A_329 = arith.minsi %add3A_326, %min3A_328 : vector<16xi32>
    %add3A_330 = vector.broadcast %sub3A_291 : i32 to vector<16xi32>
    %add3A_331 = arith.addi %min3A_329, %add3A_330 : vector<16xi32>
    %add3A_332 = arith.constant 80 : i32
    %add3A_333 = vector.broadcast %add3A_332 : i32 to vector<16xi32>
    %add3A_334 = arith.addi %add3A_333, %iota3A : vector<16xi32>
    %min3A_335 = arith.constant 124 : i32
    %min3A_336 = vector.broadcast %min3A_335 : i32 to vector<16xi32>
    %min3A_337 = arith.minsi %add3A_334, %min3A_336 : vector<16xi32>
    %add3A_338 = vector.broadcast %sub3A_291 : i32 to vector<16xi32>
    %add3A_339 = arith.addi %min3A_337, %add3A_338 : vector<16xi32>
    %add3A_340 = arith.constant 96 : i32
    %add3A_341 = vector.broadcast %add3A_340 : i32 to vector<16xi32>
    %add3A_342 = arith.addi %add3A_341, %iota3A : vector<16xi32>
    %min3A_343 = arith.constant 124 : i32
    %min3A_344 = vector.broadcast %min3A_343 : i32 to vector<16xi32>
    %min3A_345 = arith.minsi %add3A_342, %min3A_344 : vector<16xi32>
    %add3A_346 = vector.broadcast %sub3A_291 : i32 to vector<16xi32>
    %add3A_347 = arith.addi %min3A_345, %add3A_346 : vector<16xi32>
    %add3A_348 = arith.constant 112 : i32
    %add3A_349 = vector.broadcast %add3A_348 : i32 to vector<16xi32>
    %add3A_350 = arith.addi %add3A_349, %iota3A : vector<16xi32>
    %min3A_351 = arith.constant 124 : i32
    %min3A_352 = vector.broadcast %min3A_351 : i32 to vector<16xi32>
    %min3A_353 = arith.minsi %add3A_350, %min3A_352 : vector<16xi32>
    %add3A_354 = vector.broadcast %sub3A_291 : i32 to vector<16xi32>
    %add3A_355 = arith.addi %min3A_353, %add3A_354 : vector<16xi32>
    %broadcast_in_dim3A_356 = arith.constant 0.000000e+00 : f32
    %broadcast_in_dim3A_357 = vector.broadcast %broadcast_in_dim3A_356 : f32 to vector<16xf32>
    %broadcast_in_dim3A_358 = arith.constant 0.000000e+00 : f32
    %broadcast_in_dim3A_359 = vector.broadcast %broadcast_in_dim3A_358 : f32 to vector<16xf32>
    %broadcast_in_dim3A_360 = arith.constant 0.000000e+00 : f32
    %broadcast_in_dim3A_361 = vector.broadcast %broadcast_in_dim3A_360 : f32 to vector<16xf32>
    %broadcast_in_dim3A_362 = arith.constant 0.000000e+00 : f32
    %broadcast_in_dim3A_363 = vector.broadcast %broadcast_in_dim3A_362 : f32 to vector<16xf32>
    %broadcast_in_dim3A_364 = arith.constant 0.000000e+00 : f32
    %broadcast_in_dim3A_365 = vector.broadcast %broadcast_in_dim3A_364 : f32 to vector<16xf32>
    %broadcast_in_dim3A_366 = arith.constant 0.000000e+00 : f32
    %broadcast_in_dim3A_367 = vector.broadcast %broadcast_in_dim3A_366 : f32 to vector<16xf32>
    %broadcast_in_dim3A_368 = arith.constant 0.000000e+00 : f32
    %broadcast_in_dim3A_369 = vector.broadcast %broadcast_in_dim3A_368 : f32 to vector<16xf32>
    %broadcast_in_dim3A_370 = arith.constant 0.000000e+00 : f32
    %broadcast_in_dim3A_371 = vector.broadcast %broadcast_in_dim3A_370 : f32 to vector<16xf32>
    %scan3A_372 = arith.constant 0 : i32
    %scan3A_373 = arith.constant 128 : i32
    %scan3A_374 = arith.addi %scan3A_372, %scan3A_373 : i32
    %scan3A_375 = arith.constant 4 : i32
    %scan3A_376:8 = scf.for %scan3A_396 = %scan3A_372 to %scan3A_374 step %scan3A_375 iter_args(%scan3A_397 = %broadcast_in_dim3A_357, %scan3A_398 = %broadcast_in_dim3A_359, %scan3A_399 = %broadcast_in_dim3A_361, %scan3A_400 = %broadcast_in_dim3A_363, %scan3A_401 = %broadcast_in_dim3A_365, %scan3A_402 = %broadcast_in_dim3A_367, %scan3A_403 = %broadcast_in_dim3A_369, %scan3A_404 = %broadcast_in_dim3A_371) -> (vector<16xf32>, vector<16xf32>, vector<16xf32>, vector<16xf32>, vector<16xf32>, vector<16xf32>, vector<16xf32>, vector<16xf32>)  : i32 {
      %add3A_405 = vector.broadcast %scan3A_396 : i32 to vector<16xi32>
      %add3A_406 = arith.addi %add3A_405, %iota3A : vector<16xi32>
      %and3A_407 = arith.constant 127 : i32
      %and3A_408 = vector.broadcast %and3A_407 : i32 to vector<16xi32>
      %and3A_409 = arith.andi %add3A_406, %and3A_408 : vector<16xi32>
      %get3A = arith.index_cast %scan3A_396 : i32 to index
      %get3A_410 = tpu.vector_load %arg11[%get3A] {strides = array<i32>} : memref<256xf32, #tpu.memory_space<vmem>>, vector<16xf32>,
      %gather3A = tpu.vector_load_idx %arg6[%add3A_299, %and3A_409] : memref<136x128xf32, #tpu.memory_space<vmem>>[vector<16xi32>, vector<16xi32>], vector<16xf32>,
      %mul3A_411 = arith.mulf %gather3A, %get3A_410 : vector<16xf32>
      %add3A_412 = arith.addf %scan3A_397, %mul3A_411 : vector<16xf32>
      %gather3A_413 = tpu.vector_load_idx %arg6[%add3A_307, %and3A_409] : memref<136x128xf32, #tpu.memory_space<vmem>>[vector<16xi32>, vector<16xi32>], vector<16xf32>,
      %mul3A_414 = arith.mulf %gather3A_413, %get3A_410 : vector<16xf32>
      %add3A_415 = arith.addf %scan3A_398, %mul3A_414 : vector<16xf32>
      %gather3A_416 = tpu.vector_load_idx %arg6[%add3A_315, %and3A_409] : memref<136x128xf32, #tpu.memory_space<vmem>>[vector<16xi32>, vector<16xi32>], vector<16xf32>,
      %mul3A_417 = arith.mulf %gather3A_416, %get3A_410 : vector<16xf32>
      %add3A_418 = arith.addf %scan3A_399, %mul3A_417 : vector<16xf32>
      %gather3A_419 = tpu.vector_load_idx %arg6[%add3A_323, %and3A_409] : memref<136x128xf32, #tpu.memory_space<vmem>>[vector<16xi32>, vector<16xi32>], vector<16xf32>,
      %mul3A_420 = arith.mulf %gather3A_419, %get3A_410 : vector<16xf32>
      %add3A_421 = arith.addf %scan3A_400, %mul3A_420 : vector<16xf32>
      %gather3A_422 = tpu.vector_load_idx %arg6[%add3A_331, %and3A_409] : memref<136x128xf32, #tpu.memory_space<vmem>>[vector<16xi32>, vector<16xi32>], vector<16xf32>,
      %mul3A_423 = arith.mulf %gather3A_422, %get3A_410 : vector<16xf32>
      %add3A_424 = arith.addf %scan3A_401, %mul3A_423 : vector<16xf32>
      %gather3A_425 = tpu.vector_load_idx %arg6[%add3A_339, %and3A_409] : memref<136x128xf32, #tpu.memory_space<vmem>>[vector<16xi32>, vector<16xi32>], vector<16xf32>,
      %mul3A_426 = arith.mulf %gather3A_425, %get3A_410 : vector<16xf32>
      %add3A_427 = arith.addf %scan3A_402, %mul3A_426 : vector<16xf32>
      %gather3A_428 = tpu.vector_load_idx %arg6[%add3A_347, %and3A_409] : memref<136x128xf32, #tpu.memory_space<vmem>>[vector<16xi32>, vector<16xi32>], vector<16xf32>,
      %mul3A_429 = arith.mulf %gather3A_428, %get3A_410 : vector<16xf32>
      %add3A_430 = arith.addf %scan3A_403, %mul3A_429 : vector<16xf32>
      %gather3A_431 = tpu.vector_load_idx %arg6[%add3A_355, %and3A_409] : memref<136x128xf32, #tpu.memory_space<vmem>>[vector<16xi32>, vector<16xi32>], vector<16xf32>,
      %mul3A_432 = arith.mulf %gather3A_431, %get3A_410 : vector<16xf32>
      %add3A_433 = arith.addf %scan3A_404, %mul3A_432 : vector<16xf32>
      %scan3A_434 = arith.constant 1 : i32
      %scan3A_435 = arith.addi %scan3A_396, %scan3A_434 : i32
      %add3A_436 = vector.broadcast %scan3A_435 : i32 to vector<16xi32>
      %add3A_437 = arith.addi %add3A_436, %iota3A : vector<16xi32>
      %and3A_438 = arith.constant 127 : i32
      %and3A_439 = vector.broadcast %and3A_438 : i32 to vector<16xi32>
      %and3A_440 = arith.andi %add3A_437, %and3A_439 : vector<16xi32>
      %get3A_441 = arith.index_cast %scan3A_435 : i32 to index
      %get3A_442 = tpu.vector_load %arg11[%get3A_441] {strides = array<i32>} : memref<256xf32, #tpu.memory_space<vmem>>, vector<16xf32>,
      %gather3A_443 = tpu.vector_load_idx %arg6[%add3A_299, %and3A_440] : memref<136x128xf32, #tpu.memory_space<vmem>>[vector<16xi32>, vector<16xi32>], vector<16xf32>,
      %mul3A_444 = arith.mulf %gather3A_443, %get3A_442 : vector<16xf32>
      %add3A_445 = arith.addf %add3A_412, %mul3A_444 : vector<16xf32>
      %gather3A_446 = tpu.vector_load_idx %arg6[%add3A_307, %and3A_440] : memref<136x128xf32, #tpu.memory_space<vmem>>[vector<16xi32>, vector<16xi32>], vector<16xf32>,
      %mul3A_447 = arith.mulf %gather3A_446, %get3A_442 : vector<16xf32>
      %add3A_448 = arith.addf %add3A_415, %mul3A_447 : vector<16xf32>
      %gather3A_449 = tpu.vector_load_idx %arg6[%add3A_315, %and3A_440] : memref<136x128xf32, #tpu.memory_space<vmem>>[vector<16xi32>, vector<16xi32>], vector<16xf32>,
      %mul3A_450 = arith.mulf %gather3A_449, %get3A_442 : vector<16xf32>
      %add3A_451 = arith.addf %add3A_418, %mul3A_450 : vector<16xf32>
      %gather3A_452 = tpu.vector_load_idx %arg6[%add3A_323, %and3A_440] : memref<136x128xf32, #tpu.memory_space<vmem>>[vector<16xi32>, vector<16xi32>], vector<16xf32>,
      %mul3A_453 = arith.mulf %gather3A_452, %get3A_442 : vector<16xf32>
      %add3A_454 = arith.addf %add3A_421, %mul3A_453 : vector<16xf32>
      %gather3A_455 = tpu.vector_load_idx %arg6[%add3A_331, %and3A_440] : memref<136x128xf32, #tpu.memory_space<vmem>>[vector<16xi32>, vector<16xi32>], vector<16xf32>,
      %mul3A_456 = arith.mulf %gather3A_455, %get3A_442 : vector<16xf32>
      %add3A_457 = arith.addf %add3A_424, %mul3A_456 : vector<16xf32>
      %gather3A_458 = tpu.vector_load_idx %arg6[%add3A_339, %and3A_440] : memref<136x128xf32, #tpu.memory_space<vmem>>[vector<16xi32>, vector<16xi32>], vector<16xf32>,
      %mul3A_459 = arith.mulf %gather3A_458, %get3A_442 : vector<16xf32>
      %add3A_460 = arith.addf %add3A_427, %mul3A_459 : vector<16xf32>
      %gather3A_461 = tpu.vector_load_idx %arg6[%add3A_347, %and3A_440] : memref<136x128xf32, #tpu.memory_space<vmem>>[vector<16xi32>, vector<16xi32>], vector<16xf32>,
      %mul3A_462 = arith.mulf %gather3A_461, %get3A_442 : vector<16xf32>
      %add3A_463 = arith.addf %add3A_430, %mul3A_462 : vector<16xf32>
      %gather3A_464 = tpu.vector_load_idx %arg6[%add3A_355, %and3A_440] : memref<136x128xf32, #tpu.memory_space<vmem>>[vector<16xi32>, vector<16xi32>], vector<16xf32>,
      %mul3A_465 = arith.mulf %gather3A_464, %get3A_442 : vector<16xf32>
      %add3A_466 = arith.addf %add3A_433, %mul3A_465 : vector<16xf32>
      %scan3A_467 = arith.constant 2 : i32
      %scan3A_468 = arith.addi %scan3A_396, %scan3A_467 : i32
      %add3A_469 = vector.broadcast %scan3A_468 : i32 to vector<16xi32>
      %add3A_470 = arith.addi %add3A_469, %iota3A : vector<16xi32>
      %and3A_471 = arith.constant 127 : i32
      %and3A_472 = vector.broadcast %and3A_471 : i32 to vector<16xi32>
      %and3A_473 = arith.andi %add3A_470, %and3A_472 : vector<16xi32>
      %get3A_474 = arith.index_cast %scan3A_468 : i32 to index
      %get3A_475 = tpu.vector_load %arg11[%get3A_474] {strides = array<i32>} : memref<256xf32, #tpu.memory_space<vmem>>, vector<16xf32>,
      %gather3A_476 = tpu.vector_load_idx %arg6[%add3A_299, %and3A_473] : memref<136x128xf32, #tpu.memory_space<vmem>>[vector<16xi32>, vector<16xi32>], vector<16xf32>,
      %mul3A_477 = arith.mulf %gather3A_476, %get3A_475 : vector<16xf32>
      %add3A_478 = arith.addf %add3A_445, %mul3A_477 : vector<16xf32>
      %gather3A_479 = tpu.vector_load_idx %arg6[%add3A_307, %and3A_473] : memref<136x128xf32, #tpu.memory_space<vmem>>[vector<16xi32>, vector<16xi32>], vector<16xf32>,
      %mul3A_480 = arith.mulf %gather3A_479, %get3A_475 : vector<16xf32>
      %add3A_481 = arith.addf %add3A_448, %mul3A_480 : vector<16xf32>
      %gather3A_482 = tpu.vector_load_idx %arg6[%add3A_315, %and3A_473] : memref<136x128xf32, #tpu.memory_space<vmem>>[vector<16xi32>, vector<16xi32>], vector<16xf32>,
      %mul3A_483 = arith.mulf %gather3A_482, %get3A_475 : vector<16xf32>
      %add3A_484 = arith.addf %add3A_451, %mul3A_483 : vector<16xf32>
      %gather3A_485 = tpu.vector_load_idx %arg6[%add3A_323, %and3A_473] : memref<136x128xf32, #tpu.memory_space<vmem>>[vector<16xi32>, vector<16xi32>], vector<16xf32>,
      %mul3A_486 = arith.mulf %gather3A_485, %get3A_475 : vector<16xf32>
      %add3A_487 = arith.addf %add3A_454, %mul3A_486 : vector<16xf32>
      %gather3A_488 = tpu.vector_load_idx %arg6[%add3A_331, %and3A_473] : memref<136x128xf32, #tpu.memory_space<vmem>>[vector<16xi32>, vector<16xi32>], vector<16xf32>,
      %mul3A_489 = arith.mulf %gather3A_488, %get3A_475 : vector<16xf32>
      %add3A_490 = arith.addf %add3A_457, %mul3A_489 : vector<16xf32>
      %gather3A_491 = tpu.vector_load_idx %arg6[%add3A_339, %and3A_473] : memref<136x128xf32, #tpu.memory_space<vmem>>[vector<16xi32>, vector<16xi32>], vector<16xf32>,
      %mul3A_492 = arith.mulf %gather3A_491, %get3A_475 : vector<16xf32>
      %add3A_493 = arith.addf %add3A_460, %mul3A_492 : vector<16xf32>
      %gather3A_494 = tpu.vector_load_idx %arg6[%add3A_347, %and3A_473] : memref<136x128xf32, #tpu.memory_space<vmem>>[vector<16xi32>, vector<16xi32>], vector<16xf32>,
      %mul3A_495 = arith.mulf %gather3A_494, %get3A_475 : vector<16xf32>
      %add3A_496 = arith.addf %add3A_463, %mul3A_495 : vector<16xf32>
      %gather3A_497 = tpu.vector_load_idx %arg6[%add3A_355, %and3A_473] : memref<136x128xf32, #tpu.memory_space<vmem>>[vector<16xi32>, vector<16xi32>], vector<16xf32>,
      %mul3A_498 = arith.mulf %gather3A_497, %get3A_475 : vector<16xf32>
      %add3A_499 = arith.addf %add3A_466, %mul3A_498 : vector<16xf32>
      %scan3A_500 = arith.constant 3 : i32
      %scan3A_501 = arith.addi %scan3A_396, %scan3A_500 : i32
      %add3A_502 = vector.broadcast %scan3A_501 : i32 to vector<16xi32>
      %add3A_503 = arith.addi %add3A_502, %iota3A : vector<16xi32>
      %and3A_504 = arith.constant 127 : i32
      %and3A_505 = vector.broadcast %and3A_504 : i32 to vector<16xi32>
      %and3A_506 = arith.andi %add3A_503, %and3A_505 : vector<16xi32>
      %get3A_507 = arith.index_cast %scan3A_501 : i32 to index
      %get3A_508 = tpu.vector_load %arg11[%get3A_507] {strides = array<i32>} : memref<256xf32, #tpu.memory_space<vmem>>, vector<16xf32>,
      %gather3A_509 = tpu.vector_load_idx %arg6[%add3A_299, %and3A_506] : memref<136x128xf32, #tpu.memory_space<vmem>>[vector<16xi32>, vector<16xi32>], vector<16xf32>,
      %mul3A_510 = arith.mulf %gather3A_509, %get3A_508 : vector<16xf32>
      %add3A_511 = arith.addf %add3A_478, %mul3A_510 : vector<16xf32>
      %gather3A_512 = tpu.vector_load_idx %arg6[%add3A_307, %and3A_506] : memref<136x128xf32, #tpu.memory_space<vmem>>[vector<16xi32>, vector<16xi32>], vector<16xf32>,
      %mul3A_513 = arith.mulf %gather3A_512, %get3A_508 : vector<16xf32>
      %add3A_514 = arith.addf %add3A_481, %mul3A_513 : vector<16xf32>
      %gather3A_515 = tpu.vector_load_idx %arg6[%add3A_315, %and3A_506] : memref<136x128xf32, #tpu.memory_space<vmem>>[vector<16xi32>, vector<16xi32>], vector<16xf32>,
      %mul3A_516 = arith.mulf %gather3A_515, %get3A_508 : vector<16xf32>
      %add3A_517 = arith.addf %add3A_484, %mul3A_516 : vector<16xf32>
      %gather3A_518 = tpu.vector_load_idx %arg6[%add3A_323, %and3A_506] : memref<136x128xf32, #tpu.memory_space<vmem>>[vector<16xi32>, vector<16xi32>], vector<16xf32>,
      %mul3A_519 = arith.mulf %gather3A_518, %get3A_508 : vector<16xf32>
      %add3A_520 = arith.addf %add3A_487, %mul3A_519 : vector<16xf32>
      %gather3A_521 = tpu.vector_load_idx %arg6[%add3A_331, %and3A_506] : memref<136x128xf32, #tpu.memory_space<vmem>>[vector<16xi32>, vector<16xi32>], vector<16xf32>,
      %mul3A_522 = arith.mulf %gather3A_521, %get3A_508 : vector<16xf32>
      %add3A_523 = arith.addf %add3A_490, %mul3A_522 : vector<16xf32>
      %gather3A_524 = tpu.vector_load_idx %arg6[%add3A_339, %and3A_506] : memref<136x128xf32, #tpu.memory_space<vmem>>[vector<16xi32>, vector<16xi32>], vector<16xf32>,
      %mul3A_525 = arith.mulf %gather3A_524, %get3A_508 : vector<16xf32>
      %add3A_526 = arith.addf %add3A_493, %mul3A_525 : vector<16xf32>
      %gather3A_527 = tpu.vector_load_idx %arg6[%add3A_347, %and3A_506] : memref<136x128xf32, #tpu.memory_space<vmem>>[vector<16xi32>, vector<16xi32>], vector<16xf32>,
      %mul3A_528 = arith.mulf %gather3A_527, %get3A_508 : vector<16xf32>
      %add3A_529 = arith.addf %add3A_496, %mul3A_528 : vector<16xf32>
      %gather3A_530 = tpu.vector_load_idx %arg6[%add3A_355, %and3A_506] : memref<136x128xf32, #tpu.memory_space<vmem>>[vector<16xi32>, vector<16xi32>], vector<16xf32>,
      %mul3A_531 = arith.mulf %gather3A_530, %get3A_508 : vector<16xf32>
      %add3A_532 = arith.addf %add3A_499, %mul3A_531 : vector<16xf32>
      scf.yield %add3A_511, %add3A_514, %add3A_517, %add3A_520, %add3A_523, %add3A_526, %add3A_529, %add3A_532 : vector<16xf32>, vector<16xf32>, vector<16xf32>, vector<16xf32>, vector<16xf32>, vector<16xf32>, vector<16xf32>, vector<16xf32>
    }
    %scan3A_377 = arith.constant 128 : i32
    %swap3A_378 = arith.constant 750 : index
    %swap3A_379 = tpu.vector_load %arg12[%swap3A_378] {strides = array<i32>} : memref<880xf32, #tpu.memory_space<vmem>>, vector<16xf32>,
    tpu.vector_store %arg12[%swap3A_378], %scan3A_376#0 {strides = array<i32>} : memref<880xf32, #tpu.memory_space<vmem>>, vector<16xf32>,
    %swap3A_380 = arith.constant 766 : index
    %swap3A_381 = tpu.vector_load %arg12[%swap3A_380] {strides = array<i32>} : memref<880xf32, #tpu.memory_space<vmem>>, vector<16xf32>,
    tpu.vector_store %arg12[%swap3A_380], %scan3A_376#1 {strides = array<i32>} : memref<880xf32, #tpu.memory_space<vmem>>, vector<16xf32>,
    %swap3A_382 = arith.constant 782 : index
    %swap3A_383 = tpu.vector_load %arg12[%swap3A_382] {strides = array<i32>} : memref<880xf32, #tpu.memory_space<vmem>>, vector<16xf32>,
    tpu.vector_store %arg12[%swap3A_382], %scan3A_376#2 {strides = array<i32>} : memref<880xf32, #tpu.memory_space<vmem>>, vector<16xf32>,
    %swap3A_384 = arith.constant 798 : index
    %swap3A_385 = tpu.vector_load %arg12[%swap3A_384] {strides = array<i32>} : memref<880xf32, #tpu.memory_space<vmem>>, vector<16xf32>,
    tpu.vector_store %arg12[%swap3A_384], %scan3A_376#3 {strides = array<i32>} : memref<880xf32, #tpu.memory_space<vmem>>, vector<16xf32>,
    %swap3A_386 = arith.constant 814 : index
    %swap3A_387 = tpu.vector_load %arg12[%swap3A_386] {strides = array<i32>} : memref<880xf32, #tpu.memory_space<vmem>>, vector<16xf32>,
    tpu.vector_store %arg12[%swap3A_386], %scan3A_376#4 {strides = array<i32>} : memref<880xf32, #tpu.memory_space<vmem>>, vector<16xf32>,
    %swap3A_388 = arith.constant 830 : index
    %swap3A_389 = tpu.vector_load %arg12[%swap3A_388] {strides = array<i32>} : memref<880xf32, #tpu.memory_space<vmem>>, vector<16xf32>,
    tpu.vector_store %arg12[%swap3A_388], %scan3A_376#5 {strides = array<i32>} : memref<880xf32, #tpu.memory_space<vmem>>, vector<16xf32>,
    %swap3A_390 = arith.constant 846 : index
    %swap3A_391 = tpu.vector_load %arg12[%swap3A_390] {strides = array<i32>} : memref<880xf32, #tpu.memory_space<vmem>>, vector<16xf32>,
    tpu.vector_store %arg12[%swap3A_390], %scan3A_376#6 {strides = array<i32>} : memref<880xf32, #tpu.memory_space<vmem>>, vector<16xf32>,
    %swap3A_392 = arith.constant 862 : index
    %swap3A_393 = tpu.vector_load %arg12[%swap3A_392] {strides = array<i32>} : memref<880xf32, #tpu.memory_space<vmem>>, vector<16xf32>,
    tpu.vector_store %arg12[%swap3A_392], %scan3A_376#7 {strides = array<i32>} : memref<880xf32, #tpu.memory_space<vmem>>, vector<16xf32>,
    %mul3A_394 = arith.constant 880 : i32
    %mul3A_395 = arith.muli %add3A, %mul3A_394 : i32
    "tpu.region"() ({
      %run_scoped3A = tpu.sem_alloc : memref<!tpu.dma_semaphore, #tpu.memory_space<semaphore_mem>>
      %dma_start3A_396 = tpu.memref_slice %arg5[%mul3A_395] : memref<28160xf32, #tpu.memory_space<hbm>> -> memref<880xf32, #tpu.memory_space<hbm>>
      %dma_start3A_397 = tpu.memref_slice %arg5[%mul3A_395] : memref<28160xf32, #tpu.memory_space<hbm>> -> memref<880xf32, #tpu.memory_space<hbm>>
      tpu.enqueue_dma source(%arg12 : memref<880xf32, #tpu.memory_space<vmem>>) target(%dma_start3A_397 : memref<880xf32, #tpu.memory_space<hbm>>) target_semaphore(%run_scoped3A : memref<!tpu.dma_semaphore, #tpu.memory_space<semaphore_mem>>)
      %dma_wait3A_398 = tpu.memref_slice %arg5[%mul3A_395] : memref<28160xf32, #tpu.memory_space<hbm>> -> memref<880xf32, #tpu.memory_space<hbm>>
      %dma_wait3A_399 = tpu.memref_slice %arg5[%mul3A_395] : memref<28160xf32, #tpu.memory_space<hbm>> -> memref<880xf32, #tpu.memory_space<hbm>>
      tpu.wait_dma2 semaphore(%run_scoped3A : memref<!tpu.dma_semaphore, #tpu.memory_space<semaphore_mem>>) src(%arg12 : memref<880xf32, #tpu.memory_space<vmem>>) dst(%dma_wait3A_399 : memref<880xf32, #tpu.memory_space<hbm>>)
      tpu.yield
    }) : () -> ()
    return
  }
}

module attributes {stable_mosaic.version = 14 : i64} {
  func.func @_tc_scores_body(%arg0: i32, %arg1: memref<8000x128xf32, #tpu.memory_space<vmem>>, %arg2: memref<260x260xf32, #tpu.memory_space<vmem>>, %arg3: memref<1x260xf32, #tpu.memory_space<vmem>>, %arg4: memref<1x1x8000xf32, #tpu.memory_space<vmem>>, %arg5: memref<1x128xf32, #tpu.memory_space<vmem>>) attributes {dimension_semantics = [#tpu.dimension_semantics<arbitrary>], iteration_bounds = array<i64: 9>, scalar_prefetch = 0 : i64, scratch_operands = 1 : i64, tpu.core_type = #tpu.core_type<tc>, window_params = [{transform_indices = @transform_0, window_bounds = array<i64: 8000, 128>}, {pipeline_mode = #tpu.pipeline_mode<synchronous>, transform_indices = @transform_1, window_bounds = array<i64: 260, 260>}, {pipeline_mode = #tpu.pipeline_mode<synchronous>, transform_indices = @transform_2, window_bounds = array<i64: 1, 260>}, {transform_indices = @transform_3, window_bounds = array<i64: 1, 1, 8000>}]} {
    %eq3A = arith.constant 0 : i32
    %eq3A_0 = arith.cmpi eq, %arg0, %eq3A : i32
    %convert_element_type3A = arith.extui %eq3A_0 : i1 to i32
    %cond3A = arith.constant 0 : i32
    %cond3A_1 = arith.cmpi ne, %convert_element_type3A, %cond3A : i32
    scf.if %cond3A_1 {
      %get3A_11 = arith.constant 0 : index
      %get3A_12 = arith.constant 0 : index
      %get3A_13 = vector.load %arg3[%get3A_11, %get3A_12] : memref<1x260xf32, #tpu.memory_space<vmem>>, vector<1x260xf32>
      %get3A_14 = arith.constant 0 : index
      %get3A_15 = arith.constant 0 : index
      %get3A_16 = vector.load %arg2[%get3A_14, %get3A_15] : memref<260x260xf32, #tpu.memory_space<vmem>>, vector<128x260xf32>
      %dot_general3A_17 = arith.constant dense<0.000000e+00> : vector<1x128xf32>
      %dot_general3A_18 = tpu.matmul %get3A_13, %get3A_16, %dot_general3A_17 {dimension_numbers = #tpu.dot_dimension_numbers<[1], [1], [0], [0], [0, 0, 1, 0], [], []>, transpose_lhs_hint = false} : vector<1x260xf32>, vector<128x260xf32>, vector<1x128xf32> -> vector<1x128xf32>
      %swap3A_19 = arith.constant 0 : index
      %swap3A_20 = arith.constant 0 : index
      %swap3A_21 = vector.load %arg5[%swap3A_19, %swap3A_20] : memref<1x128xf32, #tpu.memory_space<vmem>>, vector<1x128xf32>
      tpu.vector_store %arg5[%swap3A_19, %swap3A_20], %dot_general3A_18 {strides = array<i32>} : memref<1x128xf32, #tpu.memory_space<vmem>>, vector<1x128xf32>,
    } else {
    }
    %get3A = arith.constant 0 : index
    %get3A_2 = arith.constant 0 : index
    %get3A_3 = vector.load %arg5[%get3A, %get3A_2] : memref<1x128xf32, #tpu.memory_space<vmem>>, vector<1x128xf32>
    %get3A_4 = arith.constant 0 : index
    %get3A_5 = arith.constant 0 : index
    %get3A_6 = vector.load %arg1[%get3A_4, %get3A_5] : memref<8000x128xf32, #tpu.memory_space<vmem>>, vector<8000x128xf32>
    %dot_general3A = arith.constant dense<0.000000e+00> : vector<1x8000xf32>
    %dot_general3A_7 = tpu.matmul %get3A_3, %get3A_6, %dot_general3A {dimension_numbers = #tpu.dot_dimension_numbers<[1], [1], [0], [0], [0, 0, 1, 0], [], []>, transpose_lhs_hint = false} : vector<1x128xf32>, vector<8000x128xf32>, vector<1x8000xf32> -> vector<1x8000xf32>
    %reshape3A = vector.shape_cast %dot_general3A_7 : vector<1x8000xf32> to vector<1x1x8000xf32>
    %swap3A = arith.constant 0 : index
    %swap3A_8 = arith.constant 0 : index
    %swap3A_9 = arith.constant 0 : index
    %swap3A_10 = vector.load %arg4[%swap3A, %swap3A_8, %swap3A_9] : memref<1x1x8000xf32, #tpu.memory_space<vmem>>, vector<1x1x8000xf32>
    tpu.vector_store %arg4[%swap3A, %swap3A_8, %swap3A_9], %reshape3A {strides = array<i32>} : memref<1x1x8000xf32, #tpu.memory_space<vmem>>, vector<1x1x8000xf32>,
    return
  }
  func.func @transform_0(%arg0: i32) -> (i32, i32) {
    %c0_i32 = arith.constant 0 : i32
    %c0_i32_0 = arith.constant 0 : i32
    return %arg0, %c0_i32 : i32, i32
  }
  func.func @transform_1(%arg0: i32) -> (i32, i32) {
    %c0_i32 = arith.constant 0 : i32
    %c0_i32_0 = arith.constant 0 : i32
    %c0_i32_1 = arith.constant 0 : i32
    return %c0_i32, %c0_i32_0 : i32, i32
  }
  func.func @transform_2(%arg0: i32) -> (i32, i32) {
    %c0_i32 = arith.constant 0 : i32
    %c0_i32_0 = arith.constant 0 : i32
    %c0_i32_1 = arith.constant 0 : i32
    return %c0_i32, %c0_i32_0 : i32, i32
  }
  func.func @transform_3(%arg0: i32) -> (i32, i32, i32) {
    %c0_i32 = arith.constant 0 : i32
    %c0_i32_0 = arith.constant 0 : i32
    %c0_i32_1 = arith.constant 0 : i32
    return %arg0, %c0_i32, %c0_i32_0 : i32, i32, i32
  }
}

module attributes {stable_mosaic.version = 14 : i64} {
  func.func @_softmax_body(%arg0: memref<9x1x8000xf32, #tpu.memory_space<vmem>>, %arg1: memref<32x880xf32, #tpu.memory_space<vmem>>, %arg2: memref<1xi32, #tpu.memory_space<smem>>, %arg3: memref<9x1x8000xf32, #tpu.memory_space<vmem>>, %arg4: memref<32x880xf32, #tpu.memory_space<vmem>>, %arg5: memref<1x1xf32, #tpu.memory_space<vmem>>) attributes {dimension_semantics = [], scalar_prefetch = 0 : i64, scratch_operands = 0 : i64, tpu.core_type = #tpu.core_type<tc>} {
    %get3A = arith.constant 0 : index
    %get3A_0 = memref.load %arg2[%get3A] : memref<1xi32, #tpu.memory_space<smem>>
    %get3A_1 = arith.constant 0 : index
    %get3A_2 = arith.constant 0 : index
    %get3A_3 = arith.constant 0 : index
    %get3A_4 = vector.load %arg0[%get3A_1, %get3A_2, %get3A_3] : memref<9x1x8000xf32, #tpu.memory_space<vmem>>, vector<9x1x8000xf32>
    %reshape3A = vector.shape_cast %get3A_4 : vector<9x1x8000xf32> to vector<9x8000xf32>
    %iota3A = tpu.iota {dimensions = array<i32: 0>} : vector<9x8000xi32>
    %mul3A = arith.constant 8000 : i32
    %mul3A_5 = vector.broadcast %mul3A : i32 to vector<9x8000xi32>
    %mul3A_6 = arith.muli %iota3A, %mul3A_5 : vector<9x8000xi32>
    %iota3A_7 = tpu.iota {dimensions = array<i32: 1>} : vector<9x8000xi32>
    %add3A = arith.addi %mul3A_6, %iota3A_7 : vector<9x8000xi32>
    %get3A_8 = arith.constant 0 : index
    %get3A_9 = arith.constant 0 : index
    %get3A_10 = vector.load %arg1[%get3A_8, %get3A_9] : memref<32x880xf32, #tpu.memory_space<vmem>>, vector<32x880xf32>
    %iota3A_11 = tpu.iota {dimensions = array<i32: 0>} : vector<32x880xi32>
    %iota3A_12 = tpu.iota {dimensions = array<i32: 1>} : vector<32x880xi32>
    %mul3A_13 = arith.constant 875 : i32
    %mul3A_14 = vector.broadcast %mul3A_13 : i32 to vector<32x880xi32>
    %mul3A_15 = arith.muli %iota3A_11, %mul3A_14 : vector<32x880xi32>
    %add3A_16 = arith.constant 72000 : i32
    %add3A_17 = vector.broadcast %add3A_16 : i32 to vector<32x880xi32>
    %add3A_18 = arith.addi %add3A_17, %mul3A_15 : vector<32x880xi32>
    %add3A_19 = arith.addi %add3A_18, %iota3A_12 : vector<32x880xi32>
    %lt3A = arith.constant 875 : i32
    %lt3A_20 = vector.broadcast %lt3A : i32 to vector<32x880xi32>
    %lt3A_21 = arith.cmpi slt, %iota3A_12, %lt3A_20 : vector<32x880xi32>
    %lt3A_22 = arith.constant 99999 : i32
    %lt3A_23 = vector.broadcast %lt3A_22 : i32 to vector<32x880xi32>
    %lt3A_24 = arith.cmpi slt, %add3A_19, %lt3A_23 : vector<32x880xi32>
    %and3A = arith.andi %lt3A_21, %lt3A_24 : vector<32x880xi1>
    %jit3A = arith.constant -1.000000e+30 : f32
    %broadcast_in_dim3A = vector.broadcast %jit3A : f32 to vector<32x880xf32>
    %select_n3A = arith.select %and3A, %get3A_10, %broadcast_in_dim3A : vector<32x880xi1>, vector<32x880xf32>
    %reduce_max3A = vector.shape_cast %reshape3A : vector<9x8000xf32> to vector<1x9x8000xf32>
    %reduce_max3A_25 = arith.constant dense<0xFF800000> : vector<1xf32>
    %reduce_max3A_26 = vector.multi_reduction <maximumf>, %reduce_max3A, %reduce_max3A_25 [1, 2] : vector<1x9x8000xf32> to vector<1xf32>
    %reduce_max3A_27 = vector.shape_cast %reduce_max3A_26 : vector<1xf32> to vector<1x1x1xf32>
    %reduce_max3A_28 = vector.extract %reduce_max3A_27[0, 0, 0] : f32 from vector<1x1x1xf32>
    %reduce_max3A_29 = vector.shape_cast %select_n3A : vector<32x880xf32> to vector<1x32x880xf32>
    %reduce_max3A_30 = arith.constant dense<0xFF800000> : vector<1xf32>
    %reduce_max3A_31 = vector.multi_reduction <maximumf>, %reduce_max3A_29, %reduce_max3A_30 [1, 2] : vector<1x32x880xf32> to vector<1xf32>
    %reduce_max3A_32 = vector.shape_cast %reduce_max3A_31 : vector<1xf32> to vector<1x1x1xf32>
    %reduce_max3A_33 = vector.extract %reduce_max3A_32[0, 0, 0] : f32 from vector<1x1x1xf32>
    %max3A = arith.maximumf %reduce_max3A_28, %reduce_max3A_33 : f32
    %sub3A = vector.broadcast %max3A : f32 to vector<9x8000xf32>
    %sub3A_34 = arith.subf %reshape3A, %sub3A : vector<9x8000xf32>
    %exp3A = math.exp %sub3A_34 : vector<9x8000xf32>
    %sub3A_35 = vector.broadcast %max3A : f32 to vector<32x880xf32>
    %sub3A_36 = arith.subf %select_n3A, %sub3A_35 : vector<32x880xf32>
    %exp3A_37 = math.exp %sub3A_36 : vector<32x880xf32>
    %jit3A_38 = arith.constant 0.000000e+00 : f32
    %broadcast_in_dim3A_39 = vector.broadcast %jit3A_38 : f32 to vector<32x880xf32>
    %select_n3A_40 = arith.select %and3A, %exp3A_37, %broadcast_in_dim3A_39 : vector<32x880xi1>, vector<32x880xf32>
    %reduce_sum3A = vector.shape_cast %exp3A : vector<9x8000xf32> to vector<1x9x8000xf32>
    %reduce_sum3A_41 = arith.constant dense<0.000000e+00> : vector<1xf32>
    %reduce_sum3A_42 = vector.multi_reduction <add>, %reduce_sum3A, %reduce_sum3A_41 [1, 2] : vector<1x9x8000xf32> to vector<1xf32>
    %reduce_sum3A_43 = vector.shape_cast %reduce_sum3A_42 : vector<1xf32> to vector<1x1x1xf32>
    %reduce_sum3A_44 = vector.extract %reduce_sum3A_43[0, 0, 0] : f32 from vector<1x1x1xf32>
    %reduce_sum3A_45 = vector.shape_cast %select_n3A_40 : vector<32x880xf32> to vector<1x32x880xf32>
    %reduce_sum3A_46 = arith.constant dense<0.000000e+00> : vector<1xf32>
    %reduce_sum3A_47 = vector.multi_reduction <add>, %reduce_sum3A_45, %reduce_sum3A_46 [1, 2] : vector<1x32x880xf32> to vector<1xf32>
    %reduce_sum3A_48 = vector.shape_cast %reduce_sum3A_47 : vector<1xf32> to vector<1x1x1xf32>
    %reduce_sum3A_49 = vector.extract %reduce_sum3A_48[0, 0, 0] : f32 from vector<1x1x1xf32>
    %add3A_50 = arith.addf %reduce_sum3A_44, %reduce_sum3A_49 : f32
    %div3A = vector.broadcast %add3A_50 : f32 to vector<9x8000xf32>
    %div3A_51 = arith.divf %exp3A, %div3A : vector<9x8000xf32>
    %reshape3A_52 = vector.shape_cast %div3A_51 : vector<9x8000xf32> to vector<9x1x8000xf32>
    %swap3A = arith.constant 0 : index
    %swap3A_53 = arith.constant 0 : index
    %swap3A_54 = arith.constant 0 : index
    %swap3A_55 = vector.load %arg3[%swap3A, %swap3A_53, %swap3A_54] : memref<9x1x8000xf32, #tpu.memory_space<vmem>>, vector<9x1x8000xf32>
    tpu.vector_store %arg3[%swap3A, %swap3A_53, %swap3A_54], %reshape3A_52 {strides = array<i32>} : memref<9x1x8000xf32, #tpu.memory_space<vmem>>, vector<9x1x8000xf32>,
    %div3A_56 = vector.broadcast %add3A_50 : f32 to vector<32x880xf32>
    %div3A_57 = arith.divf %select_n3A_40, %div3A_56 : vector<32x880xf32>
    %swap3A_58 = arith.constant 0 : index
    %swap3A_59 = arith.constant 0 : index
    %swap3A_60 = vector.load %arg4[%swap3A_58, %swap3A_59] : memref<32x880xf32, #tpu.memory_space<vmem>>, vector<32x880xf32>
    tpu.vector_store %arg4[%swap3A_58, %swap3A_59], %div3A_57 {strides = array<i32>} : memref<32x880xf32, #tpu.memory_space<vmem>>, vector<32x880xf32>,
    %eq3A = vector.broadcast %get3A_0 : i32 to vector<9x8000xi32>
    %eq3A_61 = arith.cmpi eq, %add3A, %eq3A : vector<9x8000xi32>
    %jit3A_62 = arith.constant 0.000000e+00 : f32
    %broadcast_in_dim3A_63 = vector.broadcast %jit3A_62 : f32 to vector<9x8000xf32>
    %select_n3A_64 = arith.select %eq3A_61, %reshape3A, %broadcast_in_dim3A_63 : vector<9x8000xi1>, vector<9x8000xf32>
    %reduce_sum3A_65 = vector.shape_cast %select_n3A_64 : vector<9x8000xf32> to vector<1x9x8000xf32>
    %reduce_sum3A_66 = arith.constant dense<0.000000e+00> : vector<1xf32>
    %reduce_sum3A_67 = vector.multi_reduction <add>, %reduce_sum3A_65, %reduce_sum3A_66 [1, 2] : vector<1x9x8000xf32> to vector<1xf32>
    %reduce_sum3A_68 = vector.shape_cast %reduce_sum3A_67 : vector<1xf32> to vector<1x1x1xf32>
    %reduce_sum3A_69 = vector.extract %reduce_sum3A_68[0, 0, 0] : f32 from vector<1x1x1xf32>
    %eq3A_70 = vector.broadcast %get3A_0 : i32 to vector<32x880xi32>
    %eq3A_71 = arith.cmpi eq, %add3A_19, %eq3A_70 : vector<32x880xi32>
    %and3A_72 = arith.andi %and3A, %eq3A_71 : vector<32x880xi1>
    %jit3A_73 = arith.constant 0.000000e+00 : f32
    %broadcast_in_dim3A_74 = vector.broadcast %jit3A_73 : f32 to vector<32x880xf32>
    %select_n3A_75 = arith.select %and3A_72, %select_n3A, %broadcast_in_dim3A_74 : vector<32x880xi1>, vector<32x880xf32>
    %reduce_sum3A_76 = vector.shape_cast %select_n3A_75 : vector<32x880xf32> to vector<1x32x880xf32>
    %reduce_sum3A_77 = arith.constant dense<0.000000e+00> : vector<1xf32>
    %reduce_sum3A_78 = vector.multi_reduction <add>, %reduce_sum3A_76, %reduce_sum3A_77 [1, 2] : vector<1x32x880xf32> to vector<1xf32>
    %reduce_sum3A_79 = vector.shape_cast %reduce_sum3A_78 : vector<1xf32> to vector<1x1x1xf32>
    %reduce_sum3A_80 = vector.extract %reduce_sum3A_79[0, 0, 0] : f32 from vector<1x1x1xf32>
    %add3A_81 = arith.addf %reduce_sum3A_69, %reduce_sum3A_80 : f32
    %sub3A_82 = arith.subf %add3A_81, %max3A : f32
    %log3A = math.log %add3A_50 : f32
    %sub3A_83 = arith.subf %sub3A_82, %log3A : f32
    %reshape3A_84 = vector.broadcast %sub3A_83 : f32 to vector<1x1xf32>
    %swap3A_85 = arith.constant 0 : index
    %swap3A_86 = arith.constant 0 : index
    %swap3A_87 = vector.load %arg5[%swap3A_85, %swap3A_86] : memref<1x1xf32, #tpu.memory_space<vmem>>, vector<1x1xf32>
    tpu.vector_store %arg5[%swap3A_85, %swap3A_86], %reshape3A_84 {strides = array<i32>} : memref<1x1xf32, #tpu.memory_space<vmem>>, vector<1x1xf32>,
    return
  }
}

</mosaic_0001>

<sc_bundles>
// kernel: kernel.5.cloned.1.call-start
scs
__scs_entry_jumppad:
0x0: {  	(pc) =	sbr.rel $0x88, $3  }
0x1: {  	(tag) =	ssettag $0x0;
	lr =	simm.s32 $0x1  }
0x2: {  	[smem:$0x3F9D] =	sst lr;
	_ =	strace $0xD0000000  }
0x3: {  	_ = 	snop  }
0x4: {  	_ = 	snop  }
0x5: {  	_ = 	snop  }
0x6: {  	_ = 	snop  }
0x7: {  	_ = 	snop  }
__scs_overlays_trampoline_lowered:
0x8: {  	[smem:$0x3FAC] =	sst s0  }
0x9: {  	[smem:$0x3FAD] =	sst s1  }
0xa: {  	[smem:$0x3FAE] =	sst s2  }
0xb: {  	[smem:$0x3FAF] =	sst s3  }
0xc: {  	[smem:$0x3FB0] =	sst s4  }
0xd: {  	[smem:$0x3FB1] =	sst s5  }
0xe: {  	[smem:$0x3FB2] =	sst s6  }
0xf: {  	[smem:$0x3FB3] =	sst s7  }
0x10: {  	[smem:$0x3FB4] =	sst s8  }
0x11: {  	[smem:$0x3FB5] =	sst s9;
	s0 =	simm.s32 @!p0 $0x0  }
0x12: {  	s1 =	sld [smem:$0x3F9B];
	s0 =	simm.s32 @p0 $0x1  }
0x13: {  	[smem:$0x3FB6] =	sst s0;
	s0 =	simm.s32 @!p1 $0x0  }
0x14: {  	s2 =	sld [smem:$0x3F9A];
	s0 =	simm.s32 @p1 $0x1  }
0x15: {  	[smem:$0x3FB7] =	sst s0;
	s0 =	simm.s32 @!p2 $0x0  }
0x16: {  	s3 =	sld [smem:$0x3FDB];
	s0 =	simm.s32 @p2 $0x1  }
0x17: {  	s4 =	simm.s32 $0x1BF5;
	[smem:$0x3FB9] =	sst s0  }
0x18: {  	s0 =	sld [smem:$0x3F9C];
	_ =	swait.ge [sflag:s4], $0x0  }
0x19: {  	s7 =	sld [smem:$0x3F9D]  }
0x1a: {  	s8 =	sadd.s32 $0xFFFFE003, lr  }
0x1b: {  	s9 =	sadd.s32 $0xFFFFFEF7, lr;
	s5 =	simm.s32 $0xFFFFFFFF;
	p2 =	slt.u32 s8, $0xFFFFF086  }
0x1c: {  	p1 =	slt.u32 s9, $0xF7A;
	s5 =	simm.s32 @!p2 $0x0  }
0x1d: {  	s5 =	simm.s32 @p1 $0x1;
	p0 =	seq.s32 s7, s2  }
0x1e: {  	s7 =	smul.u32 @!p0 $0xF7A, s2;
	p2 =	seq.s32 @!p0 s5, $0x0  }
0x1f: {  	s9 =	smul.u32 $0xF7A, s1;
	s8 =	simm.s32 @!p0 $0x1BF5;
	p2 =	por !p2, p0  }
0x20: {  	[sflag:s8] =	ssyncset.s32 @!p0 $0xFFFFF086;
	s6 =	sadd.s32 @!p0 s3, s7;
	s7 =	simm.s32 @!p0 $0x108  }
0x21: {  	s3 =	sadd.s32 s3, s9;
	s6 =	sadd.s32 @!p0 $0x88, s6;
	s7 =	simm.s32 @p2 $0x1082  }
0x22: {  	[simem:s7], [sflag:s8] =	dma.local @!p0 [hbm:s6], $0xF7A  }
0x23: {  	s9 =	sor.u32 $0xD0000000, s2;
	s6 =	simm.s32 $0x108;
	_ =	swait.ge @!p0 [sflag:s8], $0x0  }
0x24: {  	s3 =	sadd.s32 $0x88, s3;
	s6 =	simm.s32 @!p1 $0x1082;
	[sflag:s4] =	ssyncset.s32 $0xFFFFF086  }
0x25: {  	[simem:s6], [sflag:s4] =	dma.local [hbm:s3], $0xF7A  }
0x26: {  	[smem:$0x3F9D] =	sst s1;
	(tag) =	ssettag s2;
	_ =	strace s9  }
0x27: {  	s1 =	sld [smem:$0x3FAD]  }
0x28: {  	s2 =	sld [smem:$0x3FAE]  }
0x29: {  	s4 =	sld [smem:$0x3FB0]  }
0x2a: {  	p0 =	seq.s32 s5, $0x0;
	s5 =	sld [smem:$0x3FB1]  }
0x2b: {  	s6 =	sld [smem:$0x3FB2]  }
0x2c: {  	s7 =	sld [smem:$0x3FB3]  }
0x2d: {  	s3 =	simm.s32 $0x108;
	s8 =	sld [smem:$0x3FB4]  }
0x2e: {  	s3 =	simm.s32 @!p0 $0x1082;
	s9 =	sld [smem:$0x3FB5]  }
0x2f: {  	lr =	sadd.s32 s0, s3;
	s0 =	sld [smem:$0x3FAC]  }
0x30: {  	s3 =	sld [smem:$0x3FAF]  }
0x31: {  	[smem:$0x3FB8] =	sst s10  }
0x32: {  	s10 =	sld [smem:$0x3FB6];
	_ =	sdelay $0x3  }
0x33: {  	p0 =	seq.s32 s10, $0x1;
	s10 =	sld [smem:$0x3FB8];
	_ =	sdelay $0x3  }
0x34: {  	[smem:$0x3FB8] =	sst s10  }
0x35: {  	s10 =	sld [smem:$0x3FB7];
	_ =	sdelay $0x3  }
0x36: {  	p1 =	seq.s32 s10, $0x1;
	s10 =	sld [smem:$0x3FB8];
	_ =	sdelay $0x3  }
0x37: {  	[smem:$0x3FB8] =	sst s10  }
0x38: {  	s10 =	sld [smem:$0x3FB9]  }
0x39: {  	_ = 	snop;
	(pc) =	sbr.ind lr, $3  }
0x3a: {  	_ = 	snop  }
0x3b: {  	_ = 	snop  }
0x3c: {  	p2 =	seq.s32 s10, $0x1;
	s10 =	sld [smem:$0x3FB8]  }
0x3d: {  	_ =	shalt  }
0x3e: {  	_ =	shalt  }
0x3f: {  	_ =	shalt  }
0x40: {  	_ =	shalt  }
0x41: {  	_ =	shalt  }
0x42: {  	_ =	shalt  }
0x43: {  	_ =	shalt  }
0x44: {  	_ =	shalt  }
0x45: {  	_ =	shalt  }
0x46: {  	_ =	shalt  }
0x47: {  	_ =	shalt  }
0x48: {  	_ =	shalt  }
0x49: {  	_ =	shalt  }
0x4a: {  	_ =	shalt  }
0x4b: {  	_ =	shalt  }
0x4c: {  	_ =	shalt  }
0x4d: {  	_ =	shalt  }
0x4e: {  	_ =	shalt  }
0x4f: {  	_ =	shalt  }
0x50: {  	_ =	shalt  }
0x51: {  	_ =	shalt  }
0x52: {  	_ =	shalt  }
0x53: {  	_ =	shalt  }
0x54: {  	_ =	shalt  }
0x55: {  	_ =	shalt  }
0x56: {  	_ =	shalt  }
0x57: {  	_ =	shalt  }
0x58: {  	_ =	shalt  }
0x59: {  	_ =	shalt  }
0x5a: {  	_ =	shalt  }
0x5b: {  	_ =	shalt  }
0x5c: {  	_ =	shalt  }
0x5d: {  	_ =	shalt  }
0x5e: {  	_ =	shalt  }
0x5f: {  	_ =	shalt  }
0x60: {  	_ =	shalt  }
0x61: {  	_ =	shalt  }
0x62: {  	_ =	shalt  }
0x63: {  	_ =	shalt  }
0x64: {  	_ =	shalt  }
0x65: {  	_ =	shalt  }
0x66: {  	_ =	shalt  }
0x67: {  	_ =	shalt  }
0x68: {  	_ =	shalt  }
0x69: {  	_ =	shalt  }
0x6a: {  	_ =	shalt  }
0x6b: {  	_ =	shalt  }
0x6c: {  	_ =	shalt  }
0x6d: {  	_ =	shalt  }
0x6e: {  	_ =	shalt  }
0x6f: {  	_ =	shalt  }
0x70: {  	_ =	shalt  }
0x71: {  	_ =	shalt  }
0x72: {  	_ =	shalt  }
0x73: {  	_ =	shalt  }
0x74: {  	_ =	shalt  }
0x75: {  	_ =	shalt  }
0x76: {  	_ =	shalt  }
0x77: {  	_ =	shalt  }
0x78: {  	_ =	shalt  }
0x79: {  	_ =	shalt  }
0x7a: {  	_ =	shalt  }
0x7b: {  	_ =	shalt  }
0x7c: {  	_ =	shalt  }
0x7d: {  	_ =	shalt  }
0x7e: {  	_ =	shalt  }
0x7f: {  	_ =	shalt  }
0x80: {  	_ =	shalt  }
0x81: {  	_ =	shalt  }
0x82: {  	_ =	shalt  }
0x83: {  	_ =	shalt  }
0x84: {  	_ =	shalt  }
0x85: {  	_ =	shalt  }
0x86: {  	_ =	shalt  }
0x87: {  	_ =	shalt  }
.Lfunc_end0:
.L_simem_size_0:
called_computation_lowered:
.L_overlay_start_0:
0x88: {  	s2 =	sld [smem:$0x3FD9]  }
0x89: {  	s3 =	sld [smem:$0x3FFE];
	_ =	sdelay $0x1  }
0x8a: {  	s1 =	srdreg.scid  }
0x8b: {  	s0 =	sand.u32 $0x1, s1  }
0x8c: {  	s14 =	sshll.u32 s0, $0xA;
	s2 =	sadd.s32 s3, s2  }
0x8d: {  	s2 =	sadd.s32 s2, s14  }
0x8e: {  	[smem:$0x3FC4] =	sst s2  }
0x8f: {  	_ = 	snop  }
0x90: {  	s2 =	sld [smem:$0x3FD0];
	_ =	sdelay $0x2  }
0x91: {  	s4 =	simm.s32 $0xA;
	s5 =	simm.s32 $0x10;
	s15 =	sld [smem:$0x3FC9]  }
0x92: {  	[smem:s5], [sflag:s4] =	dma.local [hbm:s2], $0x1  }
0x93: {  	_ =	swait.eq [sflag:s4], $0x1  }
0x94: {  	[sflag:s4] =	ssyncset.done $0x0  }
0x95: {  	[sflag:s4] =	ssyncadd.s32 $0xFFFFFFFF  }
0x96: {  	s16 =	sld [smem:$0x10];
	(tm) =	ssettm $0x1  }
0x97: {  	s17 =	sld [smem:$0x3FFB];
	_ =	sdelay $0x3  }
0x98: {  	_ =	strace s17  }
0x99: {  	s4 =	sld [smem:$0x3FFC];
	_ =	sdelay $0x3  }
0x9a: {  	_ =	strace s4  }
0x9b: {  	s4 =	sld [smem:$0x3FFD];
	_ =	sdelay $0x3  }
0x9c: {  	_ =	strace s4  }
0x9d: {  	_ =	strace $0x8FFFFFFF  }
0x9e: {  	s18 =	sld [smem:$0x3FDB];
	_ =	sdelay $0x1  }
0x9f: {  	s19 =	simm.s32 $_scs_section_size  }
0xa0: {  	s6 =	simm.s32 $_size__tile_overlayer_lowered;
	s7 =	simm.s32 $_tile_overlayer_lowered  }
0xa1: {  	s22 =	simm.s32 $0x1BFF;
	s21 =	sshll.u32 s7, $0x1;
	s4 =	sadd.s32 s19, s18  }
0xa2: {  	s8 =	simm.s32 $0x0;
	s20 =	sshll.u32 s6, $0x1;
	s6 =	sadd.s32 s21, s4  }
0xa3: {  	[timem:s8], [sflag:s22] =	dma.local [hbm:s6], s20  }
0xa4: {  	_ =	swait.ge [sflag:s22], s20  }
0xa5: {  	s5 =	ssub.s32 $0x0, s20;
	[sflag:s22] =	ssyncset.done $0x0  }
0xa6: {  	[sflag:s22] =	ssyncadd.s32 s5;
	_ =	sdelay $0x1  }
0xa7: {  	s23 =	simm.s32 $0x1B8B  }
0xa8: {  	_ =	swait.ge [sflag:s23], $0x1  }
0xa9: {  	[sflag:s23] =	ssyncset.done $0x0  }
0xaa: {  	s25 =	simm.s32 $0x1B8E;
	s24 =	sld [smem:$0x3FFE];
	[sflag:s23] =	ssyncadd.s32 $0xFFFFFFFF  }
0xab: {  	s26 =	simm.s32 $execute0_lowered;
	[smem:$0x3FD2] =	sst s25  }
0xac: {  	s6 =	sshll.u32 s26, $0x1;
	_ =	strace $0x80000046;
	[dreg:$0x1] =	wrdreg $0xFFFFFFFF  }
0xad: {  	s28 =	simm.s32 $_size_execute0_lowered;
	s4 =	sadd.s32 s4, s6;
	[dreg:$0x0] =	wrdreg $0x0  }
0xae: {  	s6 =	sshll.u32 s28, $0x1;
	[dreg:$0x2] =	wrdreg s4  }
0xaf: {  	[dreg:$0x3] =	wrdreg s6  }
0xb0: {  	[dreg:$0x4] =	wrdreg $0xC0  }
0xb1: {  	_ =	task [dreg:s8], $0x5FFFF  }
0xb2: {  	[dreg:$0x1] =	wrdreg $0xFFFFFFFF  }
0xb3: {  	[dreg:$0x0] =	wrdreg $0x60  }
0xb4: {  	[dreg:$0x2] =	wrdreg s15  }
0xb5: {  	[dreg:$0x3] =	wrdreg s16  }
0xb6: {  	[dreg:$0x4] =	wrdreg s24  }
0xb7: {  	[dreg:$0x5] =	wrdreg $0x9  }
0xb8: {  	_ =	task.clear_ibuf [dreg:s8], $0x6FFFF;
	_ =	strace $0x90000046  }
0xb9: {  	s29 =	simm.s32 $0x9;
	_ =	strace $0x80000048  }
0xba: {  	_ =	swait.ge [sflag:s29], $0x1  }
0xbb: {  	[sflag:s29] =	ssyncadd.s32 $0xFFFFFFFF  }
0xbc: {  	_ =	strace $0x90000048  }
0xbd: {  	_ =	sfence  }
0xbe: {  	s30 =	sld [smem:$0x0];
	_ =	sdelay $0x2  }
0xbf: {  	s31 =	sshll.u32 s1, $0xD;
	s1 =	sshrl.u32 s1, $0x2  }
0xc0: {  	s3 =	sand.u32 $0x4000, s31;
	s1 =	sadd.s32 s1, s30  }
0xc1: {  	s0 =	sor.u32 s3, s0;
	s1 =	sshll.u32 s1, $0x11  }
0xc2: {  	s0 =	sor.u32 s1, s0  }
0xc3: {  	s0 =	sadd.s32 $0x8F2B, s0  }
0xc4: {  	[sflag:s0] =	ssyncadd.remote.s32 $0x1  }
0xc5: {  	_ =	sfence.sel $0xFFFF  }
0xc6: {  	[dreg:$0x0] =	wrdreg $0xFFFFFFFF;
	(pc) =	sbr.abs _section_cstart, $3  }
0xc7: {  	[dreg:$0x1] =	wrdreg $0xFFFFFFFF  }
0xc8: {  	_ =	task.clear_ibuf [dreg:s8], $0x2FFFF;
	_ =	strace $0x9FFFFFFF  }
0xc9: {  	(tm) =	ssettm $0x7FFFFFFF  }
tec
execute0_lowered:
.L_overlay_start_1:
0x0: {  	(tag) =	ssettag $0x1  }
0x1: {  	s1 =	srdreg.scid;
	s0 =	stileid.u32;
	v0 =	vimm.s32 $0x3E00;
	vm0 =	vcmask $0x300  }
0x2: {  	vm5 =	vcmask $0x704;
	s3 =	sand.u32 $0x1, s1;
	s29 =	sshll.u32 s0, $0x1;
	v0 =	vsel vm0, $0x3800, v0  }
0x3: {  	vm6 =	vcmask $0xB08;
	s6 =	sor.u32 s3, s29;
	v0 =	vsel vm5, $0x3880, v0  }
0x4: {  	vm7 =	vcmask $0xF0C;
	s1 =	smul.u32 $0x36B, s6;
	v0 =	vsel vm6, $0x3900, v0  }
0x5: {  	vm8 =	vcmask $0x1310;
	v0 =	vsel vm7, $0x3980, v0  }
0x6: {  	vm9 =	vcmask $0x1714;
	s4 =	sadd.s32 $0x11C2E, s1;
	v0 =	vsel vm8, $0x3A00, v0  }
0x7: {  	vm10 =	vcmask $0x1B18;
	s2 =	sand.u32 $0x1FFF8, s4;
	v0 =	vsel vm9, $0x3A80, v0  }
0x8: {  	vm11 =	vcmask $0x1F1C;
	s5 =	smin.u32 s2, $0x18618;
	v0 =	vsel vm10, $0x3B00, v0  }
0x9: {  	s1 =	rddreg [dreg:$0x0];
	s5 =	ssub.s32 s4, s5;
	v2 =	vsel vm11, $0x3B80, v0;
	v0 =	vlaneseq.u32  }
0xa: {  	s2 =	rddreg [dreg:$0x1];
	v1 =	vmov s5;
	s5 =	simm.s32 $0x0;
	v4 =	vmul.u32 $0x80, v0  }
0xb: {  	v17 =	vmul.u32 $0x104, v0;
	[smem:$0x7FF] =	sst s5  }
0xc: {  	s4 =	rddreg [dreg:$0x2];
	_ =	strace $0x80000047;
	[tilespmem:$0x1FE70] =	vst v4  }
0xd: {  	v20 =	vadd.s32 $0xFFFFFEFC, v0;
	[tilespmem:$0x1FF40] =	vst v17  }
0xe: {  	v7 =	vor.u32 $0x800, v4;
	[tilespmem:$0x1FF90] =	vst v20  }
0xf: {  	v8 =	vor.u32 $0x1800, v4;
	[tilespmem:$0x1FE80] =	vst v7  }
0x10: {  	v6 =	vor.u32 $0x2000, v4;
	[tilespmem:$0x1FEA0] =	vst v8  }
0x11: {  	v1 =	vshll.u32 v1, $0x7;
	v5 =	vor.u32 $0x2800, v4;
	[tilespmem:$0x1FEB0] =	vst v6  }
0x12: {  	v59 =	vadd.s32 v4, v1;
	[tilespmem:$0x1FEC0] =	vst v5  }
0x13: {  	v21 =	vadd.s32 $0x1040, v17;
	[tilespmem:$0x1FF00] =	vst v59  }
0x14: {  	vm12 =	vcmask $0x2320;
	v22 =	vadd.s32 $0x2080, v17;
	[tilespmem:$0x1FFA0] =	vst v21  }
0x15: {  	vm13 =	vcmask $0x2724;
	v2 =	vsel vm12, $0x3C00, v2;
	v23 =	vadd.s32 $0x30C0, v17;
	[tilespmem:$0x1FFB0] =	vst v22  }
0x16: {  	vm14 =	vcmask $0x2B28;
	v2 =	vsel vm13, $0x3C80, v2;
	v24 =	vadd.s32 $0x4100, v17;
	[tilespmem:$0x1FFC0] =	vst v23  }
0x17: {  	vm15 =	vcmask $0x2F2C;
	v3 =	vsel vm14, $0x3D00, v2;
	v25 =	vadd.s32 $0x5140, v17;
	[tilespmem:$0x1FFD0] =	vst v24  }
0x18: {  	v2 =	vsel vm15, $0x3D80, v3;
	v3 =	vor.u32 $0x3000, v4;
	v4 =	vor.u32 $0x1000, v4;
	[tilespmem:$0x1FFE0] =	vst v25  }
0x19: {  	[tilespmem:$0x1FE90] =	vst v4  }
0x1a: {  	[tilespmem:$0x1FED0] =	vst v3  }
0x1b: {  	s14 =	simm.s32 $0xCC00;
	s15 =	simm.s32 $0x14E00;
	v60 =	vadd.s32 v7, v1;
	[tilespmem:$0x1FEE0] =	vst v2  }
0x1c: {  	s16 =	simm.s32 $0x5;
	s17 =	simm.s32 $0x1;
	s18 =	simm.s32 $0x4400;
	v62 =	vadd.s32 v8, v1;
	[tilespmem:$0x1FF10] =	vst v60  }
0x1d: {  	s19 =	simm.s32 $0x8800;
	s20 =	simm.s32 $0x2;
	s21 =	simm.s32 $0x3;
	v63 =	vadd.s32 v6, v1;
	[tilespmem:$0x1FF30] =	vst v62  }
0x1e: {  	s22 =	simm.s32 $0x4;
	s23 =	simm.s32 $0x15180;
	s11 =	smul.u32 $0x36B0, s6;
	v18 =	vadd.s32 v5, v1;
	[tilespmem:$0x1FF50] =	vst v63  }
0x1f: {  	s24 =	simm.s32 $0x0;
	s3 =	ssub.s32 $0x2, s3;
	s7 =	smul.u32 $0x6E, s6;
	v8 =	vadd.s32 $0x71C0, v17;
	v61 =	vadd.s32 v4, v1;
	[tilespmem:$0x1FF60] =	vst v18  }
0x20: {  	s30 =	sshrl.u32 s3, $0x1;
	s6 =	smul.u32 $0x7, s6;
	s31 =	sadd.s32 $0x119400, s11;
	v19 =	vadd.s32 v3, v1;
	v56 =	vadd.s32 v2, v1;
	v1 =	vadd.s32 $0x6180, v17;
	[tilespmem:$0x1FFF0] =	vst v8  }
0x21: {  	s3 =	ssub.s32 s3, s30;
	s8 =	sadd.s32 $0x119BD0, s11;
	s9 =	sadd.s32 $0x11A3A0, s11;
	[tilespmem:$0x1FEF0] =	vst v1  }
0x22: {  	s10 =	sadd.s32 $0x3, s6;
	s11 =	sadd.s32 $0x11BB10, s11;
	s13 =	smax.u32 s3, $0x1;
	[tilespmem:$0x1FF20] =	vst v61  }
0x23: {  	s8 =	sand.u32 $0x1FFF80, s8;
	s12 =	sadd.s32 s7, s4;
	s7 =	sand.u32 $0x1FFF80, s31;
	[tilespmem:$0x1FF70] =	vst v19  }
0x24: {  	s8 =	sadd.s32 s1, s8;
	s7 =	sadd.s32 s1, s7;
	s12 =	sadd.s32 $0x200, s12;
	[tilespmem:$0x1FF80] =	vst v56  }
.LBB2_1:
0x25: {  	[tilespmem:s14], [sflag:$0x1] =	stream.linear.gather [hbm4b:s2+s5], $0x8200, $0x38;
	[tilespmem:$0x15500] =	vst v63  }
0x26: {  	s3 =	simm.s32 $0x1  }
0x27: {  	[tilespmem:s5], [sflag:$0x2] =	stream.linear.gather [hbm4b:s7+s5], $0x4400, $0x38;
	[tilespmem:$0x15500] =	vst v63  }
0x28: {  	v1 =	vadd.s32 s3, v0  }
0x29: {  	v3 =	vadd.s32 s3, v20;
	vm0 =	vgt.u32 v1, $0x103;
	[tilespmem:s15], [sflag:$0x5] =	stream.linear.gather [hbm4b:s4+s5], $0x280, $0x38;
	[tilespmem:$0x15500] =	vst v63  }
0x2a: {  	v1 =	vsel vm0, v3, v1;
	_ =	swait.ge [sflag:s16], $0x280  }
0x2b: {  	v3 =	vadd.s32 v24, v1;
	[sflag:s16] =	ssyncset.done $0x0  }
0x2c: {  	s30 =	simm.s32 $0x2;
	v4 =	vadd.s32 v21, v1;
	[sflag:s16] =	ssyncadd.s32 $0xFFFFFD80  }
0x2d: {  	v5 =	vadd.s32 s30, v0;
	_ =	swait.ge [sflag:s17], $0x8200  }
0x2e: {  	v6 =	vadd.s32 s30, v20;
	vm13 =	vgt.u32 v5, $0x103;
	v7 =	vadd.s32 v17, v1;
	[sflag:s17] =	ssyncset.done $0x0  }
0x2f: {  	v5 =	vsel vm13, v6, v5;
	v18 =	vld [tilespmem:$0x1FEF0];
	[sflag:s17] =	ssyncadd.s32 $0xFFFF7E00  }
0x30: {  	v6 =	vadd.s32 v17, v5;
	v3 =	vld.idx.msk [tilespmem:v3+s14+$0x0], $0xffff  }
0x31: {  	s31 =	simm.s32 $0x14E02;
	s25 =	simm.s32 $0x3;
	v28 =	vadd.s32 v8, v1;
	v4 =	vld.idx.msk [tilespmem:v4+s14+$0x0], $0xffff  }
0x32: {  	v31 =	vadd.s32 s25, v0;
	v29 =	vadd.s32 v24, v5;
	v26 =	vld [tilespmem:s31+$0xFFFFFFFF]  }
0x33: {  	v32 =	vadd.s32 s25, v20;
	vm14 =	vgt.u32 v31, $0x103;
	v30 =	vadd.s32 v8, v5;
	v7 =	vld.idx.msk [tilespmem:v7+s14+$0x0], $0xffff  }
0x34: {  	v36 =	vsel vm14, v32, v31;
	v33 =	vadd.s32 v22, v5;
	v27 =	vld [tilespmem:s31+$0x0]  }
0x35: {  	v31 =	vadd.s32 v21, v36;
	v6 =	vld.idx.msk [tilespmem:v6+s14+$0x0], $0xffff  }
0x36: {  	v12 =	vld.idx.msk [tilespmem:v28+s14+$0x0], $0xffff  }
0x37: {  	v35 =	vadd.s32 v24, v36;
	v29 =	vld.idx.msk [tilespmem:v29+s14+$0x0], $0xffff  }
0x38: {  	v40 =	vadd.s32 v21, v5;
	v28 =	vadd.s32 s5, v0;
	v37 =	vld.idx.msk [tilespmem:v30+s14+$0x0], $0xffff  }
0x39: {  	v34 =	vadd.s32 s5, v20;
	v43 =	vadd.s32 v22, v1;
	v33 =	vld.idx.msk [tilespmem:v33+s14+$0x0], $0xffff;
	vm15 =	vgt.u32 v28, $0x103  }
0x3a: {  	v41 =	vld.idx.msk [tilespmem:v31+s14+$0x0], $0xffff;
	v34 =	vsel vm15, v34, v28  }
0x3b: {  	v30 =	vld [tilespmem:s31+$0xFFFFFFFE];
	v38 =	vadd.s32 v24, v34  }
0x3c: {  	v45 =	vld.idx.msk [tilespmem:v35+s14+$0x0], $0xffff;
	v39 =	vadd.s32 v21, v34  }
0x3d: {  	v42 =	vimm.f32 $0.0e+00;
	v40 =	vld.idx.msk [tilespmem:v40+s14+$0x0], $0xffff;
	v51 =	vadd.s32 v18, v34  }
0x3e: {  	v50 =	vadd.s32 v23, v36;
	v54 =	vadd.s32 v22, v36;
	v55 =	vld.idx.msk [tilespmem:v43+s14+$0x0], $0xffff;
	v53 =	vadd.s32 v25, v34  }
0x3f: {  	v46 =	vadd.s32 v23, v1;
	v43 =	vadd.s32 v25, v36;
	v28 =	vld [tilespmem:s31+$0x1];
	v44 =	vadd.s32 v17, v34  }
0x40: {  	v49 =	vadd.s32 v22, v34;
	v48 =	vadd.s32 v18, v1;
	v35 =	vmul.f32 v29, v27;
	v47 =	vld.idx.msk [tilespmem:v38+s14+$0x0], $0xffff  }
0x41: {  	v1 =	vadd.s32 v25, v1;
	v29 =	vmul.f32 v37, v27;
	v31 =	vmul.f32 v33, v27;
	v39 =	vld.idx.msk [tilespmem:v39+s14+$0x0], $0xffff  }
0x42: {  	v52 =	vadd.s32 v23, v34;
	v33 =	vmul.f32 v6, v27;
	v3 =	vmul.f32 v3, v26;
	v60 =	vld.idx.msk [tilespmem:v51+s14+$0x0], $0xffff  }
0x43: {  	v62 =	vadd.s32 v18, v5;
	v4 =	vmul.f32 v4, v26;
	v57 =	vmul.f32 v40, v27;
	v14 =	vld.idx.msk [tilespmem:v53+s14+$0x0], $0xffff  }
0x44: {  	v6 =	vadd.s32 v17, v36;
	v32 =	vmul.f32 v12, v26;
	v37 =	vmul.f32 v41, v28;
	v56 =	vld.idx.msk [tilespmem:v44+s14+$0x0], $0xffff  }
0x45: {  	v41 =	vimm.f32 $0.0e+00;
	v38 =	vmul.f32 v45, v28;
	v59 =	vld.idx.msk [tilespmem:v49+s14+$0x0], $0xffff;
	v13 =	vmul.f32 v47, v30  }
0x46: {  	v44 =	vadd.s32 v18, v36;
	v51 =	vmul.f32 v7, v26;
	v45 =	vmul.f32 v55, v26;
	v53 =	vld.idx.msk [tilespmem:v1+s14+$0x0], $0xffff  }
0x47: {  	v55 =	vld.idx.msk [tilespmem:v54+s14+$0x0], $0xffff;
	v54 =	vimm.f32 $0.0e+00;
	v39 =	vmul.f32 v39, v30;
	v7 =	vadd.f32 v13, v42  }
0x48: {  	v47 =	vld.idx.msk [tilespmem:v52+s14+$0x0], $0xffff;
	v1 =	vmul.f32 v60, v30;
	v60 =	vadd.s32 v8, v34;
	v61 =	vmul.f32 v14, v30  }
0x49: {  	v50 =	vld.idx.msk [tilespmem:v50+s14+$0x0], $0xffff;
	v39 =	vadd.f32 v39, v42;
	v49 =	vadd.f32 v3, v7;
	v7 =	vmul.f32 v56, v30  }
0x4a: {  	v40 =	vld.idx.msk [tilespmem:v62+s14+$0x0], $0xffff;
	v52 =	vimm.f32 $0.0e+00;
	v34 =	vimm.f32 $0.0e+00;
	v3 =	vadd.s32 v23, v5  }
0x4b: {  	s26 =	simm.s32 $0x14E06;
	s25 =	simm.s32 $0x4;
	v58 =	vld.idx.msk [tilespmem:v6+s14+$0x0], $0xffff;
	v56 =	vadd.f32 v4, v39;
	v39 =	vadd.s32 v25, v5;
	v4 =	vadd.f32 v7, v42  }
.LBB2_2:
0x4c: {  	v5 =	vmul.f32 v59, v30  }
0x4d: {  	s3 =	sadd.s32 $0x1, s25;
	v7 =	vadd.s32 v8, v36;
	v36 =	vmul.f32 v47, v30;
	v35 =	vadd.f32 v35, v49  }
0x4e: {  	s30 =	sadd.s32 $0x2, s25;
	v6 =	vld.idx.msk [tilespmem:v48+s14+$0x0], $0xffff;
	v1 =	vadd.f32 v1, v42;
	v63 =	vadd.s32 s3, v0;
	v12 =	vadd.s32 s3, v20  }
0x4f: {  	s29 =	sadd.s32 $0x3, s25;
	v3 =	vld.idx.msk [tilespmem:v3+s14+$0x0], $0xffff;
	v52 =	vadd.f32 v61, v52;
	v59 =	vadd.s32 s30, v0;
	v13 =	vadd.s32 s30, v20  }
0x50: {  	v46 =	vld.idx.msk [tilespmem:v46+s14+$0x0], $0xffff;
	v4 =	vadd.f32 v51, v4;
	v51 =	vadd.f32 v57, v56;
	v56 =	vadd.s32 s29, v20  }
0x51: {  	v47 =	vld.idx.msk [tilespmem:v60+s14+$0x0], $0xffff;
	vm0 =	vgt.u32 v63, $0x103;
	v5 =	vadd.f32 v5, v54;
	vm13 =	vgt.u32 v59, $0x103  }
0x52: {  	v57 =	vld.idx.msk [tilespmem:v39+s14+$0x0], $0xffff;
	v60 =	vadd.f32 v38, v35;
	v36 =	vadd.f32 v36, v41;
	v39 =	vsel vm13, v13, v59  }
0x53: {  	v43 =	vld.idx.msk [tilespmem:v43+s14+$0x0], $0xffff;
	v4 =	vadd.f32 v33, v4;
	v42 =	vmul.f32 v58, v28;
	v13 =	vadd.s32 v17, v39  }
0x54: {  	v44 =	vld.idx.msk [tilespmem:v44+s14+$0x0], $0xffff;
	v58 =	vsel vm0, v12, v63;
	v48 =	vmul.f32 v53, v26;
	v54 =	vadd.s32 v8, v39  }
0x55: {  	v50 =	vmul.f32 v50, v28;
	v55 =	vmul.f32 v55, v28;
	v53 =	vadd.s32 v24, v58;
	v7 =	vld.idx.msk [tilespmem:v7+s14+$0x0], $0xffff  }
0x56: {  	v14 =	vadd.s32 v21, v58;
	v6 =	vmul.f32 v6, v26;
	v46 =	vmul.f32 v46, v26;
	v26 =	vld [tilespmem:s26+$0xFFFFFFFF]  }
0x57: {  	v5 =	vadd.f32 v45, v5;
	v12 =	vadd.s32 v17, v58;
	v38 =	vmul.f32 v47, v30;
	v47 =	vld [tilespmem:s26+$0x0]  }
0x58: {  	v40 =	vmul.f32 v40, v27;
	v30 =	vadd.s32 v8, v58;
	v3 =	vmul.f32 v3, v27;
	v59 =	vld.idx.msk [tilespmem:v13+s14+$0x0], $0xffff  }
0x59: {  	s28 =	smov.u32 s25;
	v45 =	vmul.f32 v44, v28;
	v44 =	vadd.s32 v21, v39;
	v1 =	vadd.f32 v6, v1;
	v33 =	vld.idx.msk [tilespmem:v54+s14+$0x0], $0xffff  }
0x5a: {  	v43 =	vmul.f32 v43, v28;
	v57 =	vmul.f32 v57, v27;
	v27 =	vadd.s32 s28, v0;
	v53 =	vld.idx.msk [tilespmem:v53+s14+$0x0], $0xffff  }
0x5b: {  	vm15 =	vgt.u32 v27, $0x103;
	v13 =	vadd.s32 v22, v39;
	v1 =	vadd.f32 v40, v1;
	v61 =	vld.idx.msk [tilespmem:v14+s14+$0x0], $0xffff  }
0x5c: {  	v40 =	vadd.s32 v18, v39;
	v49 =	vld.idx.msk [tilespmem:v12+s14+$0x0], $0xffff;
	v7 =	vmul.f32 v7, v28;
	v28 =	vadd.s32 s28, v20  }
0x5d: {  	v14 =	vadd.s32 v24, v39;
	v12 =	vadd.s32 s29, v0;
	v62 =	vld.idx.msk [tilespmem:v30+s14+$0x0], $0xffff;
	v9 =	vsel vm15, v28, v27  }
0x5e: {  	v5 =	vadd.f32 v31, v5;
	v8 =	vld.idx.msk [tilespmem:v44+s14+$0x0], $0xffff;
	vm14 =	vgt.u32 v12, $0x103;
	v31 =	vadd.s32 v21, v9  }
0x5f: {  	v46 =	vadd.f32 v46, v36;
	v28 =	vld [tilespmem:s26+$0x1];
	v36 =	vsel vm14, v56, v12;
	v54 =	vadd.s32 v23, v9  }
0x60: {  	v48 =	vadd.f32 v48, v52;
	v56 =	vadd.f32 v37, v51;
	v30 =	vadd.s32 v21, v36;
	v51 =	vld.idx.msk [tilespmem:v13+s14+$0x0], $0xffff  }
0x61: {  	v4 =	vadd.f32 v42, v4;
	v40 =	vld.idx.msk [tilespmem:v40+s14+$0x0], $0xffff  }
0x62: {  	v34 =	vadd.f32 v38, v34;
	v38 =	vadd.f32 v57, v48;
	v44 =	vadd.s32 v24, v9;
	v14 =	vld.idx.msk [tilespmem:v14+s14+$0x0], $0xffff  }
0x63: {  	v48 =	vadd.s32 v18, v58;
	v3 =	vadd.f32 v3, v46;
	v6 =	vadd.s32 v17, v9;
	v57 =	vld.idx.msk [tilespmem:v31+s14+$0x0], $0xffff  }
0x64: {  	v32 =	vadd.f32 v32, v34;
	v27 =	vmov v47;
	v41 =	vadd.s32 v24, v36;
	v47 =	vld.idx.msk [tilespmem:v54+s14+$0x0], $0xffff  }
0x65: {  	v46 =	vadd.s32 v23, v58;
	v52 =	vadd.f32 v43, v38;
	v37 =	vadd.s32 v22, v58;
	v11 =	vld.idx.msk [tilespmem:v30+s14+$0x0], $0xffff  }
0x66: {  	v42 =	vadd.f32 v45, v1;
	v2 =	vadd.s32 v22, v9;
	v15 =	vadd.s32 v18, v9;
	v30 =	vld [tilespmem:s26+$0xFFFFFFFE]  }
0x67: {  	v10 =	vadd.s32 v25, v9;
	v63 =	vadd.s32 v23, v36;
	v35 =	vmul.f32 v14, v27;
	v14 =	vld.idx.msk [tilespmem:v44+s14+$0x0], $0xffff  }
0x68: {  	v16 =	vmul.f32 v33, v27;
	v33 =	vmul.f32 v59, v27;
	v59 =	vadd.f32 v29, v32;
	v6 =	vld.idx.msk [tilespmem:v6+s14+$0x0], $0xffff  }
0x69: {  	v12 =	vadd.s32 v22, v36;
	v43 =	vadd.s32 v25, v36;
	v32 =	vmul.f32 v62, v26;
	v13 =	vld.idx.msk [tilespmem:v41+s14+$0x0], $0xffff  }
0x6a: {  	v34 =	vadd.f32 v7, v59;
	v7 =	vmul.f32 v53, v26;
	v41 =	vadd.f32 v50, v3;
	v3 =	vld.idx.msk [tilespmem:v37+s14+$0x0], $0xffff  }
0x6b: {  	v54 =	vadd.f32 v55, v5;
	v5 =	vadd.s32 v25, v58;
	v15 =	vld.idx.msk [tilespmem:v15+s14+$0x0], $0xffff;
	v31 =	vmul.f32 v51, v27  }
0x6c: {  	v10 =	vld.idx.msk [tilespmem:v10+s14+$0x0], $0xffff;
	v50 =	vadd.s32 v17, v36;
	v51 =	vmul.f32 v49, v26;
	v14 =	vmul.f32 v14, v30  }
0x6d: {  	p0 =	slt.u32 s25, $0x100;
	v29 =	vmovc v16;
	v44 =	vadd.s32 v18, v36;
	v1 =	vmul.f32 v57, v30;
	v57 =	vmul.f32 v8, v27;
	v8 =	vld [tilespmem:$0x1FFF0]  }
.Ltmp0:
0x6e: {  	v59 =	vld.idx.msk [tilespmem:v2+s14+$0x0], $0xffff;
	v38 =	vmul.f32 v13, v28;
	v37 =	vmul.f32 v11, v28;
	v2 =	vadd.f32 v14, v60;
	(pc) =	sbr.rel @p0 .LBB2_2-.Ltmp0, $4  }
0x6f: {  	v55 =	vld.idx.msk [tilespmem:v12+s14+$0x0], $0xffff;
	v11 =	vmul.f32 v61, v26;
	v45 =	vmul.f32 v3, v26;
	v1 =	vadd.f32 v1, v56  }
0x70: {  	v53 =	vld.idx.msk [tilespmem:v5+s14+$0x0], $0xffff;
	v3 =	vadd.s32 v23, v39;
	v49 =	vadd.f32 v7, v2;
	v2 =	vmul.f32 v6, v30  }
0x71: {  	v58 =	vld.idx.msk [tilespmem:v50+s14+$0x0], $0xffff;
	v61 =	vmul.f32 v10, v30;
	v39 =	vadd.s32 v25, v39;
	v56 =	vadd.f32 v11, v1  }
0x72: {  	s25 =	sadd.s32 $0x4, s25;
	s26 =	sadd.s32 $0x4, s26;
	v50 =	vld.idx.msk [tilespmem:v63+s14+$0x0], $0xffff;
	v1 =	vmul.f32 v15, v30;
	v60 =	vadd.s32 v8, v9;
	v4 =	vadd.f32 v2, v4  }
0x73: {  	_ =	sdelay $0x3  }
0x74: {  	v2 =	vld.idx.msk [tilespmem:v46+s14+$0x0], $0xffff  }
0x75: {  	v5 =	vld.idx.msk [tilespmem:v48+s14+$0x0], $0xffff;
	v6 =	vadd.s32 v8, v36  }
0x76: {  	v7 =	vmul.f32 v59, v30;
	v3 =	vld.idx.msk [tilespmem:v3+s14+$0x0], $0xffff;
	v12 =	vadd.f32 v57, v56;
	v57 =	vadd.f32 v35, v49  }
0x77: {  	v48 =	vmul.f32 v47, v30;
	v9 =	vld.idx.msk [tilespmem:v60+s14+$0x0], $0xffff;
	v4 =	vadd.f32 v51, v4;
	v1 =	vadd.f32 v1, v42  }
0x78: {  	v11 =	vld.idx.msk [tilespmem:v43+s14+$0x0], $0xffff;
	v14 =	vmul.f32 v55, v28;
	v55 =	vadd.f32 v61, v52;
	v7 =	vadd.f32 v7, v54  }
0x79: {  	v13 =	vld.idx.msk [tilespmem:v44+s14+$0x0], $0xffff;
	v8 =	vadd.f32 v48, v41;
	v54 =	vadd.f32 v37, v12  }
0x7a: {  	v51 =	vld.idx.msk [tilespmem:v39+s14+$0x0], $0xffff;
	v60 =	vadd.f32 v38, v57;
	v7 =	vadd.f32 v45, v7;
	v2 =	vmul.f32 v2, v26  }
0x7b: {  	v10 =	vmul.f32 v58, v28;
	v4 =	vadd.f32 v33, v4;
	v6 =	vld.idx.msk [tilespmem:v6+s14+$0x0], $0xffff;
	[tilespmem:$0x15090] =	vst v54  }
0x7c: {  	v3 =	vmul.f32 v3, v27;
	[tilespmem:$0x15110] =	vst v54;
	v7 =	vadd.f32 v31, v7;
	v2 =	vadd.f32 v2, v8  }
0x7d: {  	v15 =	vmul.f32 v53, v26;
	v56 =	vmul.f32 v50, v28;
	v4 =	vadd.f32 v10, v4;
	[tilespmem:$0x150C0] =	vst v60  }
0x7e: {  	v5 =	vmul.f32 v5, v26;
	[tilespmem:$0x15140] =	vst v60;
	v2 =	vadd.f32 v3, v2;
	v3 =	vadd.f32 v14, v7  }
0x7f: {  	v59 =	vadd.f32 v15, v55;
	v9 =	vmul.f32 v9, v30;
	v58 =	vmul.f32 v51, v27;
	[tilespmem:$0x15080] =	vst v4  }
0x80: {  	v61 =	vmul.f32 v40, v27;
	v1 =	vadd.f32 v5, v1;
	v2 =	vadd.f32 v56, v2;
	[tilespmem:$0x150A0] =	vst v3  }
0x81: {  	v62 =	vadd.f32 v9, v34;
	v8 =	vadd.f32 v58, v59;
	[tilespmem:$0x15120] =	vst v3;
	v3 =	vmul.f32 v11, v28  }
0x82: {  	v1 =	vadd.f32 v61, v1;
	[tilespmem:$0x150B0] =	vst v2  }
0x83: {  	v5 =	vadd.f32 v32, v62;
	[tilespmem:$0x15130] =	vst v2;
	v2 =	vmul.f32 v13, v28;
	v3 =	vadd.f32 v3, v8  }
0x84: {  	[tilespmem:$0x15100] =	vst v4  }
0x85: {  	v63 =	vmul.f32 v6, v28;
	v5 =	vadd.f32 v29, v5;
	v1 =	vadd.f32 v2, v1;
	[tilespmem:$0x150D0] =	vst v3  }
0x86: {  	[tilespmem:$0x15150] =	vst v3  }
0x87: {  	v2 =	vadd.f32 v63, v5;
	[tilespmem:$0x150E0] =	vst v1  }
0x88: {  	[tilespmem:$0x15160] =	vst v1  }
0x89: {  	s25 =	simm.s32 $0x0;
	p2 =	por $0x1, $0x1;
	[tilespmem:$0x150F0] =	vst v2  }
0x8a: {  	p1 =	por $0x0, $0x0;
	s3 =	smov.u32 s9;
	s28 =	simm.s32 $0x0;
	[tilespmem:$0x15170] =	vst v2  }
0x8b: {  	[tilespmem:s18], [sflag:$0x3] =	stream.linear.gather [hbm4b:s8+s25], $0x4400, $0x38;
	[tilespmem:$0x15500] =	vst v63  }
.LBB2_4:
0x8c: {  	s26 =	smul.u32 $0x3, s28;
	_ =	sdelay $0x1  }
0x8d: {  	s3 =	sand.u32 $0x1FFF80, s3;
	s29 =	sadd.s32 s6, s26  }
0x8e: {  	s3 =	sadd.s32 s1, s3;
	s29 =	smul.u32 $0x7D, s29  }
0x8f: {  	[tilespmem:s19], [sflag:$0x4] =	stream.linear.gather [hbm4b:s3+s25], $0x4400, $0x38;
	[tilespmem:$0x15500] =	vst v63  }
0x90: {  	_ =	swait.ge [sflag:s20], $0x4400;
	s0 =	sadd.s32 $0x11940, s29  }
0x91: {  	v4 =	vld [tilespmem:$0x1FE80];
	s29 =	sand.u32 $0x7FFFFFF8, s0  }
0x92: {  	v6 =	vld [tilespmem:$0x1FE90];
	s29 =	smin.u32 s29, $0x18618  }
0x93: {  	v3 =	vld [tilespmem:$0x1FE70];
	s3 =	ssub.s32 s0, s29  }
0x94: {  	s31 =	simm.s32 $0x1;
	v9 =	vld [tilespmem:$0x1FEE0];
	v1 =	vmov s3  }
0x95: {  	v2 =	vadd.s32 s31, v0;
	[sflag:s20] =	ssyncset.done $0x0;
	v12 =	vld [tilespmem:$0x1FEC0];
	s0 =	simm.s32 $0x2;
	v1 =	vshll.u32 v1, $0x7  }
0x96: {  	v2 =	vand.u32 $0x7F, v2;
	v13 =	vld [tilespmem:$0x1FEB0];
	[sflag:s20] =	ssyncadd.s32 $0xFFFFBC00;
	s29 =	simm.s32 $0x15082;
	v5 =	vadd.s32 s0, v0;
	v31 =	vadd.s32 v4, v1  }
0x97: {  	v27 =	vld [tilespmem:s29+$0xFFFFFFFF];
	v5 =	vand.u32 $0x7F, v5;
	v32 =	vadd.s32 v6, v1;
	v6 =	vor.u32 v31, v2  }
0x98: {  	v35 =	vld [tilespmem:s29+$0xFFFFFFFE];
	v29 =	vadd.s32 v3, v1;
	v7 =	vor.u32 v32, v5  }
0x99: {  	v28 =	vld [tilespmem:s29+$0x0];
	v8 =	vor.u32 v29, v5  }
0x9a: {  	v26 =	vld [tilespmem:s29+$0x1];
	v33 =	vadd.s32 v9, v1;
	v20 =	vor.u32 v31, v5  }
0x9b: {  	v3 =	vld [tilespmem:$0x1FEA0];
	v10 =	vor.u32 v33, v2  }
0x9c: {  	v11 =	vor.u32 v33, v5;
	v6 =	vld.idx.msk [tilespmem:v6+s5+$0x0], $0xffff  }
0x9d: {  	v34 =	vadd.s32 v12, v1;
	v21 =	vor.u32 v32, v2;
	v7 =	vld.idx.msk [tilespmem:v7+s5+$0x0], $0xffff  }
0x9e: {  	s31 =	simm.s32 $0x3;
	v36 =	vadd.s32 v13, v1;
	v22 =	vor.u32 v34, v2;
	v61 =	vld.idx.msk [tilespmem:v8+s5+$0x0], $0xffff  }
0x9f: {  	v14 =	vadd.s32 s31, v0;
	v15 =	vor.u32 v36, v2;
	v9 =	vld.idx.msk [tilespmem:v20+s5+$0x0], $0xffff  }
0xa0: {  	v14 =	vand.u32 $0x7F, v14;
	v10 =	vld.idx.msk [tilespmem:v10+s5+$0x0], $0xffff  }
0xa1: {  	v16 =	vor.u32 v32, v14;
	v11 =	vld.idx.msk [tilespmem:v11+s5+$0x0], $0xffff  }
0xa2: {  	v38 =	vor.u32 v33, v14;
	v12 =	vld.idx.msk [tilespmem:v21+s5+$0x0], $0xffff  }
0xa3: {  	v37 =	vadd.s32 s25, v0;
	v40 =	vor.u32 v31, v14;
	v30 =	vadd.s32 v3, v1;
	v13 =	vld.idx.msk [tilespmem:v22+s5+$0x0], $0xffff  }
0xa4: {  	v39 =	vand.u32 $0x7F, v37;
	v4 =	vor.u32 v30, v2;
	v15 =	vld.idx.msk [tilespmem:v15+s5+$0x0], $0xffff  }
0xa5: {  	v41 =	vor.u32 v29, v39;
	v8 =	vld [tilespmem:$0x1FED0]  }
0xa6: {  	v44 =	vor.u32 v31, v39;
	v16 =	vld.idx.msk [tilespmem:v16+s5+$0x0], $0xffff  }
0xa7: {  	v55 =	vor.u32 v34, v39;
	v49 =	vld.idx.msk [tilespmem:v38+s5+$0x0], $0xffff  }
0xa8: {  	v43 =	vimm.f32 $0.0e+00;
	v3 =	vor.u32 v29, v2;
	v52 =	vld.idx.msk [tilespmem:v40+s5+$0x0], $0xffff  }
0xa9: {  	v47 =	vor.u32 v29, v14;
	v45 =	vor.u32 v32, v39;
	v50 =	vor.u32 v34, v5;
	v4 =	vld.idx.msk [tilespmem:v4+s5+$0x0], $0xffff  }
0xaa: {  	v54 =	vor.u32 v36, v39;
	v41 =	vld.idx.msk [tilespmem:v41+s5+$0x0], $0xffff;
	v37 =	vadd.s32 v8, v1;
	v1 =	vor.u32 v33, v39  }
0xab: {  	v59 =	vor.u32 v34, v14;
	v53 =	vor.u32 v30, v39;
	v23 =	vld.idx.msk [tilespmem:v44+s5+$0x0], $0xffff;
	v38 =	vmul.f32 v11, v28  }
0xac: {  	v21 =	vld.idx.msk [tilespmem:v55+s5+$0x0], $0xffff;
	v8 =	vor.u32 v30, v5;
	v56 =	vmul.f32 v12, v27;
	v48 =	vmul.f32 v15, v27  }
0xad: {  	v3 =	vld.idx.msk [tilespmem:v3+s5+$0x0], $0xffff;
	v46 =	vmul.f32 v16, v26;
	v10 =	vmul.f32 v10, v27;
	v51 =	vor.u32 v37, v39  }
0xae: {  	v12 =	vld.idx.msk [tilespmem:v45+s5+$0x0], $0xffff;
	v45 =	vmul.f32 v52, v26;
	v40 =	vmul.f32 v4, v27;
	v4 =	vor.u32 v37, v5  }
0xaf: {  	v15 =	vor.u32 v36, v5;
	v60 =	vmul.f32 v6, v27;
	v39 =	vmul.f32 v13, v27;
	v1 =	vld.idx.msk [tilespmem:v1+s5+$0x0], $0xffff  }
0xb0: {  	v13 =	vor.u32 v36, v14;
	v52 =	vor.u32 v37, v2;
	v2 =	vld.idx.msk [tilespmem:v54+s5+$0x0], $0xffff;
	v5 =	vmul.f32 v41, v35  }
0xb1: {  	v42 =	vor.u32 v30, v14;
	v6 =	vmul.f32 v23, v35;
	v41 =	vmul.f32 v61, v28;
	v61 =	vld.idx.msk [tilespmem:v50+s5+$0x0], $0xffff  }
0xb2: {  	v57 =	vmul.f32 v9, v28;
	v3 =	vmul.f32 v3, v27;
	v20 =	vld.idx.msk [tilespmem:v51+s5+$0x0], $0xffff;
	v23 =	vadd.f32 v5, v43  }
0xb3: {  	v50 =	vmul.f32 v21, v35;
	v5 =	vadd.f32 v6, v43;
	v6 =	vmul.f32 v12, v35;
	v22 =	vld.idx.msk [tilespmem:v4+s5+$0x0], $0xffff  }
0xb4: {  	v63 =	vld.idx.msk [tilespmem:v47+s5+$0x0], $0xffff;
	v51 =	vor.u32 v37, v14;
	v11 =	vadd.f32 v3, v23;
	v1 =	vmul.f32 v1, v35  }
0xb5: {  	v58 =	vld.idx.msk [tilespmem:v13+s5+$0x0], $0xffff;
	v3 =	vmul.f32 v7, v28;
	v6 =	vadd.f32 v6, v43;
	v7 =	vmul.f32 v2, v35  }
0xb6: {  	v4 =	vld.idx.msk [tilespmem:v53+s5+$0x0], $0xffff;
	v53 =	vadd.f32 v50, v43;
	v50 =	vimm.f32 $0.0e+00;
	v1 =	vadd.f32 v1, v43  }
0xb7: {  	v62 =	vld.idx.msk [tilespmem:v15+s5+$0x0], $0xffff;
	v54 =	vmul.f32 v20, v35;
	v55 =	vadd.f32 v41, v11;
	v41 =	vmul.f32 v49, v26  }
0xb8: {  	p0 =	por p2, p2;
	s30 =	simm.s32 $0x4;
	v49 =	vimm.f32 $0.0e+00;
	v47 =	vadd.f32 v10, v1;
	v1 =	vld.idx.msk [tilespmem:v8+s5+$0x0], $0xffff;
	v44 =	vmul.f32 v22, v28  }
.LBB2_5:
0xb9: {  	s0 =	sadd.s32 $0x1, s30  }
0xba: {  	v2 =	vadd.f32 v60, v5;
	v5 =	vadd.f32 v56, v6;
	v6 =	vld.idx.msk [tilespmem:v42+s5+$0x0], $0xffff;
	v8 =	vmul.f32 v58, v26;
	s29 =	sadd.s32 $0x4, s29;
	s31 =	smov.u32 s30;
	s3 =	sadd.s32 $0x4, s30  }
0xbb: {  	p2 =	slt.u32 s30, $0x7C;
	v4 =	vmul.f32 v4, v35;
	v9 =	vadd.s32 s0, v0;
	v7 =	vadd.f32 v7, v43;
	v10 =	vld.idx.msk [tilespmem:v59+s5+$0x0], $0xffff  }
0xbc: {  	v9 =	vand.u32 $0x7F, v9;
	v2 =	vadd.f32 v57, v2;
	v3 =	vadd.f32 v3, v5;
	v5 =	vld.idx.msk [tilespmem:v51+s5+$0x0], $0xffff  }
0xbd: {  	s0 =	sadd.s32 $0x2, s31;
	v14 =	vmul.f32 v61, v28;
	v11 =	vor.u32 v29, v9;
	v12 =	vor.u32 v34, v9;
	v13 =	vld.idx.msk [tilespmem:v52+s5+$0x0], $0xffff  }
0xbe: {  	v42 =	vadd.s32 s0, v0;
	v43 =	vmul.f32 v63, v26;
	v16 =	vor.u32 v30, v9;
	v15 =	vld [tilespmem:s29+$0xFFFFFFFF]  }
0xbf: {  	v51 =	vor.u32 v31, v9;
	v56 =	vand.u32 $0x7F, v42;
	v42 =	vmul.f32 v62, v28;
	v35 =	vld [tilespmem:s29+$0xFFFFFFFE]  }
0xc0: {  	v7 =	vadd.f32 v48, v7;
	v52 =	vor.u32 v32, v56;
	v1 =	vmul.f32 v1, v28;
	v28 =	vld [tilespmem:s29+$0x0]  }
0xc1: {  	v48 =	vor.u32 v29, v56;
	v62 =	vadd.f32 v46, v3;
	v3 =	vmul.f32 v10, v26;
	v57 =	vld [tilespmem:s29+$0x1]  }
0xc2: {  	v2 =	vadd.f32 v45, v2;
	v7 =	vadd.f32 v42, v7;
	v10 =	vld.idx.msk [tilespmem:v11+s5+$0x0], $0xffff;
	v11 =	vor.u32 v31, v56  }
0xc3: {  	v4 =	vadd.f32 v4, v49;
	v42 =	vor.u32 v33, v9;
	v6 =	vmul.f32 v6, v26;
	v16 =	vld.idx.msk [tilespmem:v16+s5+$0x0], $0xffff  }
0xc4: {  	s0 =	sadd.s32 $0x3, s31;
	v45 =	vor.u32 v36, v9;
	v46 =	vor.u32 v33, v56;
	v58 =	vld.idx.msk [tilespmem:v51+s5+$0x0], $0xffff  }
0xc5: {  	v49 =	vor.u32 v32, v9;
	v55 =	vadd.f32 v43, v55;
	v51 =	vadd.s32 s0, v0;
	v61 =	vld.idx.msk [tilespmem:v52+s5+$0x0], $0xffff  }
0xc6: {  	v5 =	vmul.f32 v5, v26;
	v59 =	vand.u32 $0x7F, v51;
	v63 =	vld.idx.msk [tilespmem:v48+s5+$0x0], $0xffff;
	v48 =	vadd.f32 v54, v50;
	v26 =	vmovc v57  }
0xc7: {  	v13 =	vmul.f32 v13, v27;
	v17 =	vor.u32 v29, v59;
	v50 =	vor.u32 v32, v59;
	v11 =	vld.idx.msk [tilespmem:v11+s5+$0x0], $0xffff  }
0xc8: {  	v47 =	vadd.f32 v38, v47;
	v51 =	vor.u32 v33, v59;
	v54 =	vld.idx.msk [tilespmem:v42+s5+$0x0], $0xffff;
	v42 =	vor.u32 v30, v59  }
0xc9: {  	v38 =	vadd.s32 s31, v0;
	v39 =	vadd.f32 v39, v53;
	v18 =	vor.u32 v34, v56;
	v27 =	vmovc v15;
	v46 =	vld.idx.msk [tilespmem:v46+s5+$0x0], $0xffff  }
0xca: {  	v4 =	vadd.f32 v40, v4;
	v15 =	vand.u32 $0x7F, v38;
	v52 =	vor.u32 v31, v59;
	v53 =	vld.idx.msk [tilespmem:v49+s5+$0x0], $0xffff  }
0xcb: {  	v43 =	vadd.f32 v8, v7;
	v40 =	vor.u32 v29, v15;
	v57 =	vor.u32 v31, v15;
	v12 =	vld.idx.msk [tilespmem:v12+s5+$0x0], $0xffff  }
0xcc: {  	v1 =	vadd.f32 v1, v4;
	v7 =	vor.u32 v32, v15;
	v8 =	vor.u32 v30, v15;
	v45 =	vld.idx.msk [tilespmem:v45+s5+$0x0], $0xffff  }
0xcd: {  	v4 =	vor.u32 v36, v15;
	v60 =	vor.u32 v34, v15;
	v19 =	vor.u32 v33, v15;
	v20 =	vld.idx.msk [tilespmem:v50+s5+$0x0], $0xffff  }
0xce: {  	v21 =	vor.u32 v30, v56;
	v22 =	vor.u32 v36, v56;
	v49 =	vadd.f32 v6, v1;
	v23 =	vld.idx.msk [tilespmem:v51+s5+$0x0], $0xffff  }
0xcf: {  	v13 =	vadd.f32 v13, v48;
	v1 =	vor.u32 v37, v15;
	v38 =	vmul.f32 v46, v28;
	v6 =	vld.idx.msk [tilespmem:v52+s5+$0x0], $0xffff  }
0xd0: {  	v41 =	vadd.f32 v41, v47;
	v14 =	vadd.f32 v14, v39;
	v51 =	vor.u32 v37, v59;
	v15 =	vld.idx.msk [tilespmem:v40+s5+$0x0], $0xffff  }
0xd1: {  	v52 =	vor.u32 v37, v9;
	v9 =	vadd.f32 v44, v13;
	v39 =	vmul.f32 v12, v27;
	v47 =	vld.idx.msk [tilespmem:v57+s5+$0x0], $0xffff  }
0xd2: {  	v14 =	vadd.f32 v3, v14;
	v13 =	vor.u32 v37, v56;
	v40 =	vmul.f32 v16, v27;
	v12 =	vld.idx.msk [tilespmem:v19+s5+$0x0], $0xffff  }
0xd3: {  	v56 =	vmul.f32 v53, v27;
	v50 =	vadd.f32 v5, v9;
	v3 =	vld.idx.msk [tilespmem:v7+s5+$0x0], $0xffff;
	v7 =	vor.u32 v36, v59  }
0xd4: {  	v48 =	vmul.f32 v45, v27;
	v46 =	vmul.f32 v20, v26;
	v1 =	vld.idx.msk [tilespmem:v1+s5+$0x0], $0xffff  }
0xd5: {  	v16 =	vmul.f32 v54, v27;
	v45 =	vmul.f32 v6, v26;
	v9 =	vld.idx.msk [tilespmem:v60+s5+$0x0], $0xffff  }
0xd6: {  	v5 =	vmul.f32 v15, v35;
	v60 =	vmul.f32 v58, v27;
	v15 =	vld.idx.msk [tilespmem:v4+s5+$0x0], $0xffff  }
0xd7: {  	v57 =	vmul.f32 v11, v28;
	v59 =	vor.u32 v34, v59;
	v4 =	vmul.f32 v47, v35;
	v11 =	vld.idx.msk [tilespmem:v13+s5+$0x0], $0xffff  }
0xd8: {  	v10 =	vmul.f32 v10, v27;
	v6 =	vadd.f32 v5, v55;
	v12 =	vmul.f32 v12, v35;
	v58 =	vld.idx.msk [tilespmem:v7+s5+$0x0], $0xffff  }
.Ltmp1:
0xd9: {  	v5 =	vadd.f32 v4, v2;
	v2 =	vmul.f32 v3, v35;
	v7 =	vmul.f32 v63, v28;
	v4 =	vld.idx.msk [tilespmem:v8+s5+$0x0], $0xffff;
	(pc) =	sbr.rel @p2 .LBB2_5-.Ltmp1, $4  }
0xda: {  	v3 =	vmul.f32 v61, v28;
	v8 =	vadd.f32 v12, v41;
	v10 =	vadd.f32 v10, v6;
	v61 =	vld.idx.msk [tilespmem:v18+s5+$0x0], $0xffff  }
0xdb: {  	v54 =	vmul.f32 v1, v35;
	v6 =	vadd.f32 v2, v62;
	v2 =	vmul.f32 v9, v35;
	v63 =	vld.idx.msk [tilespmem:v17+s5+$0x0], $0xffff  }
0xdc: {  	v41 =	vmul.f32 v23, v26;
	v47 =	vadd.f32 v16, v8;
	v55 =	vadd.f32 v7, v10;
	v62 =	vld.idx.msk [tilespmem:v22+s5+$0x0], $0xffff  }
0xdd: {  	s30 =	smov.u32 s3;
	v7 =	vmul.f32 v15, v35;
	v53 =	vadd.f32 v2, v14;
	v44 =	vmul.f32 v11, v28;
	v1 =	vld.idx.msk [tilespmem:v21+s5+$0x0], $0xffff  }
0xde: {  	_ =	sdelay $0x2  }
0xdf: {  	v2 =	vadd.f32 v60, v5  }
0xe0: {  	v5 =	vadd.f32 v56, v6;
	v8 =	vld.idx.msk [tilespmem:v42+s5+$0x0], $0xffff;
	v13 =	vadd.f32 v54, v50  }
0xe1: {  	v4 =	vmul.f32 v4, v35;
	v6 =	vadd.f32 v7, v43;
	v7 =	vld.idx.msk [tilespmem:v52+s5+$0x0], $0xffff;
	v14 =	vadd.f32 v39, v53  }
0xe2: {  	v10 =	vld.idx.msk [tilespmem:v59+s5+$0x0], $0xffff;
	v2 =	vadd.f32 v57, v2;
	v3 =	vadd.f32 v3, v5  }
0xe3: {  	v5 =	vmul.f32 v61, v28;
	v9 =	vmul.f32 v63, v26;
	v4 =	vadd.f32 v4, v49  }
0xe4: {  	v11 =	vmul.f32 v62, v28;
	v6 =	vadd.f32 v48, v6;
	v3 =	vadd.f32 v46, v3  }
0xe5: {  	v12 =	vld.idx.msk [tilespmem:v51+s5+$0x0], $0xffff;
	s0 =	smul.u32 $0x5DC, s28;
	v1 =	vmul.f32 v1, v28;
	v2 =	vadd.f32 v45, v2;
	v4 =	vadd.f32 v40, v4  }
0xe6: {  	v9 =	vadd.f32 v9, v55;
	v5 =	vadd.f32 v5, v14;
	v7 =	vmul.f32 v7, v27  }
0xe7: {  	s0 =	sshra.s32 s0, $0x2;
	v8 =	vmul.f32 v8, v26;
	v53 =	vmul.f32 v10, v26;
	v1 =	vadd.f32 v1, v4  }
0xe8: {  	s3 =	sadd.s32 s26, s10;
	v6 =	vadd.f32 v11, v6;
	v4 =	vmul.f32 v58, v26;
	[tilespmem:s0+$0x15180] =	vst v9;
	v7 =	vadd.f32 v7, v13  }
0xe9: {  	s3 =	smul.u32 $0x7D, s3;
	[tilespmem:s0+$0x15190] =	vst v2;
	v5 =	vadd.f32 v53, v5;
	v1 =	vadd.f32 v8, v1  }
0xea: {  	v2 =	vmul.f32 v12, v26;
	[tilespmem:s0+$0x151A0] =	vst v3;
	v4 =	vadd.f32 v4, v6;
	v6 =	vadd.f32 v44, v7  }
0xeb: {  	s3 =	sadd.s32 $0x11940, s3;
	v3 =	vadd.f32 v38, v47;
	[tilespmem:s0+$0x151D0] =	vst v5  }
0xec: {  	s3 =	sand.u32 $0x7FFFFFF8, s3;
	[tilespmem:s0+$0x151B0] =	vst v1;
	v1 =	vadd.f32 v2, v6  }
0xed: {  	s28 =	sadd.s32 $0x1, s26;
	s3 =	smin.u32 s3, $0x18618;
	[tilespmem:s0+$0x151C0] =	vst v4;
	v2 =	vadd.f32 v41, v3  }
0xee: {  	s29 =	sadd.s32 s6, s28;
	s3 =	sshll.u32 s3, $0x4;
	[tilespmem:s0+$0x151E0] =	vst v1  }
0xef: {  	s29 =	smul.u32 $0x7D, s29;
	s31 =	sadd.s32 s1, s3;
	s3 =	simm.s32 $0x0;
	[tilespmem:s0+$0x151F0] =	vst v2  }
0xf0: {  	[tilespmem:s3], [sflag:$0x2] =	stream.linear.gather [hbm4b:s31+s3], $0x4400, $0x38;
	[tilespmem:$0x15500] =	vst v63  }
0xf1: {  	_ =	swait.ge [sflag:s21], $0x4400  }
0xf2: {  	s30 =	sadd.s32 $0x11940, s29;
	v3 =	vld [tilespmem:$0x1FE70]  }
0xf3: {  	s29 =	sand.u32 $0x7FFFFFF8, s30;
	v4 =	vld [tilespmem:$0x1FE80]  }
0xf4: {  	s29 =	smin.u32 s29, $0x18618;
	v6 =	vld [tilespmem:$0x1FE90]  }
0xf5: {  	s0 =	ssub.s32 s30, s29;
	v54 =	vld [tilespmem:$0x1FEE0]  }
0xf6: {  	v18 =	vadd.s32 s3, v0;
	s30 =	simm.s32 $0x2;
	v1 =	vmov s0;
	s31 =	simm.s32 $0x1;
	v58 =	vld [tilespmem:$0x1FEC0]  }
0xf7: {  	v5 =	vadd.s32 s30, v0;
	v1 =	vshll.u32 v1, $0x7;
	v2 =	vadd.s32 s31, v0;
	s31 =	simm.s32 $0x3;
	[sflag:s21] =	ssyncset.done $0x0;
	v60 =	vld [tilespmem:$0x1FEB0]  }
0xf8: {  	s29 =	simm.s32 $0x15082;
	v2 =	vand.u32 $0x7F, v2;
	v62 =	vadd.s32 s31, v0;
	v0 =	vld [tilespmem:$0x1FED0];
	[sflag:s21] =	ssyncadd.s32 $0xFFFFBC00;
	v31 =	vadd.s32 v4, v1  }
0xf9: {  	v5 =	vand.u32 $0x7F, v5;
	v27 =	vld [tilespmem:s29+$0xFFFFFFFF];
	v32 =	vadd.s32 v6, v1;
	v6 =	vor.u32 v31, v2  }
0xfa: {  	v35 =	vld [tilespmem:s29+$0xFFFFFFFE];
	v29 =	vadd.s32 v3, v1;
	v7 =	vor.u32 v32, v5  }
0xfb: {  	v28 =	vld [tilespmem:s29+$0x0];
	v8 =	vor.u32 v29, v5  }
0xfc: {  	v26 =	vld [tilespmem:s29+$0x1];
	v33 =	vadd.s32 v54, v1;
	v55 =	vor.u32 v31, v5  }
0xfd: {  	v3 =	vld [tilespmem:$0x1FEA0];
	v56 =	vor.u32 v33, v2  }
0xfe: {  	v57 =	vor.u32 v33, v5;
	v6 =	vld.idx.msk [tilespmem:v6+s18+$0x0], $0xffff  }
0xff: {  	v34 =	vadd.s32 v58, v1;
	v59 =	vor.u32 v32, v2;
	v7 =	vld.idx.msk [tilespmem:v7+s18+$0x0], $0xffff  }
0x100: {  	v36 =	vadd.s32 v60, v1;
	v61 =	vor.u32 v34, v2;
	v8 =	vld.idx.msk [tilespmem:v8+s18+$0x0], $0xffff  }
0x101: {  	v14 =	vand.u32 $0x7F, v62;
	v15 =	vor.u32 v36, v2;
	v9 =	vld.idx.msk [tilespmem:v55+s18+$0x0], $0xffff  }
0x102: {  	v16 =	vor.u32 v32, v14;
	v10 =	vld.idx.msk [tilespmem:v56+s18+$0x0], $0xffff  }
0x103: {  	v17 =	vor.u32 v33, v14;
	v11 =	vld.idx.msk [tilespmem:v57+s18+$0x0], $0xffff  }
0x104: {  	v19 =	vor.u32 v31, v14;
	v30 =	vadd.s32 v3, v1;
	v12 =	vld.idx.msk [tilespmem:v59+s18+$0x0], $0xffff  }
0x105: {  	v18 =	vand.u32 $0x7F, v18;
	v4 =	vor.u32 v30, v2;
	v13 =	vld.idx.msk [tilespmem:v61+s18+$0x0], $0xffff  }
0x106: {  	v20 =	vor.u32 v29, v18;
	v15 =	vld.idx.msk [tilespmem:v15+s18+$0x0], $0xffff  }
0x107: {  	v3 =	vor.u32 v29, v2;
	v16 =	vld.idx.msk [tilespmem:v16+s18+$0x0], $0xffff  }
0x108: {  	v37 =	vadd.s32 v0, v1;
	v1 =	vor.u32 v33, v18;
	v17 =	vld.idx.msk [tilespmem:v17+s18+$0x0], $0xffff  }
0x109: {  	v21 =	vor.u32 v31, v18;
	v23 =	vor.u32 v32, v18;
	v63 =	vor.u32 v37, v18;
	v19 =	vld.idx.msk [tilespmem:v19+s18+$0x0], $0xffff  }
0x10a: {  	v49 =	vor.u32 v36, v18;
	v47 =	vor.u32 v30, v18;
	v18 =	vor.u32 v34, v18;
	v4 =	vld.idx.msk [tilespmem:v4+s18+$0x0], $0xffff  }
0x10b: {  	v44 =	vimm.f32 $0.0e+00;
	v20 =	vld.idx.msk [tilespmem:v20+s18+$0x0], $0xffff  }
0x10c: {  	v22 =	vor.u32 v29, v14;
	v41 =	vor.u32 v34, v5;
	v3 =	vld.idx.msk [tilespmem:v3+s18+$0x0], $0xffff;
	v38 =	vmul.f32 v11, v28  }
0x10d: {  	v51 =	vor.u32 v37, v14;
	v1 =	vld.idx.msk [tilespmem:v1+s18+$0x0], $0xffff;
	v39 =	vmul.f32 v13, v27;
	v56 =	vmul.f32 v12, v27  }
0x10e: {  	v52 =	vor.u32 v37, v2;
	v11 =	vld.idx.msk [tilespmem:v21+s18+$0x0], $0xffff;
	v48 =	vmul.f32 v15, v27;
	v46 =	vmul.f32 v16, v26  }
0x10f: {  	v10 =	vmul.f32 v10, v27;
	v18 =	vld.idx.msk [tilespmem:v18+s18+$0x0], $0xffff;
	v40 =	vmul.f32 v4, v27;
	v4 =	vor.u32 v37, v5  }
0x110: {  	v42 =	vor.u32 v30, v14;
	v21 =	vld.idx.msk [tilespmem:v63+s18+$0x0], $0xffff;
	v45 =	vmul.f32 v19, v26;
	v60 =	vmul.f32 v6, v27  }
0x111: {  	v12 =	vld.idx.msk [tilespmem:v23+s18+$0x0], $0xffff;
	v13 =	vor.u32 v36, v14;
	v57 =	vmul.f32 v9, v28;
	v8 =	vmul.f32 v8, v28  }
0x112: {  	v50 =	vor.u32 v30, v5;
	v61 =	vld.idx.msk [tilespmem:v41+s18+$0x0], $0xffff;
	v41 =	vmul.f32 v17, v26;
	v1 =	vmul.f32 v1, v35  }
0x113: {  	v2 =	vld.idx.msk [tilespmem:v49+s18+$0x0], $0xffff;
	v15 =	vor.u32 v36, v5;
	v3 =	vmul.f32 v3, v27;
	v5 =	vmul.f32 v20, v35  }
0x114: {  	v59 =	vor.u32 v34, v14;
	v6 =	vmul.f32 v11, v35;
	v49 =	vmul.f32 v18, v35;
	v23 =	vld.idx.msk [tilespmem:v4+s18+$0x0], $0xffff  }
0x115: {  	v63 =	vld.idx.msk [tilespmem:v22+s18+$0x0], $0xffff;
	v54 =	vmul.f32 v21, v35;
	v1 =	vadd.f32 v1, v44;
	v43 =	vadd.f32 v5, v44  }
0x116: {  	v58 =	vld.idx.msk [tilespmem:v13+s18+$0x0], $0xffff;
	v5 =	vadd.f32 v6, v44;
	v6 =	vmul.f32 v12, v35;
	v53 =	vadd.f32 v49, v44  }
0x117: {  	v49 =	vimm.f32 $0.0e+00;
	v11 =	vadd.f32 v3, v43;
	v3 =	vmul.f32 v7, v28;
	v4 =	vld.idx.msk [tilespmem:v47+s18+$0x0], $0xffff  }
0x118: {  	v62 =	vld.idx.msk [tilespmem:v15+s18+$0x0], $0xffff;
	v6 =	vadd.f32 v6, v44;
	v7 =	vmul.f32 v2, v35;
	v47 =	vadd.f32 v10, v1  }
0x119: {  	s3 =	simm.s32 $0x4;
	v1 =	vld.idx.msk [tilespmem:v50+s18+$0x0], $0xffff;
	v50 =	vimm.f32 $0.0e+00;
	v55 =	vadd.f32 v8, v11;
	v43 =	vmul.f32 v23, v28  }
.LBB2_7:
0x11a: {  	s0 =	sadd.s32 $0x1, s3;
	v2 =	vadd.f32 v60, v5  }
0x11b: {  	v5 =	vadd.f32 v56, v6;
	v6 =	vld.idx.msk [tilespmem:v42+s18+$0x0], $0xffff;
	v8 =	vmul.f32 v58, v26;
	s29 =	sadd.s32 $0x4, s29;
	s31 =	smov.u32 s3;
	s30 =	sadd.s32 $0x4, s3;
	v0 =	vlaneseq.u32  }
0x11c: {  	p2 =	slt.u32 s3, $0x7C;
	v4 =	vmul.f32 v4, v35;
	v9 =	vadd.s32 s0, v0;
	v7 =	vadd.f32 v7, v44;
	v10 =	vld.idx.msk [tilespmem:v59+s18+$0x0], $0xffff  }
0x11d: {  	v9 =	vand.u32 $0x7F, v9;
	v2 =	vadd.f32 v57, v2;
	v3 =	vadd.f32 v3, v5;
	v5 =	vld.idx.msk [tilespmem:v51+s18+$0x0], $0xffff  }
0x11e: {  	s0 =	sadd.s32 $0x2, s31;
	v14 =	vmul.f32 v61, v28;
	v11 =	vor.u32 v29, v9;
	v12 =	vor.u32 v34, v9;
	v13 =	vld.idx.msk [tilespmem:v52+s18+$0x0], $0xffff  }
0x11f: {  	v17 =	vadd.s32 s0, v0;
	v18 =	vmul.f32 v63, v26;
	v16 =	vor.u32 v30, v9;
	v15 =	vld [tilespmem:s29+$0xFFFFFFFF]  }
0x120: {  	v19 =	vor.u32 v31, v9;
	v17 =	vand.u32 $0x7F, v17;
	v20 =	vmul.f32 v62, v28;
	v35 =	vld [tilespmem:s29+$0xFFFFFFFE]  }
0x121: {  	v7 =	vadd.f32 v48, v7;
	v21 =	vor.u32 v32, v17;
	v1 =	vmul.f32 v1, v28;
	v28 =	vld [tilespmem:s29+$0x0]  }
0x122: {  	v22 =	vor.u32 v29, v17;
	v62 =	vadd.f32 v46, v3;
	v3 =	vmul.f32 v10, v26;
	v23 =	vld [tilespmem:s29+$0x1]  }
0x123: {  	v2 =	vadd.f32 v45, v2;
	v7 =	vadd.f32 v20, v7;
	v10 =	vld.idx.msk [tilespmem:v11+s18+$0x0], $0xffff;
	v11 =	vor.u32 v31, v17  }
0x124: {  	v4 =	vadd.f32 v4, v49;
	v20 =	vor.u32 v33, v9;
	v6 =	vmul.f32 v6, v26;
	v16 =	vld.idx.msk [tilespmem:v16+s18+$0x0], $0xffff  }
0x125: {  	s0 =	sadd.s32 $0x3, s31;
	v45 =	vor.u32 v36, v9;
	v44 =	vor.u32 v33, v17;
	v19 =	vld.idx.msk [tilespmem:v19+s18+$0x0], $0xffff  }
0x126: {  	v42 =	vadd.s32 s0, v0;
	v46 =	vor.u32 v32, v9;
	v18 =	vadd.f32 v18, v55;
	v21 =	vld.idx.msk [tilespmem:v21+s18+$0x0], $0xffff  }
0x127: {  	v48 =	vadd.f32 v54, v50;
	v55 =	vand.u32 $0x7F, v42;
	v5 =	vmul.f32 v5, v26;
	v22 =	vld.idx.msk [tilespmem:v22+s18+$0x0], $0xffff;
	v26 =	vmovc v23  }
0x128: {  	v49 =	vor.u32 v32, v55;
	v13 =	vmul.f32 v13, v27;
	v23 =	vor.u32 v29, v55;
	v11 =	vld.idx.msk [tilespmem:v11+s18+$0x0], $0xffff  }
0x129: {  	v47 =	vadd.f32 v38, v47;
	v42 =	vor.u32 v30, v55;
	v50 =	vor.u32 v33, v55;
	v20 =	vld.idx.msk [tilespmem:v20+s18+$0x0], $0xffff  }
0x12a: {  	v38 =	vadd.s32 s31, v0;
	v39 =	vadd.f32 v39, v53;
	v54 =	vor.u32 v34, v17;
	v27 =	vmovc v15;
	v51 =	vld.idx.msk [tilespmem:v44+s18+$0x0], $0xffff  }
0x12b: {  	v4 =	vadd.f32 v40, v4;
	v52 =	vor.u32 v31, v55;
	v15 =	vand.u32 $0x7F, v38;
	v46 =	vld.idx.msk [tilespmem:v46+s18+$0x0], $0xffff  }
0x12c: {  	v40 =	vor.u32 v29, v15;
	v53 =	vor.u32 v31, v15;
	v44 =	vadd.f32 v8, v7;
	v12 =	vld.idx.msk [tilespmem:v12+s18+$0x0], $0xffff  }
0x12d: {  	v1 =	vadd.f32 v1, v4;
	v7 =	vor.u32 v32, v15;
	v8 =	vor.u32 v30, v15;
	v45 =	vld.idx.msk [tilespmem:v45+s18+$0x0], $0xffff  }
0x12e: {  	v4 =	vor.u32 v36, v15;
	v57 =	vor.u32 v34, v15;
	v56 =	vor.u32 v33, v15;
	v58 =	vld.idx.msk [tilespmem:v49+s18+$0x0], $0xffff  }
0x12f: {  	v24 =	vor.u32 v30, v17;
	v25 =	vor.u32 v36, v17;
	v49 =	vadd.f32 v6, v1;
	v0 =	vld.idx.msk [tilespmem:v50+s18+$0x0], $0xffff  }
0x130: {  	v13 =	vadd.f32 v13, v48;
	v1 =	vor.u32 v37, v15;
	v38 =	vmul.f32 v51, v28;
	v6 =	vld.idx.msk [tilespmem:v52+s18+$0x0], $0xffff  }
0x131: {  	v41 =	vadd.f32 v41, v47;
	v14 =	vadd.f32 v14, v39;
	v51 =	vor.u32 v37, v55;
	v15 =	vld.idx.msk [tilespmem:v40+s18+$0x0], $0xffff  }
0x132: {  	v52 =	vor.u32 v37, v9;
	v9 =	vadd.f32 v43, v13;
	v39 =	vmul.f32 v12, v27;
	v47 =	vld.idx.msk [tilespmem:v53+s18+$0x0], $0xffff  }
0x133: {  	v14 =	vadd.f32 v3, v14;
	v13 =	vor.u32 v37, v17;
	v40 =	vmul.f32 v16, v27;
	v12 =	vld.idx.msk [tilespmem:v56+s18+$0x0], $0xffff  }
0x134: {  	v50 =	vadd.f32 v5, v9;
	v56 =	vmul.f32 v46, v27;
	v3 =	vld.idx.msk [tilespmem:v7+s18+$0x0], $0xffff;
	v7 =	vor.u32 v36, v55  }
0x135: {  	v48 =	vmul.f32 v45, v27;
	v46 =	vmul.f32 v58, v26;
	v1 =	vld.idx.msk [tilespmem:v1+s18+$0x0], $0xffff  }
0x136: {  	v16 =	vmul.f32 v20, v27;
	v45 =	vmul.f32 v6, v26;
	v9 =	vld.idx.msk [tilespmem:v57+s18+$0x0], $0xffff  }
0x137: {  	v60 =	vmul.f32 v19, v27;
	v5 =	vmul.f32 v15, v35;
	v15 =	vld.idx.msk [tilespmem:v4+s18+$0x0], $0xffff  }
0x138: {  	v59 =	vor.u32 v34, v55;
	v57 =	vmul.f32 v11, v28;
	v4 =	vmul.f32 v47, v35;
	v11 =	vld.idx.msk [tilespmem:v13+s18+$0x0], $0xffff  }
0x139: {  	v10 =	vmul.f32 v10, v27;
	v6 =	vadd.f32 v5, v18;
	v12 =	vmul.f32 v12, v35;
	v58 =	vld.idx.msk [tilespmem:v7+s18+$0x0], $0xffff  }
.Ltmp2:
0x13a: {  	v5 =	vadd.f32 v4, v2;
	v2 =	vmul.f32 v3, v35;
	v7 =	vmul.f32 v22, v28;
	v4 =	vld.idx.msk [tilespmem:v8+s18+$0x0], $0xffff;
	(pc) =	sbr.rel @p2 .LBB2_7-.Ltmp2, $4  }
0x13b: {  	v3 =	vmul.f32 v21, v28;
	v8 =	vadd.f32 v12, v41;
	v10 =	vadd.f32 v10, v6;
	v61 =	vld.idx.msk [tilespmem:v54+s18+$0x0], $0xffff  }
0x13c: {  	v6 =	vadd.f32 v2, v62;
	v2 =	vmul.f32 v9, v35;
	v54 =	vmul.f32 v1, v35;
	v63 =	vld.idx.msk [tilespmem:v23+s18+$0x0], $0xffff  }
0x13d: {  	v41 =	vmul.f32 v0, v26;
	v47 =	vadd.f32 v16, v8;
	v55 =	vadd.f32 v7, v10;
	v62 =	vld.idx.msk [tilespmem:v25+s18+$0x0], $0xffff  }
0x13e: {  	s3 =	smov.u32 s30;
	v7 =	vmul.f32 v15, v35;
	v53 =	vadd.f32 v2, v14;
	v43 =	vmul.f32 v11, v28;
	v1 =	vld.idx.msk [tilespmem:v24+s18+$0x0], $0xffff  }
0x13f: {  	_ =	sdelay $0x2  }
0x140: {  	v0 =	vadd.f32 v60, v5;
	v2 =	vadd.f32 v56, v6  }
0x141: {  	v4 =	vmul.f32 v4, v35;
	v6 =	vld.idx.msk [tilespmem:v52+s18+$0x0], $0xffff;
	v12 =	vadd.f32 v54, v50;
	v5 =	vadd.f32 v7, v44  }
0x142: {  	v7 =	vld.idx.msk [tilespmem:v42+s18+$0x0], $0xffff;
	v13 =	vadd.f32 v39, v53;
	v0 =	vadd.f32 v57, v0  }
0x143: {  	v2 =	vadd.f32 v3, v2;
	v4 =	vadd.f32 v4, v49  }
0x144: {  	v9 =	vld.idx.msk [tilespmem:v59+s18+$0x0], $0xffff;
	v3 =	vmul.f32 v61, v28;
	v8 =	vmul.f32 v63, v26;
	v5 =	vadd.f32 v48, v5  }
0x145: {  	s0 =	smul.u32 $0x1F4, s28;
	v2 =	vadd.f32 v46, v2;
	v1 =	vmul.f32 v1, v28;
	v4 =	vadd.f32 v40, v4  }
0x146: {  	v11 =	vld.idx.msk [tilespmem:v51+s18+$0x0], $0xffff;
	v10 =	vmul.f32 v62, v28;
	v0 =	vadd.f32 v45, v0;
	v8 =	vadd.f32 v8, v55  }
0x147: {  	s0 =	sshra.s32 s0, $0x2;
	v6 =	vmul.f32 v6, v27;
	v7 =	vmul.f32 v7, v26;
	v1 =	vadd.f32 v1, v4  }
0x148: {  	s3 =	sadd.s32 @!p1 s26, s6;
	v3 =	vadd.f32 v3, v13;
	v5 =	vadd.f32 v10, v5;
	v4 =	vmul.f32 v58, v26;
	[tilespmem:s0+$0x15180] =	vst v8  }
0x149: {  	s3 =	smul.u32 @!p1 $0x7D, s3;
	v8 =	vmul.f32 v9, v26;
	[tilespmem:s0+$0x15190] =	vst v0;
	v6 =	vadd.f32 v6, v12;
	v1 =	vadd.f32 v7, v1  }
0x14a: {  	[tilespmem:s0+$0x151A0] =	vst v2;
	v2 =	vadd.f32 v38, v47;
	v4 =	vadd.f32 v4, v5  }
0x14b: {  	s3 =	sadd.s32 @!p1 $0x11B34, s3;
	v0 =	vmul.f32 v11, v26;
	v3 =	vadd.f32 v8, v3;
	v5 =	vadd.f32 v43, v6;
	[tilespmem:s0+$0x151B0] =	vst v1  }
0x14c: {  	s3 =	sand.u32 @!p1 $0x7FFFFFF8, s3;
	[tilespmem:s0+$0x151C0] =	vst v4;
	v1 =	vadd.f32 v41, v2  }
0x14d: {  	s26 =	sadd.s32 $0x2, s26;
	s3 =	smin.u32 @!p1 s3, $0x18618;
	[tilespmem:s0+$0x151D0] =	vst v3;
	v0 =	vadd.f32 v0, v5  }
0x14e: {  	s29 =	simm.s32 @!p1 $0x4400;
	s28 =	sadd.s32 s6, s26;
	s3 =	sshll.u32 @!p1 s3, $0x4;
	[tilespmem:s0+$0x151F0] =	vst v1  }
0x14f: {  	s28 =	smul.u32 $0x7D, s28;
	s3 =	sadd.s32 @!p1 s1, s3;
	[tilespmem:s0+$0x151E0] =	vst v0;
	s0 =	simm.s32 @!p1 $0x0  }
0x150: {  	[tilespmem:s29], [sflag:$0x3] =	stream.linear.gather @!p1 [hbm4b:s3+s0], $0x4400, $0x38;
	[tilespmem:$0x15500] =	vst v63  }
0x151: {  	_ =	swait.ge [sflag:s22], $0x4400  }
0x152: {  	s30 =	sadd.s32 $0x11940, s28;
	v2 =	vld [tilespmem:$0x1FE70]  }
0x153: {  	s31 =	sand.u32 $0x7FFFFFF8, s30;
	v3 =	vld [tilespmem:$0x1FE80]  }
0x154: {  	s3 =	smin.u32 s31, $0x18618;
	v5 =	vld [tilespmem:$0x1FE90]  }
0x155: {  	s0 =	ssub.s32 s30, s3;
	v8 =	vld [tilespmem:$0x1FEE0]  }
0x156: {  	v17 =	vlaneseq.u32;
	s3 =	simm.s32 $0x1;
	v0 =	vmov s0;
	v58 =	vld [tilespmem:$0x1FEC0]  }
0x157: {  	s29 =	simm.s32 $0x2;
	v1 =	vadd.s32 s3, v17;
	[sflag:s22] =	ssyncset.done $0x0;
	v60 =	vld [tilespmem:$0x1FEB0];
	v0 =	vshll.u32 v0, $0x7  }
0x158: {  	s28 =	simm.s32 $0x15082;
	v4 =	vadd.s32 s29, v17;
	v21 =	vld [tilespmem:$0x1FED0];
	v1 =	vand.u32 $0x7F, v1;
	[sflag:s22] =	ssyncadd.s32 $0xFFFFBC00;
	v31 =	vadd.s32 v3, v0  }
0x159: {  	v4 =	vand.u32 $0x7F, v4;
	v27 =	vld [tilespmem:s28+$0xFFFFFFFF];
	v32 =	vadd.s32 v5, v0;
	v5 =	vor.u32 v31, v1  }
0x15a: {  	v35 =	vld [tilespmem:s28+$0xFFFFFFFE];
	v22 =	vadd.s32 v2, v0;
	v6 =	vor.u32 v32, v4  }
0x15b: {  	v28 =	vld [tilespmem:s28+$0x0];
	v7 =	vor.u32 v22, v4  }
0x15c: {  	v26 =	vld [tilespmem:s28+$0x1];
	v33 =	vadd.s32 v8, v0;
	v8 =	vor.u32 v31, v4  }
0x15d: {  	v2 =	vld [tilespmem:$0x1FEA0];
	v56 =	vor.u32 v33, v1  }
0x15e: {  	v57 =	vor.u32 v33, v4;
	v5 =	vld.idx.msk [tilespmem:v5+s19+$0x0], $0xffff  }
0x15f: {  	s30 =	simm.s32 $0x3;
	v34 =	vadd.s32 v58, v0;
	v59 =	vor.u32 v32, v1;
	v6 =	vld.idx.msk [tilespmem:v6+s19+$0x0], $0xffff  }
0x160: {  	v62 =	vadd.s32 s30, v17;
	v36 =	vadd.s32 v60, v0;
	v61 =	vor.u32 v34, v1;
	v7 =	vld.idx.msk [tilespmem:v7+s19+$0x0], $0xffff  }
0x161: {  	v13 =	vand.u32 $0x7F, v62;
	v14 =	vor.u32 v36, v1;
	v8 =	vld.idx.msk [tilespmem:v8+s19+$0x0], $0xffff  }
0x162: {  	v15 =	vor.u32 v32, v13;
	v9 =	vld.idx.msk [tilespmem:v56+s19+$0x0], $0xffff  }
0x163: {  	s31 =	simm.s32 $0x0;
	v16 =	vor.u32 v33, v13;
	v10 =	vld.idx.msk [tilespmem:v57+s19+$0x0], $0xffff  }
0x164: {  	v17 =	vadd.s32 s31, v17;
	v18 =	vor.u32 v31, v13;
	v29 =	vadd.s32 v2, v0;
	v11 =	vld.idx.msk [tilespmem:v59+s19+$0x0], $0xffff  }
0x165: {  	v17 =	vand.u32 $0x7F, v17;
	v3 =	vor.u32 v29, v1;
	v12 =	vld.idx.msk [tilespmem:v61+s19+$0x0], $0xffff  }
0x166: {  	v37 =	vadd.s32 v21, v0;
	v19 =	vor.u32 v22, v17;
	v14 =	vld.idx.msk [tilespmem:v14+s19+$0x0], $0xffff  }
0x167: {  	v24 =	vor.u32 v37, v17;
	v15 =	vld.idx.msk [tilespmem:v15+s19+$0x0], $0xffff  }
0x168: {  	v0 =	vor.u32 v33, v17;
	v16 =	vld.idx.msk [tilespmem:v16+s19+$0x0], $0xffff  }
0x169: {  	v20 =	vor.u32 v31, v17;
	v63 =	vor.u32 v32, v17;
	v18 =	vld.idx.msk [tilespmem:v18+s19+$0x0], $0xffff  }
0x16a: {  	v41 =	vor.u32 v36, v17;
	v25 =	vor.u32 v29, v17;
	v17 =	vor.u32 v34, v17;
	v3 =	vld.idx.msk [tilespmem:v3+s19+$0x0], $0xffff  }
0x16b: {  	v43 =	vimm.f32 $0.0e+00;
	[tilespmem:$0x1FE50] =	vst v22;
	v2 =	vor.u32 v22, v1;
	v19 =	vld.idx.msk [tilespmem:v19+s19+$0x0], $0xffff  }
0x16c: {  	v21 =	vor.u32 v22, v13;
	v23 =	vor.u32 v34, v4;
	v22 =	vld.idx.msk [tilespmem:v24+s19+$0x0], $0xffff;
	v38 =	vmul.f32 v10, v28  }
0x16d: {  	v51 =	vor.u32 v37, v13;
	v0 =	vld.idx.msk [tilespmem:v0+s19+$0x0], $0xffff;
	v39 =	vmul.f32 v12, v27;
	v56 =	vmul.f32 v11, v27  }
0x16e: {  	v52 =	vor.u32 v37, v1;
	v10 =	vld.idx.msk [tilespmem:v20+s19+$0x0], $0xffff;
	v48 =	vmul.f32 v14, v27;
	v46 =	vmul.f32 v15, v26  }
0x16f: {  	v9 =	vmul.f32 v9, v27;
	v17 =	vld.idx.msk [tilespmem:v17+s19+$0x0], $0xffff;
	v40 =	vmul.f32 v3, v27;
	v3 =	vor.u32 v37, v4  }
0x170: {  	v42 =	vor.u32 v29, v13;
	v2 =	vld.idx.msk [tilespmem:v2+s19+$0x0], $0xffff;
	v45 =	vmul.f32 v18, v26;
	v60 =	vmul.f32 v5, v27  }
0x171: {  	v11 =	vld.idx.msk [tilespmem:v63+s19+$0x0], $0xffff;
	v12 =	vor.u32 v36, v13;
	v57 =	vmul.f32 v8, v28;
	v7 =	vmul.f32 v7, v28  }
0x172: {  	v1 =	vld.idx.msk [tilespmem:v41+s19+$0x0], $0xffff;
	v20 =	vor.u32 v36, v4;
	v54 =	vmul.f32 v22, v35;
	v41 =	vmul.f32 v16, v26  }
0x173: {  	v44 =	vor.u32 v29, v4;
	v61 =	vld.idx.msk [tilespmem:v23+s19+$0x0], $0xffff;
	v0 =	vmul.f32 v0, v35;
	v4 =	vmul.f32 v19, v35  }
0x174: {  	v59 =	vor.u32 v34, v13;
	v5 =	vmul.f32 v10, v35;
	v50 =	vmul.f32 v17, v35;
	v8 =	vld.idx.msk [tilespmem:v3+s19+$0x0], $0xffff  }
0x175: {  	v63 =	vld.idx.msk [tilespmem:v21+s19+$0x0], $0xffff;
	v2 =	vmul.f32 v2, v27;
	v0 =	vadd.f32 v0, v43;
	v3 =	vadd.f32 v4, v43  }
0x176: {  	v58 =	vld.idx.msk [tilespmem:v12+s19+$0x0], $0xffff;
	v49 =	vmul.f32 v11, v35;
	v5 =	vadd.f32 v5, v43;
	v53 =	vadd.f32 v50, v43  }
0x177: {  	v62 =	vld.idx.msk [tilespmem:v20+s19+$0x0], $0xffff;
	v50 =	vimm.f32 $0.0e+00;
	v47 =	vadd.f32 v9, v0;
	v2 =	vadd.f32 v2, v3  }
0x178: {  	[tilespmem:$0x1FE60] =	vst v29;
	v4 =	vld.idx.msk [tilespmem:v25+s19+$0x0], $0xffff;
	v3 =	vmul.f32 v6, v28;
	v6 =	vadd.f32 v49, v43;
	v49 =	vimm.f32 $0.0e+00  }
0x179: {  	s3 =	simm.s32 $0x4;
	v55 =	vadd.f32 v7, v2;
	v7 =	vmul.f32 v1, v35;
	v1 =	vld.idx.msk [tilespmem:v44+s19+$0x0], $0xffff;
	v44 =	vmul.f32 v8, v28  }
.LBB2_9:
0x17a: {  	v9 =	vld.idx.msk [tilespmem:v59+s19+$0x0], $0xffff  }
0x17b: {  	v30 =	vld [tilespmem:$0x1FE50]  }
0x17c: {  	s0 =	sadd.s32 $0x1, s3;
	v29 =	vlaneseq.u32;
	v12 =	vld.idx.msk [tilespmem:v52+s19+$0x0], $0xffff  }
0x17d: {  	v2 =	vadd.f32 v56, v6;
	s28 =	sadd.s32 $0x4, s28;
	v0 =	vadd.f32 v60, v5;
	v5 =	vld.idx.msk [tilespmem:v42+s19+$0x0], $0xffff;
	v8 =	vadd.s32 s0, v29  }
0x17e: {  	s30 =	smov.u32 s3;
	v7 =	vadd.f32 v7, v43;
	v14 =	vld [tilespmem:s28+$0xFFFFFFFF];
	v47 =	vadd.f32 v38, v47;
	v8 =	vand.u32 $0x7F, v8  }
0x17f: {  	s29 =	sadd.s32 $0x4, s3;
	p1 =	slt.u32 s3, $0x7C;
	s3 =	sadd.s32 $0x2, s30;
	v22 =	vld [tilespmem:s28+$0x1];
	v4 =	vmul.f32 v4, v35;
	v2 =	vadd.f32 v3, v2;
	v18 =	vor.u32 v31, v8  }
0x180: {  	v3 =	vld.idx.msk [tilespmem:v51+s19+$0x0], $0xffff;
	v16 =	vadd.s32 s3, v29;
	v0 =	vadd.f32 v57, v0;
	v59 =	vor.u32 v33, v8  }
0x181: {  	v35 =	vld [tilespmem:s28+$0xFFFFFFFE];
	v11 =	vor.u32 v34, v8;
	v16 =	vand.u32 $0x7F, v16;
	v60 =	vor.u32 v32, v8  }
0x182: {  	v57 =	vld [tilespmem:$0x1FE60];
	v7 =	vadd.f32 v48, v7;
	v6 =	vmul.f32 v58, v26;
	v13 =	vmul.f32 v61, v28  }
0x183: {  	v24 =	vor.u32 v36, v8;
	v19 =	vmul.f32 v62, v28;
	v1 =	vmul.f32 v1, v28;
	v28 =	vld [tilespmem:s28+$0x0]  }
0x184: {  	v17 =	vmul.f32 v63, v26;
	v20 =	vor.u32 v32, v16;
	v23 =	vor.u32 v31, v16;
	v18 =	vld.idx.msk [tilespmem:v18+s19+$0x0], $0xffff  }
0x185: {  	s31 =	sadd.s32 $0x3, s30;
	v4 =	vadd.f32 v4, v49;
	v25 =	vor.u32 v33, v16;
	v7 =	vadd.f32 v19, v7;
	v19 =	vld.idx.msk [tilespmem:v59+s19+$0x0], $0xffff  }
0x186: {  	v61 =	vadd.s32 s31, v29;
	v0 =	vadd.f32 v45, v0;
	v45 =	vadd.f32 v54, v50;
	v50 =	vld.idx.msk [tilespmem:v60+s19+$0x0], $0xffff  }
0x187: {  	v63 =	vadd.s32 s30, v29;
	v10 =	vor.u32 v30, v8;
	v21 =	vor.u32 v30, v16;
	v11 =	vld.idx.msk [tilespmem:v11+s19+$0x0], $0xffff  }
0x188: {  	v9 =	vmul.f32 v9, v26;
	v54 =	vor.u32 v34, v16;
	v38 =	vand.u32 $0x7F, v63;
	v24 =	vld.idx.msk [tilespmem:v24+s19+$0x0], $0xffff  }
0x189: {  	v5 =	vmul.f32 v5, v26;
	v17 =	vadd.f32 v17, v55;
	v4 =	vadd.f32 v40, v4;
	v20 =	vld.idx.msk [tilespmem:v20+s19+$0x0], $0xffff  }
0x18a: {  	v55 =	vand.u32 $0x7F, v61;
	v40 =	vor.u32 v30, v38;
	v3 =	vmul.f32 v3, v26;
	v26 =	vmovc v22;
	v22 =	vld.idx.msk [tilespmem:v23+s19+$0x0], $0xffff  }
0x18b: {  	v39 =	vadd.f32 v39, v53;
	v2 =	vadd.f32 v46, v2;
	v62 =	vor.u32 v32, v55;
	v25 =	vld.idx.msk [tilespmem:v25+s19+$0x0], $0xffff  }
0x18c: {  	v12 =	vmul.f32 v12, v27;
	v27 =	vmov v14;
	v48 =	vor.u32 v33, v55;
	v10 =	vld.idx.msk [tilespmem:v10+s19+$0x0], $0xffff  }
0x18d: {  	v52 =	vor.u32 v31, v38;
	v53 =	vor.u32 v34, v38;
	v15 =	vor.u32 v57, v8;
	v21 =	vld.idx.msk [tilespmem:v21+s19+$0x0], $0xffff  }
0x18e: {  	v56 =	vor.u32 v33, v38;
	v13 =	vadd.f32 v13, v39;
	v51 =	vor.u32 v31, v55;
	v61 =	vld.idx.msk [tilespmem:v54+s19+$0x0], $0xffff  }
0x18f: {  	v12 =	vadd.f32 v12, v45;
	v42 =	vor.u32 v57, v55;
	v43 =	vadd.f32 v6, v7;
	v63 =	vld.idx.msk [tilespmem:v40+s19+$0x0], $0xffff  }
0x190: {  	v6 =	vor.u32 v32, v38;
	v7 =	vor.u32 v57, v38;
	v1 =	vadd.f32 v1, v4;
	v46 =	vld.idx.msk [tilespmem:v62+s19+$0x0], $0xffff  }
0x191: {  	v4 =	vor.u32 v36, v38;
	v29 =	vor.u32 v57, v16;
	v23 =	vor.u32 v30, v55;
	v30 =	vld.idx.msk [tilespmem:v48+s19+$0x0], $0xffff  }
0x192: {  	v9 =	vadd.f32 v9, v13;
	v49 =	vadd.f32 v5, v1;
	v1 =	vor.u32 v37, v38;
	v15 =	vld.idx.msk [tilespmem:v15+s19+$0x0], $0xffff  }
0x193: {  	v13 =	vor.u32 v36, v55;
	v39 =	vmul.f32 v11, v27;
	v11 =	vld.idx.msk [tilespmem:v56+s19+$0x0], $0xffff;
	v56 =	vmul.f32 v50, v27  }
0x194: {  	v48 =	vmul.f32 v24, v27;
	v38 =	vmul.f32 v25, v28;
	v25 =	vadd.f32 v41, v47;
	v41 =	vld.idx.msk [tilespmem:v52+s19+$0x0], $0xffff  }
0x195: {  	v5 =	vld.idx.msk [tilespmem:v51+s19+$0x0], $0xffff;
	v52 =	vor.u32 v37, v8;
	v8 =	vadd.f32 v44, v12;
	v12 =	vor.u32 v37, v16  }
0x196: {  	v59 =	vor.u32 v34, v55;
	v6 =	vld.idx.msk [tilespmem:v6+s19+$0x0], $0xffff;
	v60 =	vmul.f32 v18, v27;
	v57 =	vmul.f32 v22, v28  }
0x197: {  	v1 =	vld.idx.msk [tilespmem:v1+s19+$0x0], $0xffff;
	v10 =	vmul.f32 v10, v27;
	v50 =	vadd.f32 v3, v8;
	v3 =	vmul.f32 v63, v35  }
0x198: {  	v62 =	vor.u32 v36, v16;
	v8 =	vld.idx.msk [tilespmem:v53+s19+$0x0], $0xffff;
	v46 =	vmul.f32 v46, v26;
	v40 =	vmul.f32 v15, v27  }
0x199: {  	v51 =	vor.u32 v37, v55;
	v15 =	vmul.f32 v19, v27;
	v19 =	vld.idx.msk [tilespmem:v4+s19+$0x0], $0xffff;
	v4 =	vmul.f32 v41, v35  }
0x19a: {  	v45 =	vmul.f32 v5, v26;
	v3 =	vadd.f32 v3, v17;
	v11 =	vmul.f32 v11, v35;
	v12 =	vld.idx.msk [tilespmem:v12+s19+$0x0], $0xffff  }
.Ltmp3:
0x19b: {  	v58 =	vld.idx.msk [tilespmem:v13+s19+$0x0], $0xffff;
	v41 =	vmul.f32 v30, v26;
	v5 =	vadd.f32 v4, v0;
	v0 =	vmul.f32 v6, v35;
	(pc) =	sbr.rel @p1 .LBB2_9-.Ltmp3, $4  }
0x19c: {  	v11 =	vadd.f32 v11, v25;
	v10 =	vadd.f32 v10, v3;
	v4 =	vld.idx.msk [tilespmem:v7+s19+$0x0], $0xffff;
	v7 =	vmul.f32 v21, v28  }
0x19d: {  	v63 =	vld.idx.msk [tilespmem:v23+s19+$0x0], $0xffff;
	v3 =	vmul.f32 v20, v28;
	v6 =	vadd.f32 v0, v2;
	v0 =	vmul.f32 v8, v35  }
0x19e: {  	v62 =	vld.idx.msk [tilespmem:v62+s19+$0x0], $0xffff;
	v54 =	vmul.f32 v1, v35;
	v47 =	vadd.f32 v15, v11;
	v55 =	vadd.f32 v7, v10  }
0x19f: {  	s3 =	smov.u32 s29;
	v1 =	vld.idx.msk [tilespmem:v29+s19+$0x0], $0xffff;
	v7 =	vmul.f32 v19, v35;
	v44 =	vmul.f32 v12, v28;
	v53 =	vadd.f32 v0, v9  }
0x1a0: {  	_ =	sdelay $0x2  }
0x1a1: {  	v0 =	vadd.f32 v60, v5  }
0x1a2: {  	v2 =	vadd.f32 v56, v6;
	v56 =	vld.idx.msk [tilespmem:v52+s19+$0x0], $0xffff;
	v12 =	vadd.f32 v54, v50  }
0x1a3: {  	v4 =	vmul.f32 v4, v35;
	v43 =	vadd.f32 v7, v43;
	v13 =	vadd.f32 v39, v53  }
0x1a4: {  	v9 =	vld.idx.msk [tilespmem:v59+s19+$0x0], $0xffff;
	v0 =	vadd.f32 v57, v0;
	v2 =	vadd.f32 v3, v2;
	v3 =	vmul.f32 v61, v28  }
0x1a5: {  	v60 =	vld.idx.msk [tilespmem:v42+s19+$0x0], $0xffff;
	v8 =	vmul.f32 v63, v26;
	v61 =	vmul.f32 v58, v26;
	v4 =	vadd.f32 v4, v49  }
0x1a6: {  	v11 =	vld.idx.msk [tilespmem:v51+s19+$0x0], $0xffff;
	s0 =	smul.u32 $0x1F4, s26;
	v10 =	vmul.f32 v62, v28;
	v5 =	vadd.f32 v48, v43;
	v2 =	vadd.f32 v46, v2  }
0x1a7: {  	v0 =	vadd.f32 v45, v0;
	v8 =	vadd.f32 v8, v55;
	v6 =	vmul.f32 v56, v27  }
0x1a8: {  	s0 =	sshra.s32 s0, $0x2;
	v1 =	vmul.f32 v1, v28;
	v4 =	vadd.f32 v40, v4;
	v5 =	vadd.f32 v10, v5  }
0x1a9: {  	v3 =	vadd.f32 v3, v13;
	v62 =	vmul.f32 v9, v26;
	[tilespmem:s0+$0x15180] =	vst v8;
	v6 =	vadd.f32 v6, v12  }
0x1aa: {  	v7 =	vmul.f32 v60, v26;
	[tilespmem:s0+$0x15190] =	vst v0;
	v1 =	vadd.f32 v1, v4;
	v4 =	vadd.f32 v61, v5  }
0x1ab: {  	v0 =	vmul.f32 v11, v26;
	[tilespmem:s0+$0x151A0] =	vst v2;
	v3 =	vadd.f32 v62, v3;
	v63 =	vadd.f32 v44, v6  }
.Ltmp4:
0x1ac: {  	v2 =	vadd.f32 v38, v47;
	v1 =	vadd.f32 v7, v1;
	[tilespmem:s0+$0x151C0] =	vst v4;
	(pc) =	sbr.rel @p0 .LBB2_4-.Ltmp4, $4  }
0x1ad: {  	[tilespmem:s0+$0x151D0] =	vst v3;
	v0 =	vadd.f32 v0, v63  }
0x1ae: {  	[tilespmem:s0+$0x151B0] =	vst v1;
	v1 =	vadd.f32 v41, v2  }
0x1af: {  	s28 =	simm.s32 $0x1;
	[tilespmem:s0+$0x151E0] =	vst v0  }
0x1b0: {  	p2 =	por $0x0, $0x0;
	p1 =	por $0x1, $0x1;
	s3 =	smov.u32 s11;
	[tilespmem:s0+$0x151F0] =	vst v1;
	v0 =	vlaneseq.u32  }
0x1b1: {  	_ =	swait.ge [sflag:s20], $0x4400  }
0x1b2: {  	v59 =	vld [tilespmem:$0x1FF00]  }
0x1b3: {  	v62 =	vld [tilespmem:$0x1FF30]  }
0x1b4: {  	v60 =	vld [tilespmem:$0x1FF10]  }
0x1b5: {  	v61 =	vld [tilespmem:$0x1FF20]  }
0x1b6: {  	s0 =	simm.s32 $0x1;
	v16 =	vlaneseq.u32;
	v56 =	vld [tilespmem:$0x1FF80]  }
0x1b7: {  	v0 =	vadd.s32 s0, v16;
	v40 =	vld [tilespmem:$0x1FF60]  }
0x1b8: {  	[sflag:s20] =	ssyncset.done $0x0;
	v63 =	vld [tilespmem:$0x1FF50];
	v0 =	vand.u32 $0x7F, v0  }
0x1b9: {  	s25 =	simm.s32 $0x15082;
	s29 =	simm.s32 $0x2;
	v58 =	vld [tilespmem:$0x1FF70];
	[sflag:s20] =	ssyncadd.s32 $0xFFFFBC00;
	v1 =	vor.u32 v59, v0  }
0x1ba: {  	v3 =	vadd.s32 s29, v16;
	v27 =	vld [tilespmem:s25+$0xFFFFFFFF];
	v2 =	vor.u32 v62, v0  }
0x1bb: {  	v3 =	vand.u32 $0x7F, v3;
	v29 =	vld [tilespmem:s25+$0xFFFFFFFE];
	v4 =	vor.u32 v60, v0  }
0x1bc: {  	v28 =	vld [tilespmem:s25+$0x0];
	v5 =	vor.u32 v61, v3  }
0x1bd: {  	v26 =	vld [tilespmem:s25+$0x1];
	v6 =	vor.u32 v59, v3  }
0x1be: {  	v7 =	vor.u32 v60, v3;
	v1 =	vld.idx.msk [tilespmem:v1+s5+$0x0], $0xffff  }
0x1bf: {  	v8 =	vor.u32 v56, v0;
	v2 =	vld.idx.msk [tilespmem:v2+s5+$0x0], $0xffff  }
0x1c0: {  	s30 =	simm.s32 $0x3;
	v9 =	vor.u32 v56, v3;
	v4 =	vld.idx.msk [tilespmem:v4+s5+$0x0], $0xffff  }
0x1c1: {  	v12 =	vadd.s32 s30, v16;
	v10 =	vor.u32 v61, v0;
	v11 =	vld.idx.msk [tilespmem:v5+s5+$0x0], $0xffff  }
0x1c2: {  	v12 =	vand.u32 $0x7F, v12;
	v13 =	vor.u32 v63, v0;
	v6 =	vld.idx.msk [tilespmem:v6+s5+$0x0], $0xffff  }
0x1c3: {  	v14 =	vor.u32 v61, v12;
	v7 =	vld.idx.msk [tilespmem:v7+s5+$0x0], $0xffff  }
0x1c4: {  	s31 =	simm.s32 $0x0;
	v15 =	vor.u32 v56, v12;
	v8 =	vld.idx.msk [tilespmem:v8+s5+$0x0], $0xffff  }
0x1c5: {  	v16 =	vadd.s32 s31, v16;
	v17 =	vor.u32 v60, v12;
	v9 =	vld.idx.msk [tilespmem:v9+s5+$0x0], $0xffff  }
0x1c6: {  	v16 =	vand.u32 $0x7F, v16;
	v5 =	vor.u32 v40, v0;
	v10 =	vld.idx.msk [tilespmem:v10+s5+$0x0], $0xffff  }
0x1c7: {  	v18 =	vor.u32 v59, v16;
	v19 =	vor.u32 v60, v16;
	v13 =	vld.idx.msk [tilespmem:v13+s5+$0x0], $0xffff  }
0x1c8: {  	v20 =	vor.u32 v56, v16;
	v22 =	vor.u32 v61, v16;
	v24 =	vor.u32 v58, v16;
	v14 =	vld.idx.msk [tilespmem:v14+s5+$0x0], $0xffff  }
0x1c9: {  	v25 =	vor.u32 v62, v16;
	v33 =	vor.u32 v63, v16;
	v16 =	vor.u32 v40, v16;
	v15 =	vld.idx.msk [tilespmem:v15+s5+$0x0], $0xffff  }
0x1ca: {  	v17 =	vld.idx.msk [tilespmem:v17+s5+$0x0], $0xffff  }
0x1cb: {  	v35 =	vimm.f32 $0.0e+00;
	v5 =	vld.idx.msk [tilespmem:v5+s5+$0x0], $0xffff  }
0x1cc: {  	v41 =	vimm.f32 $0.0e+00;
	v21 =	vor.u32 v59, v12;
	v34 =	vor.u32 v62, v12;
	v18 =	vld.idx.msk [tilespmem:v18+s5+$0x0], $0xffff  }
0x1cd: {  	v23 =	vor.u32 v40, v3;
	v36 =	vor.u32 v62, v3;
	v57 =	vld.idx.msk [tilespmem:v22+s5+$0x0], $0xffff;
	v30 =	vmul.f32 v9, v28  }
0x1ce: {  	v44 =	vor.u32 v58, v0;
	v16 =	vld.idx.msk [tilespmem:v16+s5+$0x0], $0xffff;
	v32 =	vmul.f32 v2, v27;
	v48 =	vmul.f32 v10, v27  }
0x1cf: {  	v9 =	vld.idx.msk [tilespmem:v19+s5+$0x0], $0xffff;
	v2 =	vor.u32 v58, v3;
	v39 =	vmul.f32 v13, v27;
	v38 =	vmul.f32 v14, v26  }
0x1d0: {  	v19 =	vor.u32 v63, v12;
	v8 =	vmul.f32 v8, v27;
	v31 =	vmul.f32 v5, v27;
	v5 =	vld.idx.msk [tilespmem:v20+s5+$0x0], $0xffff  }
0x1d1: {  	v0 =	vld.idx.msk [tilespmem:v33+s5+$0x0], $0xffff;
	v13 =	vor.u32 v63, v3;
	v37 =	vmul.f32 v17, v26;
	v3 =	vmul.f32 v18, v29  }
0x1d2: {  	v43 =	vor.u32 v58, v12;
	v14 =	vld.idx.msk [tilespmem:v24+s5+$0x0], $0xffff;
	v52 =	vmul.f32 v4, v27;
	v49 =	vmul.f32 v7, v28  }
0x1d3: {  	v50 =	vor.u32 v40, v12;
	v53 =	vld.idx.msk [tilespmem:v23+s5+$0x0], $0xffff;
	v1 =	vmul.f32 v1, v27;
	v22 =	vmul.f32 v57, v29  }
0x1d4: {  	v33 =	vmul.f32 v6, v28;
	v57 =	vmul.f32 v16, v29;
	v3 =	vadd.f32 v3, v35;
	v2 =	vld.idx.msk [tilespmem:v2+s5+$0x0], $0xffff  }
0x1d5: {  	v55 =	vld.idx.msk [tilespmem:v21+s5+$0x0], $0xffff;
	v18 =	vmovc v40;
	v40 =	vimm.f32 $0.0e+00;
	v6 =	vadd.f32 v22, v35;
	v7 =	vmul.f32 v5, v29  }
0x1d6: {  	v45 =	vadd.f32 v57, v35;
	v1 =	vadd.f32 v1, v3;
	v4 =	vmul.f32 v9, v29;
	v51 =	vld.idx.msk [tilespmem:v19+s5+$0x0], $0xffff  }
0x1d7: {  	v3 =	vmul.f32 v11, v28;
	v46 =	vmul.f32 v14, v29;
	v54 =	vld.idx.msk [tilespmem:v13+s5+$0x0], $0xffff;
	v7 =	vadd.f32 v7, v35  }
0x1d8: {  	v47 =	vadd.f32 v33, v1;
	v33 =	vmul.f32 v15, v26;
	v1 =	vld.idx.msk [tilespmem:v36+s5+$0x0], $0xffff;
	v5 =	vadd.f32 v4, v35  }
0x1d9: {  	s3 =	simm.s32 $0x4;
	v4 =	vld.idx.msk [tilespmem:v25+s5+$0x0], $0xffff;
	v36 =	vmul.f32 v2, v28;
	v42 =	vadd.f32 v8, v7;
	v7 =	vmul.f32 v0, v29  }
.LBB2_12:
0x1da: {  	v0 =	vadd.f32 v52, v5;
	v5 =	vld.idx.msk [tilespmem:v34+s5+$0x0], $0xffff  }
0x1db: {  	s0 =	sadd.s32 $0x1, s3;
	v57 =	vlaneseq.u32;
	v9 =	vld.idx.msk [tilespmem:v50+s5+$0x0], $0xffff  }
0x1dc: {  	s25 =	sadd.s32 $0x4, s25;
	v12 =	vld.idx.msk [tilespmem:v44+s5+$0x0], $0xffff;
	v8 =	vadd.s32 s0, v57  }
0x1dd: {  	v2 =	vadd.f32 v48, v6;
	v14 =	vld [tilespmem:s25+$0xFFFFFFFF];
	v8 =	vand.u32 $0x7F, v8  }
0x1de: {  	v22 =	vld [tilespmem:s25+$0x1];
	v10 =	vor.u32 v59, v8  }
0x1df: {  	v4 =	vmul.f32 v4, v29;
	v2 =	vadd.f32 v3, v2;
	v3 =	vld.idx.msk [tilespmem:v43+s5+$0x0], $0xffff;
	v15 =	vor.u32 v62, v8  }
0x1e0: {  	s28 =	smov.u32 s3;
	v29 =	vld [tilespmem:s25+$0xFFFFFFFE];
	v11 =	vor.u32 v18, v8;
	v18 =	vor.u32 v60, v8;
	v13 =	vmul.f32 v53, v28  }
0x1e1: {  	s30 =	sadd.s32 $0x2, s28;
	v52 =	vor.u32 v61, v8;
	v19 =	vmul.f32 v54, v28;
	v1 =	vmul.f32 v1, v28;
	v28 =	vld [tilespmem:s25+$0x0]  }
0x1e2: {  	v16 =	vadd.s32 s30, v57;
	v12 =	vmul.f32 v12, v27;
	v27 =	vld [tilespmem:$0x1FF60]  }
0x1e3: {  	v7 =	vadd.f32 v7, v35;
	v16 =	vand.u32 $0x7F, v16;
	v24 =	vor.u32 v63, v8;
	v10 =	vld.idx.msk [tilespmem:v10+s5+$0x0], $0xffff  }
0x1e4: {  	v31 =	vadd.f32 v31, v45;
	v20 =	vor.u32 v61, v16;
	v15 =	vld.idx.msk [tilespmem:v15+s5+$0x0], $0xffff  }
0x1e5: {  	v0 =	vadd.f32 v49, v0;
	v7 =	vadd.f32 v39, v7;
	v21 =	vor.u32 v59, v16;
	v18 =	vld.idx.msk [tilespmem:v18+s5+$0x0], $0xffff  }
0x1e6: {  	v6 =	vmul.f32 v51, v26;
	v17 =	vmul.f32 v55, v26;
	v23 =	vor.u32 v60, v16;
	v45 =	vld.idx.msk [tilespmem:v52+s5+$0x0], $0xffff  }
0x1e7: {  	s31 =	sadd.s32 $0x3, s28;
	v0 =	vadd.f32 v37, v0;
	v4 =	vadd.f32 v4, v40;
	v25 =	vor.u32 v56, v16;
	v11 =	vld.idx.msk [tilespmem:v11+s5+$0x0], $0xffff  }
0x1e8: {  	v53 =	vadd.s32 s31, v57;
	v37 =	vadd.f32 v46, v41;
	v7 =	vadd.f32 v19, v7;
	v24 =	vld.idx.msk [tilespmem:v24+s5+$0x0], $0xffff  }
0x1e9: {  	v19 =	vor.u32 v56, v8;
	v17 =	vadd.f32 v17, v47;
	v47 =	vand.u32 $0x7F, v53;
	v20 =	vld.idx.msk [tilespmem:v20+s5+$0x0], $0xffff  }
0x1ea: {  	v9 =	vmul.f32 v9, v26;
	v5 =	vmul.f32 v5, v26;
	v54 =	vor.u32 v61, v47;
	v21 =	vld.idx.msk [tilespmem:v21+s5+$0x0], $0xffff  }
0x1eb: {  	v3 =	vmul.f32 v3, v26;
	v26 =	vmov v22;
	v39 =	vor.u32 v56, v47;
	v22 =	vld.idx.msk [tilespmem:v23+s5+$0x0], $0xffff  }
0x1ec: {  	v41 =	vadd.f32 v30, v42;
	v30 =	vadd.s32 s28, v57;
	v43 =	vor.u32 v60, v47;
	v25 =	vld.idx.msk [tilespmem:v25+s5+$0x0], $0xffff  }
0x1ed: {  	v4 =	vadd.f32 v32, v4;
	v42 =	vor.u32 v27, v16;
	v27 =	vmovc v14;
	v14 =	vand.u32 $0x7F, v30;
	v30 =	vld [tilespmem:$0x1FF60]  }
0x1ee: {  	v19 =	vld.idx.msk [tilespmem:v19+s5+$0x0], $0xffff  }
0x1ef: {  	v2 =	vadd.f32 v38, v2;
	v1 =	vadd.f32 v1, v4;
	v32 =	vor.u32 v59, v14;
	v38 =	vld.idx.msk [tilespmem:v54+s5+$0x0], $0xffff  }
0x1f0: {  	v13 =	vadd.f32 v13, v31;
	v34 =	vor.u32 v62, v47;
	v44 =	vor.u32 v60, v14;
	v57 =	vld.idx.msk [tilespmem:v39+s5+$0x0], $0xffff  }
0x1f1: {  	v12 =	vadd.f32 v12, v37;
	v40 =	vadd.f32 v5, v1;
	v48 =	vor.u32 v56, v14;
	v5 =	vld.idx.msk [tilespmem:v43+s5+$0x0], $0xffff  }
0x1f2: {  	v35 =	vadd.f32 v6, v7;
	v6 =	vor.u32 v61, v14;
	v52 =	vmul.f32 v18, v27;
	v18 =	vld [tilespmem:$0x1FF60]  }
0x1f3: {  	v9 =	vadd.f32 v9, v13;
	v23 =	vor.u32 v59, v47;
	v1 =	vor.u32 v58, v14;
	v53 =	vld.idx.msk [tilespmem:v42+s5+$0x0], $0xffff  }
0x1f4: {  	v7 =	vor.u32 v62, v14;
	v4 =	vor.u32 v63, v14;
	v31 =	vmul.f32 v11, v27;
	v55 =	vld.idx.msk [tilespmem:v32+s5+$0x0], $0xffff  }
0x1f5: {  	v46 =	vor.u32 v30, v14;
	v30 =	vmul.f32 v25, v28;
	v25 =	vadd.f32 v33, v41;
	v33 =	vld.idx.msk [tilespmem:v44+s5+$0x0], $0xffff  }
0x1f6: {  	v54 =	vor.u32 v63, v16;
	v39 =	vmul.f32 v24, v27;
	v10 =	vmul.f32 v10, v27;
	v11 =	vld.idx.msk [tilespmem:v48+s5+$0x0], $0xffff  }
0x1f7: {  	v44 =	vor.u32 v58, v8;
	v8 =	vadd.f32 v36, v12;
	v12 =	vor.u32 v58, v16;
	v6 =	vld.idx.msk [tilespmem:v6+s5+$0x0], $0xffff  }
0x1f8: {  	v49 =	vmul.f32 v22, v28;
	v48 =	vmul.f32 v45, v27;
	v45 =	vor.u32 v63, v47;
	v1 =	vld.idx.msk [tilespmem:v1+s5+$0x0], $0xffff  }
0x1f9: {  	v56 =	vor.u32 v62, v16;
	v32 =	vmul.f32 v15, v27;
	v15 =	vmul.f32 v19, v27;
	v36 =	vld.idx.msk [tilespmem:v4+s5+$0x0], $0xffff  }
0x1fa: {  	v38 =	vmul.f32 v38, v26;
	v41 =	vadd.f32 v3, v8;
	v8 =	vld.idx.msk [tilespmem:v46+s5+$0x0], $0xffff;
	v3 =	vmul.f32 v55, v29  }
0x1fb: {  	v43 =	vor.u32 v58, v47;
	v37 =	vmul.f32 v5, v26;
	v54 =	vld.idx.msk [tilespmem:v54+s5+$0x0], $0xffff;
	v4 =	vmul.f32 v33, v29  }
0x1fc: {  	p0 =	slt.u32 s3, $0x7C;
	v50 =	vor.u32 v18, v47;
	v12 =	vld.idx.msk [tilespmem:v12+s5+$0x0], $0xffff;
	v11 =	vmul.f32 v11, v29;
	v3 =	vadd.f32 v3, v17  }
.Ltmp5:
0x1fd: {  	v51 =	vld.idx.msk [tilespmem:v45+s5+$0x0], $0xffff;
	v46 =	vmul.f32 v1, v29;
	v5 =	vadd.f32 v4, v0;
	v0 =	vmul.f32 v6, v29;
	(pc) =	sbr.rel @p0 .LBB2_12-.Ltmp5, $4  }
0x1fe: {  	v4 =	vld.idx.msk [tilespmem:v7+s5+$0x0], $0xffff;
	v7 =	vmul.f32 v21, v28;
	v11 =	vadd.f32 v11, v25;
	v10 =	vadd.f32 v10, v3  }
0x1ff: {  	v55 =	vld.idx.msk [tilespmem:v23+s5+$0x0], $0xffff;
	v33 =	vmul.f32 v57, v26;
	v6 =	vadd.f32 v0, v2;
	v0 =	vmul.f32 v8, v29  }
0x200: {  	s26 =	sadd.s32 $0x4, s3;
	v1 =	vld.idx.msk [tilespmem:v56+s5+$0x0], $0xffff;
	v3 =	vmul.f32 v20, v28;
	v42 =	vadd.f32 v15, v11;
	v47 =	vadd.f32 v7, v10  }
0x201: {  	s3 =	smov.u32 s26;
	v56 =	vld [tilespmem:$0x1FF80];
	v7 =	vmul.f32 v36, v29;
	v45 =	vadd.f32 v0, v9;
	v36 =	vmul.f32 v12, v28  }
0x202: {  	_ =	sdelay $0x3  }
0x203: {  	v0 =	vadd.f32 v52, v5;
	v2 =	vadd.f32 v48, v6;
	v6 =	vld.idx.msk [tilespmem:v44+s5+$0x0], $0xffff;
	v10 =	vmul.f32 v54, v28  }
0x204: {  	v12 =	vadd.f32 v46, v41;
	v4 =	vmul.f32 v4, v29;
	v61 =	vadd.f32 v7, v35  }
0x205: {  	v9 =	vld.idx.msk [tilespmem:v50+s5+$0x0], $0xffff;
	v62 =	vmul.f32 v51, v26;
	v13 =	vadd.f32 v31, v45;
	v2 =	vadd.f32 v3, v2  }
0x206: {  	v7 =	vld.idx.msk [tilespmem:v34+s5+$0x0], $0xffff;
	v0 =	vadd.f32 v49, v0;
	v8 =	vmul.f32 v55, v26;
	v4 =	vadd.f32 v4, v40  }
0x207: {  	v11 =	vld.idx.msk [tilespmem:v43+s5+$0x0], $0xffff;
	v3 =	vmul.f32 v53, v28;
	v5 =	vadd.f32 v39, v61;
	v2 =	vadd.f32 v38, v2  }
0x208: {  	v0 =	vadd.f32 v37, v0;
	v8 =	vadd.f32 v8, v47;
	v6 =	vmul.f32 v6, v27  }
0x209: {  	v1 =	vmul.f32 v1, v28;
	v4 =	vadd.f32 v32, v4;
	v5 =	vadd.f32 v10, v5  }
0x20a: {  	v3 =	vadd.f32 v3, v13;
	[tilespmem:$0x1546E] =	vst v8;
	v8 =	vmul.f32 v9, v26;
	v6 =	vadd.f32 v6, v12  }
0x20b: {  	v7 =	vmul.f32 v7, v26;
	[tilespmem:$0x1547E] =	vst v0;
	v1 =	vadd.f32 v1, v4;
	v4 =	vadd.f32 v62, v5  }
0x20c: {  	v0 =	vmul.f32 v11, v26;
	[tilespmem:$0x1548E] =	vst v2;
	v3 =	vadd.f32 v8, v3;
	v63 =	vadd.f32 v36, v6  }
0x20d: {  	v2 =	vadd.f32 v30, v42;
	v1 =	vadd.f32 v7, v1;
	[tilespmem:$0x154AE] =	vst v4  }
0x20e: {  	[tilespmem:$0x154BE] =	vst v3;
	v0 =	vadd.f32 v0, v63  }
0x20f: {  	[tilespmem:$0x1549E] =	vst v1;
	v1 =	vadd.f32 v33, v2  }
0x210: {  	[tilespmem:$0x154CE] =	vst v0  }
0x211: {  	[tilespmem:$0x154DE] =	vst v1  }
0x212: {  	[hbm4b:s12+s5] =	stream.linear.scatter [tilespmem:s23], [sflag:$0x5], $0x370, $0x38;
	[tilespmem:$0x15500] =	vst v63  }
0x213: {  	_ =	swait.ge [sflag:s16], $0x370  }
0x214: {  	v17 =	vld [tilespmem:$0x1FF40]  }
0x215: {  	s24 =	sadd.s32 $0x1, s24;
	v20 =	vld [tilespmem:$0x1FF90]  }
0x216: {  	p0 =	sne.s32 s24, s13;
	v21 =	vld [tilespmem:$0x1FFA0]  }
.Ltmp6:
0x217: {  	v22 =	vld [tilespmem:$0x1FFB0];
	(pc) =	sbr.rel @p0 .LBB2_1-.Ltmp6, $4  }
0x218: {  	v8 =	vld [tilespmem:$0x1FFF0]  }
0x219: {  	v23 =	vld [tilespmem:$0x1FFC0]  }
0x21a: {  	[sflag:s16] =	ssyncset.done $0x0;
	v24 =	vld [tilespmem:$0x1FFD0]  }
0x21b: {  	v0 =	vlaneseq.u32;
	v25 =	vld [tilespmem:$0x1FFE0];
	[sflag:s16] =	ssyncadd.s32 $0xFFFFFC90  }
0x21c: {  	_ =	sfence.sel $0x180000  }
0x21d: {  	[bflag:$0x0] =	sbarrier.arrive $0xFFFF  }
0x21e: {  	_ =	strace $0x90000047  }
0x21f: {  	s0 =	stileid.u32;
	[bflag:$0x2] =	sbarrier.arrive $0xFFFF  }
0x220: {  	p0 =	sne.s32 s0, $0x0;
	s0 =	rddreg [dreg:$0x3]  }
0x221: {  	s0 =	sadd.s32 @!p0 $0x100000, s0  }
0x222: {  	[sflag:s0] =	ssyncadd.tile.s32 @!p0 $0x1;
	_ =	shalt  }
.Lfunc_end2:
_tile_overlayer_lowered:
.L_overlay_start_2:
0x223: {  	(tag) =	ssettag $0x2  }
0x224: {  	s0 =	rddreg [dreg:$0x0];
	s2 =	stileid.u32  }
0x225: {  	s1 =	rddreg [dreg:$0x1];
	p0 =	sne.s32 s2, $0x0  }
0x226: {  	s3 =	rddreg [dreg:$0x2];
	[bflag:$0x3] =	sbarrier.arrive $0xFFFF;
	s2 =	simm.s32 @!p0 $0x1C05  }
0x227: {  	[timem:s3], [sflag:s2] =	dma.local @!p0 [hbm:s0], s1  }
0x228: {  	s0 =	simm.s32 @!p0 $0x5  }
0x229: {  	_ =	swait.ge @!p0 [sflag:s0], s1  }
0x22a: {  	s1 =	ssub.s32 @!p0 $0x0, s1;
	[sflag:s0] =	ssyncset.done @!p0 $0x0  }
0x22b: {  	[sflag:s0] =	ssyncadd.s32 @!p0 s1  }
0x22c: {  	[bflag:$0x3] =	sbarrier.arrive $0xFFFF  }
0x22d: {  	_ =	shalt  }

</sc_bundles>
